<compile_context>
chip_gen: v7x
topology: tpu7x:2x2x1
jax: 0.10.2.dev20260603
libtpu: 0.0.44.dev20260713+nightly
codegen_flags: <defaults>
</compile_context>

<pallas_src>
import jax
import jax.numpy as jnp
from jax import lax
from jax.experimental import pallas as pl
from jax.experimental.pallas import tpu as pltpu
from jax.experimental.pallas import tpu_sc as plsc

_NC = 2
_NS = 16
_NW = _NC * _NS
_T = 128
_C = 8
_D = 32
_S = 4
_PP = _S * _D + 1


def _splat(v):
    return jnp.full((16,), v, dtype=jnp.int32)


def _sc_body(piv_hbm, ctx_hbm, g_hbm, km_hbm, ws_hbm, wc_hbm, out_hbm,
             pivall, cidxall, g0, g1, km_v,
             pv0, pv1, ctx0, ctx1, out0, out1, pvp,
             semi0, semi1, semg0, semg1, semo0, semo1):
    gv = (g0, g1)
    pv = (pv0, pv1)
    ctxv = (ctx0, ctx1)
    outv = (out0, out1)
    semi = (semi0, semi1)
    semg = (semg0, semg1)
    semo = (semo0, semo1)

    wid = lax.axis_index("s") * _NC + lax.axis_index("c")
    tok_per_w = out_hbm.shape[0] // _NW
    n_chunks = tok_per_w // _T
    pltpu.sync_copy(km_hbm, km_v)
    pltpu.sync_copy(piv_hbm.at[pl.ds(pl.multiple_of(wid * tok_per_w, _T),
                                     tok_per_w)], pivall)
    pltpu.sync_copy(ctx_hbm.at[pl.ds(pl.multiple_of(wid * tok_per_w * _C, _T),
                                     tok_per_w * _C)], cidxall)
    kvec = km_v[...]
    iota = lax.iota(jnp.int32, 16)

    def tokbase(ch):
        return pl.multiple_of(wid * tok_per_w + ch * _T, 16)

    def g_copy(ch, b):
        tb = tokbase(ch)
        return pltpu.make_async_copy(g_hbm.at[pl.ds(tb * _S, _T * _S)],
                                     gv[b], semi[b])

    def gather_copies(ch, b):
        poff = pl.multiple_of(ch * _T, _T)
        cps = [(pltpu.make_async_copy(
            ws_hbm.at[pivall.at[pl.ds(poff, _T)]], pv[b], semg[b]), False)]
        for c in range(_C):
            coff = pl.multiple_of(ch * _T * _C + c * _T, _T)
            cps.append((pltpu.make_async_copy(
                wc_hbm.at[cidxall.at[pl.ds(coff, _T)]],
                ctxv[b], semg[b]), True))
        return cps

    def start_gathers(ch, b):
        for cp, add in gather_copies(ch, b):
            cp.start(add=add)

    def wait_gathers(ch, b):
        for cp, _ in gather_copies(ch, b):
            cp.wait()

    def out_copy(ch, b):
        tb = tokbase(ch)
        return pltpu.make_async_copy(
            outv[b], out_hbm.at[pl.ds(tb, _T)], semo[b])

    def compute(b):
        g_b = gv[b]
        pv_b = pv[b]
        ctx_b = ctxv[b]
        out_b = outv[b]

        def group(g16, inner_carry):
            rowv = iota + g16 * 16

            def repack(k16, rcarry):
                for j in range(16):
                    evec = (iota + (k16 * 16 + j)) & (_S * _D - 1)
                    x = plsc.load_gather(pv_b, [rowv, evec])
                    plsc.store_scatter(pvp, [rowv, evec], x)
                return rcarry

            lax.fori_loop(0, _S * _D // 16, repack, 0)

            def prodstep(k4, prod):
                dvec = (iota + k4) & (_D - 1)
                acc = plsc.load_gather(ctx_b, [rowv, dvec])
                plsc.store_scatter(ctx_b, [rowv, dvec],
                                   jnp.zeros((16,), jnp.float32))
                col4 = dvec * _S
                return tuple(
                    prod[s] + (acc * kvec) * plsc.load_gather(
                        pvp, [rowv, col4 + s])
                    for s in range(_S))

            zero = jnp.zeros((16,), jnp.float32)
            prod = lax.fori_loop(0, _D, prodstep, (zero,) * _S)

            gbase = rowv * _S
            y = [prod[s] - plsc.load_gather(g_b, [gbase + s])
                 for s in range(_S)]
            mx = jnp.maximum(jnp.maximum(y[0], y[1]), jnp.maximum(y[2], y[3]))
            e = [jnp.exp(y[s] - mx) for s in range(_S)]
            den = (e[0] + e[1]) + (e[2] + e[3])
            att = [e[s] / den for s in range(_S)]

            def outstep(k4, ocarry):
                dvec = (iota + k4) & (_D - 1)
                col4 = dvec * _S
                o = att[0] * plsc.load_gather(pvp, [rowv, col4])
                for s in range(1, _S):
                    o = o + att[s] * plsc.load_gather(pvp, [rowv, col4 + s])
                plsc.store_scatter(out_b, [rowv, dvec], o)
                return ocarry

            lax.fori_loop(0, _D, outstep, 0)
            return inner_carry

        lax.fori_loop(0, _T // 16, group, 0)

    def zinit(t, carry):
        z = jnp.zeros((16,), jnp.float32)
        for buf in (ctx0, ctx1):
            buf[t, pl.ds(0, 16)] = z
            buf[t, pl.ds(16, 16)] = z
        return carry

    lax.fori_loop(0, _T, zinit, 0)

    start_gathers(0, 0)
    g_copy(0, 0).start()
    start_gathers(1, 1)
    g_copy(1, 1).start()

    def step(i, carry):
        for b in (0, 1):
            ch = i * 2 + b

            wait_gathers(ch, b)

            @pl.when(ch >= 2)
            def _():
                out_copy(ch - 2, b).wait()

            g_copy(ch, b).wait()
            compute(b)
            out_copy(ch, b).start()

            @pl.when(ch + 2 < n_chunks)
            def _():
                start_gathers(ch + 2, b)
                g_copy(ch + 2, b).start()
        return carry

    lax.fori_loop(0, n_chunks // 2, step, 0)
    out_copy(n_chunks - 2, 0).wait()
    out_copy(n_chunks - 1, 1).wait()


def kernel(pivots, contexts, W_sense, W_ctx, tau, scale):
    Bp, Lp = pivots.shape
    sz = Bp * Lp
    piv = pivots.reshape(sz).astype(jnp.int32)
    ctxf = contexts.astype(jnp.int32).reshape(sz * _C)
    U = jax.random.uniform(jax.random.key(42), (sz, _S), dtype=jnp.float32)
    g2 = ((scale / tau) * jnp.log(-jnp.log(U + 1e-20) + 1e-20)).reshape(-1)
    g2 = jnp.asarray(g2, jnp.float32)
    km = jnp.full((16,), 1.0, jnp.float32) / (_C * tau)

    mesh = plsc.VectorSubcoreMesh(core_axis_name="c", subcore_axis_name="s")
    out = pl.kernel(
        _sc_body,
        out_type=jax.ShapeDtypeStruct((sz, _D), jnp.float32),
        mesh=mesh,
        compiler_params=pltpu.CompilerParams(needs_layout_passes=False,
                                             use_tc_tiling_on_sc=False),
        scratch_types=[
            pltpu.VMEM((sz // _NW,), jnp.int32),
            pltpu.VMEM((sz // _NW * _C,), jnp.int32),
            pltpu.VMEM((_T * _S,), jnp.float32),
            pltpu.VMEM((_T * _S,), jnp.float32),
            pltpu.VMEM((16,), jnp.float32),
            pltpu.VMEM((_T, _S * _D), jnp.float32),
            pltpu.VMEM((_T, _S * _D), jnp.float32),
            pltpu.VMEM((_T, _D), jnp.float32),
            pltpu.VMEM((_T, _D), jnp.float32),
            pltpu.VMEM((_T, _D), jnp.float32),
            pltpu.VMEM((_T, _D), jnp.float32),
            pltpu.VMEM((_T, _PP), jnp.float32),
            pltpu.SemaphoreType.DMA,
            pltpu.SemaphoreType.DMA,
            pltpu.SemaphoreType.DMA,
            pltpu.SemaphoreType.DMA,
            pltpu.SemaphoreType.DMA,
            pltpu.SemaphoreType.DMA,
        ],
    )(piv, ctxf, g2, km, W_sense, W_ctx)
    return out.reshape(Bp, Lp, _D)

# --- scband reference (transcript-rebuilt; emitter-appended) ---
"""Pipeline reference for scband-weighted-sense-embedding-35021163332165 (READ-ONLY COPY).

The authoritative reference and input builder live on the scoring server;
editing this copy changes nothing except your own understanding.
"""

import jax, jax.numpy as jnp
import numpy as np

VOCAB = 1000000
S = 4
D = 32
U = 0.5
B = 4096
L = 50
C = 8


def setup_inputs(seed: int = 0) -> dict:
    key = jax.random.key(seed)
    k1, k2, k3, k4 = jax.random.split(key, 4)
    pivots = jax.random.randint(k1, (B, L), 0, VOCAB, dtype=jnp.int64 if jax.config.jax_enable_x64 else jnp.int32)
    contexts = jax.random.randint(k2, (B * L, C), 0, VOCAB, dtype=jnp.int64 if jax.config.jax_enable_x64 else jnp.int32)
    # FlatTensorEmbedding.reset_parameters: uniform(-u/d_word, u/d_word)
    W_sense = jax.random.uniform(k3, (VOCAB, S * D), minval=-U / D, maxval=U / D, dtype=jnp.float32)
    W_ctx = jax.random.uniform(k4, (VOCAB, D), minval=-U / D, maxval=U / D, dtype=jnp.float32)
    return {"pivots": pivots, "contexts": contexts, "W_sense": W_sense, "W_ctx": W_ctx,
            "tau": jnp.float32(0.5), "scale": jnp.float32(0.5)}


def reference(pivots, contexts, W_sense, W_ctx, tau=0.5, scale=0.5):
    psize = pivots.shape
    sz = psize[0] * psize[1]
    # SenseEmb lookup: [B, L] -> [sz, S*D] -> view(sz, D, S) (row-major, matches torch .view)
    pv = jnp.take(W_sense, pivots.reshape(-1), axis=0).reshape(sz, D, S)
    # ContextEmb lookup: contexts.view(sz, -1) -> [sz, C] -> [sz, C, D]
    ctx = jnp.take(W_ctx, contexts.reshape(sz, -1), axis=0)
    # GumbelSenseAttention
    prod = jnp.squeeze(jnp.matmul(jnp.mean(ctx, axis=1, keepdims=True), pv), axis=1)  # [sz, S]
    Urand = jax.random.uniform(jax.random.key(42), prod.shape, dtype=prod.dtype)
    y = prod - scale * jnp.log(-jnp.log(Urand + 1e-20) + 1e-20)
    att = jax.nn.softmax(y / tau, axis=1)[:, :, None]  # [sz, S, 1]
    emb = jnp.matmul(pv, att).reshape(psize[0], psize[1], -1)  # [B, L, D]
    return emb

if __name__ == "__main__":
    import jax
    _d = setup_inputs()
    print(jax.jit(kernel)(*tuple(_d.values())))

</pallas_src>

<mosaic_0001>
#map = affine_map<(d0, d1) -> (0)>
#map1 = affine_map<(d0, d1) -> (0, 0)>
module attributes {stable_mosaic.version = 14 : i64} {
  func.func @_sc_body(%arg0: i32, %arg1: i32, %arg2: memref<204800xi32, #tpu.memory_space<hbm>>, %arg3: memref<1638400xi32, #tpu.memory_space<hbm>>, %arg4: memref<819200xf32, #tpu.memory_space<hbm>>, %arg5: memref<16xf32, #tpu.memory_space<hbm>>, %arg6: memref<1000000x128xf32, #tpu.memory_space<hbm>>, %arg7: memref<1000000x32xf32, #tpu.memory_space<hbm>>, %arg8: memref<204800x32xf32, #tpu.memory_space<hbm>>, %arg9: memref<6400xi32, #tpu.memory_space<vmem>>, %arg10: memref<51200xi32, #tpu.memory_space<vmem>>, %arg11: memref<512xf32, #tpu.memory_space<vmem>>, %arg12: memref<512xf32, #tpu.memory_space<vmem>>, %arg13: memref<16xf32, #tpu.memory_space<vmem>>, %arg14: memref<128x128xf32, #tpu.memory_space<vmem>>, %arg15: memref<128x128xf32, #tpu.memory_space<vmem>>, %arg16: memref<128x32xf32, #tpu.memory_space<vmem>>, %arg17: memref<128x32xf32, #tpu.memory_space<vmem>>, %arg18: memref<128x32xf32, #tpu.memory_space<vmem>>, %arg19: memref<128x32xf32, #tpu.memory_space<vmem>>, %arg20: memref<128x129xf32, #tpu.memory_space<vmem>>, %arg21: memref<!tpu.dma_semaphore, #tpu.memory_space<semaphore_mem>>, %arg22: memref<!tpu.dma_semaphore, #tpu.memory_space<semaphore_mem>>, %arg23: memref<!tpu.dma_semaphore, #tpu.memory_space<semaphore_mem>>, %arg24: memref<!tpu.dma_semaphore, #tpu.memory_space<semaphore_mem>>, %arg25: memref<!tpu.dma_semaphore, #tpu.memory_space<semaphore_mem>>, %arg26: memref<!tpu.dma_semaphore, #tpu.memory_space<semaphore_mem>>) attributes {dimension_semantics = [#tpu.dimension_semantics<core_parallel>, #tpu.dimension_semantics<subcore_parallel>], iteration_bounds = array<i64: 2, 16>, scalar_prefetch = 0 : i64, scratch_operands = 18 : i64, tpu.core_type = #tpu.core_type<sc_vector_subcore>, window_params = [{transform_indices = #map}, {transform_indices = #map}, {transform_indices = #map}, {transform_indices = #map}, {transform_indices = #map1}, {transform_indices = #map1}, {transform_indices = #map1}]} {
    %mul3A = arith.constant 2 : i32
    %mul3A_0 = arith.muli %arg1, %mul3A : i32
    %add3A = arith.addi %mul3A_0, %arg0 : i32
    "tpu.region"() ({
      %run_scoped3A = tpu.sem_alloc : memref<!tpu.dma_semaphore, #tpu.memory_space<semaphore_mem>>
      tpu.enqueue_dma source(%arg5 : memref<16xf32, #tpu.memory_space<hbm>>) target(%arg13 : memref<16xf32, #tpu.memory_space<vmem>>) target_semaphore(%run_scoped3A : memref<!tpu.dma_semaphore, #tpu.memory_space<semaphore_mem>>)
      tpu.wait_dma2 semaphore(%run_scoped3A : memref<!tpu.dma_semaphore, #tpu.memory_space<semaphore_mem>>) src(%arg5 : memref<16xf32, #tpu.memory_space<hbm>>) dst(%arg13 : memref<16xf32, #tpu.memory_space<vmem>>)
      tpu.yield
    }) : () -> ()
    %mul3A_1 = arith.constant 6400 : i32
    %mul3A_2 = arith.muli %add3A, %mul3A_1 : i32
    %multiple_of3A = tpu.assume_multiple %mul3A_2, 128 : i32
    "tpu.region"() ({
      %run_scoped3A = tpu.sem_alloc : memref<!tpu.dma_semaphore, #tpu.memory_space<semaphore_mem>>
      %dma_start3A_162 = tpu.memref_slice %arg2[%multiple_of3A] : memref<204800xi32, #tpu.memory_space<hbm>> -> memref<6400xi32, #tpu.memory_space<hbm>>
      %dma_start3A_163 = tpu.memref_slice %arg2[%multiple_of3A] : memref<204800xi32, #tpu.memory_space<hbm>> -> memref<6400xi32, #tpu.memory_space<hbm>>
      tpu.enqueue_dma source(%dma_start3A_163 : memref<6400xi32, #tpu.memory_space<hbm>>) target(%arg9 : memref<6400xi32, #tpu.memory_space<vmem>>) target_semaphore(%run_scoped3A : memref<!tpu.dma_semaphore, #tpu.memory_space<semaphore_mem>>)
      %dma_wait3A_164 = tpu.memref_slice %arg2[%multiple_of3A] : memref<204800xi32, #tpu.memory_space<hbm>> -> memref<6400xi32, #tpu.memory_space<hbm>>
      %dma_wait3A_165 = tpu.memref_slice %arg2[%multiple_of3A] : memref<204800xi32, #tpu.memory_space<hbm>> -> memref<6400xi32, #tpu.memory_space<hbm>>
      tpu.wait_dma2 semaphore(%run_scoped3A : memref<!tpu.dma_semaphore, #tpu.memory_space<semaphore_mem>>) src(%dma_wait3A_165 : memref<6400xi32, #tpu.memory_space<hbm>>) dst(%arg9 : memref<6400xi32, #tpu.memory_space<vmem>>)
      tpu.yield
    }) : () -> ()
    %mul3A_3 = arith.constant 6400 : i32
    %mul3A_4 = arith.muli %add3A, %mul3A_3 : i32
    %mul3A_5 = arith.constant 8 : i32
    %mul3A_6 = arith.muli %mul3A_4, %mul3A_5 : i32
    %multiple_of3A_7 = tpu.assume_multiple %mul3A_6, 128 : i32
    "tpu.region"() ({
      %run_scoped3A = tpu.sem_alloc : memref<!tpu.dma_semaphore, #tpu.memory_space<semaphore_mem>>
      %dma_start3A_162 = tpu.memref_slice %arg3[%multiple_of3A_7] : memref<1638400xi32, #tpu.memory_space<hbm>> -> memref<51200xi32, #tpu.memory_space<hbm>>
      %dma_start3A_163 = tpu.memref_slice %arg3[%multiple_of3A_7] : memref<1638400xi32, #tpu.memory_space<hbm>> -> memref<51200xi32, #tpu.memory_space<hbm>>
      tpu.enqueue_dma source(%dma_start3A_163 : memref<51200xi32, #tpu.memory_space<hbm>>) target(%arg10 : memref<51200xi32, #tpu.memory_space<vmem>>) target_semaphore(%run_scoped3A : memref<!tpu.dma_semaphore, #tpu.memory_space<semaphore_mem>>)
      %dma_wait3A_164 = tpu.memref_slice %arg3[%multiple_of3A_7] : memref<1638400xi32, #tpu.memory_space<hbm>> -> memref<51200xi32, #tpu.memory_space<hbm>>
      %dma_wait3A_165 = tpu.memref_slice %arg3[%multiple_of3A_7] : memref<1638400xi32, #tpu.memory_space<hbm>> -> memref<51200xi32, #tpu.memory_space<hbm>>
      tpu.wait_dma2 semaphore(%run_scoped3A : memref<!tpu.dma_semaphore, #tpu.memory_space<semaphore_mem>>) src(%dma_wait3A_165 : memref<51200xi32, #tpu.memory_space<hbm>>) dst(%arg10 : memref<51200xi32, #tpu.memory_space<vmem>>)
      tpu.yield
    }) : () -> ()
    %get3A = arith.constant 0 : index
    %get3A_8 = tpu.vector_load %arg13[%get3A] {strides = array<i32>} : memref<16xf32, #tpu.memory_space<vmem>>, vector<16xf32>,
    %iota3A = tpu.iota {dimensions = array<i32: 0>} : vector<16xi32>
    %scan3A = arith.constant 0 : i32
    %scan3A_9 = arith.constant 0 : i32
    %scan3A_10 = arith.constant 128 : i32
    %scan3A_11 = arith.addi %scan3A_9, %scan3A_10 : i32
    %scan3A_12 = arith.constant 1 : i32
    scf.for %scan3A_162 = %scan3A_9 to %scan3A_11 step %scan3A_12  : i32 {
      %broadcast_in_dim3A = arith.constant 0.000000e+00 : f32
      %broadcast_in_dim3A_163 = vector.broadcast %broadcast_in_dim3A : f32 to vector<16xf32>
      %swap3A = arith.index_cast %scan3A_162 : i32 to index
      %swap3A_164 = arith.constant 0 : index
      %swap3A_165 = tpu.vector_load %arg16[%swap3A, %swap3A_164] {strides = array<i32>} : memref<128x32xf32, #tpu.memory_space<vmem>>, vector<16xf32>,
      tpu.vector_store %arg16[%swap3A, %swap3A_164], %broadcast_in_dim3A_163 {strides = array<i32>} : memref<128x32xf32, #tpu.memory_space<vmem>>, vector<16xf32>,
      %swap3A_166 = arith.index_cast %scan3A_162 : i32 to index
      %swap3A_167 = arith.constant 16 : index
      %swap3A_168 = tpu.vector_load %arg16[%swap3A_166, %swap3A_167] {strides = array<i32>} : memref<128x32xf32, #tpu.memory_space<vmem>>, vector<16xf32>,
      tpu.vector_store %arg16[%swap3A_166, %swap3A_167], %broadcast_in_dim3A_163 {strides = array<i32>} : memref<128x32xf32, #tpu.memory_space<vmem>>, vector<16xf32>,
      %swap3A_169 = arith.index_cast %scan3A_162 : i32 to index
      %swap3A_170 = arith.constant 0 : index
      %swap3A_171 = tpu.vector_load %arg17[%swap3A_169, %swap3A_170] {strides = array<i32>} : memref<128x32xf32, #tpu.memory_space<vmem>>, vector<16xf32>,
      tpu.vector_store %arg17[%swap3A_169, %swap3A_170], %broadcast_in_dim3A_163 {strides = array<i32>} : memref<128x32xf32, #tpu.memory_space<vmem>>, vector<16xf32>,
      %swap3A_172 = arith.index_cast %scan3A_162 : i32 to index
      %swap3A_173 = arith.constant 16 : index
      %swap3A_174 = tpu.vector_load %arg17[%swap3A_172, %swap3A_173] {strides = array<i32>} : memref<128x32xf32, #tpu.memory_space<vmem>>, vector<16xf32>,
      tpu.vector_store %arg17[%swap3A_172, %swap3A_173], %broadcast_in_dim3A_163 {strides = array<i32>} : memref<128x32xf32, #tpu.memory_space<vmem>>, vector<16xf32>,
    }
    %scan3A_13 = arith.constant 128 : i32
    %multiple_of3A_14 = arith.constant 0 : i32
    %multiple_of3A_15 = tpu.assume_multiple %multiple_of3A_14, 128 : i32
    %multiple_of3A_16 = arith.constant 0 : i32
    %multiple_of3A_17 = tpu.assume_multiple %multiple_of3A_16, 128 : i32
    %multiple_of3A_18 = arith.constant 128 : i32
    %multiple_of3A_19 = tpu.assume_multiple %multiple_of3A_18, 128 : i32
    %multiple_of3A_20 = arith.constant 256 : i32
    %multiple_of3A_21 = tpu.assume_multiple %multiple_of3A_20, 128 : i32
    %multiple_of3A_22 = arith.constant 384 : i32
    %multiple_of3A_23 = tpu.assume_multiple %multiple_of3A_22, 128 : i32
    %multiple_of3A_24 = arith.constant 512 : i32
    %multiple_of3A_25 = tpu.assume_multiple %multiple_of3A_24, 128 : i32
    %multiple_of3A_26 = arith.constant 640 : i32
    %multiple_of3A_27 = tpu.assume_multiple %multiple_of3A_26, 128 : i32
    %multiple_of3A_28 = arith.constant 768 : i32
    %multiple_of3A_29 = tpu.assume_multiple %multiple_of3A_28, 128 : i32
    %multiple_of3A_30 = arith.constant 896 : i32
    %multiple_of3A_31 = tpu.assume_multiple %multiple_of3A_30, 128 : i32
    %dma_start3A = tpu.memref_slice %arg9[%multiple_of3A_15] : memref<6400xi32, #tpu.memory_space<vmem>> -> memref<128xi32, #tpu.memory_space<vmem>>
    %dma_start3A_32 = arith.constant 0 : i32
    %dma_start3A_33 = arith.constant 0 : i32
    %dma_start3A_34 = tpu.memref_slice %arg6[%dma_start3A_32, %dma_start3A_33] : memref<1000000x128xf32, #tpu.memory_space<hbm>> -> memref<1000000x128xf32, #tpu.memory_space<hbm>>
    tpu.enqueue_indirect_dma source(%dma_start3A_34 : memref<1000000x128xf32, #tpu.memory_space<hbm>>) target(%arg14 : memref<128x128xf32, #tpu.memory_space<vmem>>) offsets(%dma_start3A : memref<128xi32, #tpu.memory_space<vmem>>) semaphore(%arg23 : memref<!tpu.dma_semaphore, #tpu.memory_space<semaphore_mem>>)
    %dma_start3A_35 = tpu.memref_slice %arg10[%multiple_of3A_17] : memref<51200xi32, #tpu.memory_space<vmem>> -> memref<128xi32, #tpu.memory_space<vmem>>
    %dma_start3A_36 = arith.constant 0 : i32
    %dma_start3A_37 = arith.constant 0 : i32
    %dma_start3A_38 = tpu.memref_slice %arg7[%dma_start3A_36, %dma_start3A_37] : memref<1000000x32xf32, #tpu.memory_space<hbm>> -> memref<1000000x32xf32, #tpu.memory_space<hbm>>
    tpu.enqueue_indirect_dma source(%dma_start3A_38 : memref<1000000x32xf32, #tpu.memory_space<hbm>>) target(%arg16 : memref<128x32xf32, #tpu.memory_space<vmem>>) offsets(%dma_start3A_35 : memref<128xi32, #tpu.memory_space<vmem>>) semaphore(%arg23 : memref<!tpu.dma_semaphore, #tpu.memory_space<semaphore_mem>>) {add = true}
    %dma_start3A_39 = tpu.memref_slice %arg10[%multiple_of3A_19] : memref<51200xi32, #tpu.memory_space<vmem>> -> memref<128xi32, #tpu.memory_space<vmem>>
    %dma_start3A_40 = arith.constant 0 : i32
    %dma_start3A_41 = arith.constant 0 : i32
    %dma_start3A_42 = tpu.memref_slice %arg7[%dma_start3A_40, %dma_start3A_41] : memref<1000000x32xf32, #tpu.memory_space<hbm>> -> memref<1000000x32xf32, #tpu.memory_space<hbm>>
    tpu.enqueue_indirect_dma source(%dma_start3A_42 : memref<1000000x32xf32, #tpu.memory_space<hbm>>) target(%arg16 : memref<128x32xf32, #tpu.memory_space<vmem>>) offsets(%dma_start3A_39 : memref<128xi32, #tpu.memory_space<vmem>>) semaphore(%arg23 : memref<!tpu.dma_semaphore, #tpu.memory_space<semaphore_mem>>) {add = true}
    %dma_start3A_43 = tpu.memref_slice %arg10[%multiple_of3A_21] : memref<51200xi32, #tpu.memory_space<vmem>> -> memref<128xi32, #tpu.memory_space<vmem>>
    %dma_start3A_44 = arith.constant 0 : i32
    %dma_start3A_45 = arith.constant 0 : i32
    %dma_start3A_46 = tpu.memref_slice %arg7[%dma_start3A_44, %dma_start3A_45] : memref<1000000x32xf32, #tpu.memory_space<hbm>> -> memref<1000000x32xf32, #tpu.memory_space<hbm>>
    tpu.enqueue_indirect_dma source(%dma_start3A_46 : memref<1000000x32xf32, #tpu.memory_space<hbm>>) target(%arg16 : memref<128x32xf32, #tpu.memory_space<vmem>>) offsets(%dma_start3A_43 : memref<128xi32, #tpu.memory_space<vmem>>) semaphore(%arg23 : memref<!tpu.dma_semaphore, #tpu.memory_space<semaphore_mem>>) {add = true}
    %dma_start3A_47 = tpu.memref_slice %arg10[%multiple_of3A_23] : memref<51200xi32, #tpu.memory_space<vmem>> -> memref<128xi32, #tpu.memory_space<vmem>>
    %dma_start3A_48 = arith.constant 0 : i32
    %dma_start3A_49 = arith.constant 0 : i32
    %dma_start3A_50 = tpu.memref_slice %arg7[%dma_start3A_48, %dma_start3A_49] : memref<1000000x32xf32, #tpu.memory_space<hbm>> -> memref<1000000x32xf32, #tpu.memory_space<hbm>>
    tpu.enqueue_indirect_dma source(%dma_start3A_50 : memref<1000000x32xf32, #tpu.memory_space<hbm>>) target(%arg16 : memref<128x32xf32, #tpu.memory_space<vmem>>) offsets(%dma_start3A_47 : memref<128xi32, #tpu.memory_space<vmem>>) semaphore(%arg23 : memref<!tpu.dma_semaphore, #tpu.memory_space<semaphore_mem>>) {add = true}
    %dma_start3A_51 = tpu.memref_slice %arg10[%multiple_of3A_25] : memref<51200xi32, #tpu.memory_space<vmem>> -> memref<128xi32, #tpu.memory_space<vmem>>
    %dma_start3A_52 = arith.constant 0 : i32
    %dma_start3A_53 = arith.constant 0 : i32
    %dma_start3A_54 = tpu.memref_slice %arg7[%dma_start3A_52, %dma_start3A_53] : memref<1000000x32xf32, #tpu.memory_space<hbm>> -> memref<1000000x32xf32, #tpu.memory_space<hbm>>
    tpu.enqueue_indirect_dma source(%dma_start3A_54 : memref<1000000x32xf32, #tpu.memory_space<hbm>>) target(%arg16 : memref<128x32xf32, #tpu.memory_space<vmem>>) offsets(%dma_start3A_51 : memref<128xi32, #tpu.memory_space<vmem>>) semaphore(%arg23 : memref<!tpu.dma_semaphore, #tpu.memory_space<semaphore_mem>>) {add = true}
    %dma_start3A_55 = tpu.memref_slice %arg10[%multiple_of3A_27] : memref<51200xi32, #tpu.memory_space<vmem>> -> memref<128xi32, #tpu.memory_space<vmem>>
    %dma_start3A_56 = arith.constant 0 : i32
    %dma_start3A_57 = arith.constant 0 : i32
    %dma_start3A_58 = tpu.memref_slice %arg7[%dma_start3A_56, %dma_start3A_57] : memref<1000000x32xf32, #tpu.memory_space<hbm>> -> memref<1000000x32xf32, #tpu.memory_space<hbm>>
    tpu.enqueue_indirect_dma source(%dma_start3A_58 : memref<1000000x32xf32, #tpu.memory_space<hbm>>) target(%arg16 : memref<128x32xf32, #tpu.memory_space<vmem>>) offsets(%dma_start3A_55 : memref<128xi32, #tpu.memory_space<vmem>>) semaphore(%arg23 : memref<!tpu.dma_semaphore, #tpu.memory_space<semaphore_mem>>) {add = true}
    %dma_start3A_59 = tpu.memref_slice %arg10[%multiple_of3A_29] : memref<51200xi32, #tpu.memory_space<vmem>> -> memref<128xi32, #tpu.memory_space<vmem>>
    %dma_start3A_60 = arith.constant 0 : i32
    %dma_start3A_61 = arith.constant 0 : i32
    %dma_start3A_62 = tpu.memref_slice %arg7[%dma_start3A_60, %dma_start3A_61] : memref<1000000x32xf32, #tpu.memory_space<hbm>> -> memref<1000000x32xf32, #tpu.memory_space<hbm>>
    tpu.enqueue_indirect_dma source(%dma_start3A_62 : memref<1000000x32xf32, #tpu.memory_space<hbm>>) target(%arg16 : memref<128x32xf32, #tpu.memory_space<vmem>>) offsets(%dma_start3A_59 : memref<128xi32, #tpu.memory_space<vmem>>) semaphore(%arg23 : memref<!tpu.dma_semaphore, #tpu.memory_space<semaphore_mem>>) {add = true}
    %dma_start3A_63 = tpu.memref_slice %arg10[%multiple_of3A_31] : memref<51200xi32, #tpu.memory_space<vmem>> -> memref<128xi32, #tpu.memory_space<vmem>>
    %dma_start3A_64 = arith.constant 0 : i32
    %dma_start3A_65 = arith.constant 0 : i32
    %dma_start3A_66 = tpu.memref_slice %arg7[%dma_start3A_64, %dma_start3A_65] : memref<1000000x32xf32, #tpu.memory_space<hbm>> -> memref<1000000x32xf32, #tpu.memory_space<hbm>>
    tpu.enqueue_indirect_dma source(%dma_start3A_66 : memref<1000000x32xf32, #tpu.memory_space<hbm>>) target(%arg16 : memref<128x32xf32, #tpu.memory_space<vmem>>) offsets(%dma_start3A_63 : memref<128xi32, #tpu.memory_space<vmem>>) semaphore(%arg23 : memref<!tpu.dma_semaphore, #tpu.memory_space<semaphore_mem>>) {add = true}
    %mul3A_67 = arith.constant 6400 : i32
    %mul3A_68 = arith.muli %add3A, %mul3A_67 : i32
    %add3A_69 = arith.constant 0 : i32
    %add3A_70 = arith.addi %mul3A_68, %add3A_69 : i32
    %multiple_of3A_71 = tpu.assume_multiple %add3A_70, 16 : i32
    %mul3A_72 = arith.constant 4 : i32
    %mul3A_73 = arith.muli %multiple_of3A_71, %mul3A_72 : i32
    %dma_start3A_74 = tpu.memref_slice %arg4[%mul3A_73] : memref<819200xf32, #tpu.memory_space<hbm>> -> memref<512xf32, #tpu.memory_space<hbm>>
    %dma_start3A_75 = tpu.memref_slice %arg4[%mul3A_73] : memref<819200xf32, #tpu.memory_space<hbm>> -> memref<512xf32, #tpu.memory_space<hbm>>
    tpu.enqueue_dma source(%dma_start3A_75 : memref<512xf32, #tpu.memory_space<hbm>>) target(%arg11 : memref<512xf32, #tpu.memory_space<vmem>>) target_semaphore(%arg21 : memref<!tpu.dma_semaphore, #tpu.memory_space<semaphore_mem>>)
    %multiple_of3A_76 = arith.constant 128 : i32
    %multiple_of3A_77 = tpu.assume_multiple %multiple_of3A_76, 128 : i32
    %multiple_of3A_78 = arith.constant 1024 : i32
    %multiple_of3A_79 = tpu.assume_multiple %multiple_of3A_78, 128 : i32
    %multiple_of3A_80 = arith.constant 1152 : i32
    %multiple_of3A_81 = tpu.assume_multiple %multiple_of3A_80, 128 : i32
    %multiple_of3A_82 = arith.constant 1280 : i32
    %multiple_of3A_83 = tpu.assume_multiple %multiple_of3A_82, 128 : i32
    %multiple_of3A_84 = arith.constant 1408 : i32
    %multiple_of3A_85 = tpu.assume_multiple %multiple_of3A_84, 128 : i32
    %multiple_of3A_86 = arith.constant 1536 : i32
    %multiple_of3A_87 = tpu.assume_multiple %multiple_of3A_86, 128 : i32
    %multiple_of3A_88 = arith.constant 1664 : i32
    %multiple_of3A_89 = tpu.assume_multiple %multiple_of3A_88, 128 : i32
    %multiple_of3A_90 = arith.constant 1792 : i32
    %multiple_of3A_91 = tpu.assume_multiple %multiple_of3A_90, 128 : i32
    %multiple_of3A_92 = arith.constant 1920 : i32
    %multiple_of3A_93 = tpu.assume_multiple %multiple_of3A_92, 128 : i32
    %dma_start3A_94 = tpu.memref_slice %arg9[%multiple_of3A_77] : memref<6400xi32, #tpu.memory_space<vmem>> -> memref<128xi32, #tpu.memory_space<vmem>>
    %dma_start3A_95 = arith.constant 0 : i32
    %dma_start3A_96 = arith.constant 0 : i32
    %dma_start3A_97 = tpu.memref_slice %arg6[%dma_start3A_95, %dma_start3A_96] : memref<1000000x128xf32, #tpu.memory_space<hbm>> -> memref<1000000x128xf32, #tpu.memory_space<hbm>>
    tpu.enqueue_indirect_dma source(%dma_start3A_97 : memref<1000000x128xf32, #tpu.memory_space<hbm>>) target(%arg15 : memref<128x128xf32, #tpu.memory_space<vmem>>) offsets(%dma_start3A_94 : memref<128xi32, #tpu.memory_space<vmem>>) semaphore(%arg24 : memref<!tpu.dma_semaphore, #tpu.memory_space<semaphore_mem>>)
    %dma_start3A_98 = tpu.memref_slice %arg10[%multiple_of3A_79] : memref<51200xi32, #tpu.memory_space<vmem>> -> memref<128xi32, #tpu.memory_space<vmem>>
    %dma_start3A_99 = arith.constant 0 : i32
    %dma_start3A_100 = arith.constant 0 : i32
    %dma_start3A_101 = tpu.memref_slice %arg7[%dma_start3A_99, %dma_start3A_100] : memref<1000000x32xf32, #tpu.memory_space<hbm>> -> memref<1000000x32xf32, #tpu.memory_space<hbm>>
    tpu.enqueue_indirect_dma source(%dma_start3A_101 : memref<1000000x32xf32, #tpu.memory_space<hbm>>) target(%arg17 : memref<128x32xf32, #tpu.memory_space<vmem>>) offsets(%dma_start3A_98 : memref<128xi32, #tpu.memory_space<vmem>>) semaphore(%arg24 : memref<!tpu.dma_semaphore, #tpu.memory_space<semaphore_mem>>) {add = true}
    %dma_start3A_102 = tpu.memref_slice %arg10[%multiple_of3A_81] : memref<51200xi32, #tpu.memory_space<vmem>> -> memref<128xi32, #tpu.memory_space<vmem>>
    %dma_start3A_103 = arith.constant 0 : i32
    %dma_start3A_104 = arith.constant 0 : i32
    %dma_start3A_105 = tpu.memref_slice %arg7[%dma_start3A_103, %dma_start3A_104] : memref<1000000x32xf32, #tpu.memory_space<hbm>> -> memref<1000000x32xf32, #tpu.memory_space<hbm>>
    tpu.enqueue_indirect_dma source(%dma_start3A_105 : memref<1000000x32xf32, #tpu.memory_space<hbm>>) target(%arg17 : memref<128x32xf32, #tpu.memory_space<vmem>>) offsets(%dma_start3A_102 : memref<128xi32, #tpu.memory_space<vmem>>) semaphore(%arg24 : memref<!tpu.dma_semaphore, #tpu.memory_space<semaphore_mem>>) {add = true}
    %dma_start3A_106 = tpu.memref_slice %arg10[%multiple_of3A_83] : memref<51200xi32, #tpu.memory_space<vmem>> -> memref<128xi32, #tpu.memory_space<vmem>>
    %dma_start3A_107 = arith.constant 0 : i32
    %dma_start3A_108 = arith.constant 0 : i32
    %dma_start3A_109 = tpu.memref_slice %arg7[%dma_start3A_107, %dma_start3A_108] : memref<1000000x32xf32, #tpu.memory_space<hbm>> -> memref<1000000x32xf32, #tpu.memory_space<hbm>>
    tpu.enqueue_indirect_dma source(%dma_start3A_109 : memref<1000000x32xf32, #tpu.memory_space<hbm>>) target(%arg17 : memref<128x32xf32, #tpu.memory_space<vmem>>) offsets(%dma_start3A_106 : memref<128xi32, #tpu.memory_space<vmem>>) semaphore(%arg24 : memref<!tpu.dma_semaphore, #tpu.memory_space<semaphore_mem>>) {add = true}
    %dma_start3A_110 = tpu.memref_slice %arg10[%multiple_of3A_85] : memref<51200xi32, #tpu.memory_space<vmem>> -> memref<128xi32, #tpu.memory_space<vmem>>
    %dma_start3A_111 = arith.constant 0 : i32
    %dma_start3A_112 = arith.constant 0 : i32
    %dma_start3A_113 = tpu.memref_slice %arg7[%dma_start3A_111, %dma_start3A_112] : memref<1000000x32xf32, #tpu.memory_space<hbm>> -> memref<1000000x32xf32, #tpu.memory_space<hbm>>
    tpu.enqueue_indirect_dma source(%dma_start3A_113 : memref<1000000x32xf32, #tpu.memory_space<hbm>>) target(%arg17 : memref<128x32xf32, #tpu.memory_space<vmem>>) offsets(%dma_start3A_110 : memref<128xi32, #tpu.memory_space<vmem>>) semaphore(%arg24 : memref<!tpu.dma_semaphore, #tpu.memory_space<semaphore_mem>>) {add = true}
    %dma_start3A_114 = tpu.memref_slice %arg10[%multiple_of3A_87] : memref<51200xi32, #tpu.memory_space<vmem>> -> memref<128xi32, #tpu.memory_space<vmem>>
    %dma_start3A_115 = arith.constant 0 : i32
    %dma_start3A_116 = arith.constant 0 : i32
    %dma_start3A_117 = tpu.memref_slice %arg7[%dma_start3A_115, %dma_start3A_116] : memref<1000000x32xf32, #tpu.memory_space<hbm>> -> memref<1000000x32xf32, #tpu.memory_space<hbm>>
    tpu.enqueue_indirect_dma source(%dma_start3A_117 : memref<1000000x32xf32, #tpu.memory_space<hbm>>) target(%arg17 : memref<128x32xf32, #tpu.memory_space<vmem>>) offsets(%dma_start3A_114 : memref<128xi32, #tpu.memory_space<vmem>>) semaphore(%arg24 : memref<!tpu.dma_semaphore, #tpu.memory_space<semaphore_mem>>) {add = true}
    %dma_start3A_118 = tpu.memref_slice %arg10[%multiple_of3A_89] : memref<51200xi32, #tpu.memory_space<vmem>> -> memref<128xi32, #tpu.memory_space<vmem>>
    %dma_start3A_119 = arith.constant 0 : i32
    %dma_start3A_120 = arith.constant 0 : i32
    %dma_start3A_121 = tpu.memref_slice %arg7[%dma_start3A_119, %dma_start3A_120] : memref<1000000x32xf32, #tpu.memory_space<hbm>> -> memref<1000000x32xf32, #tpu.memory_space<hbm>>
    tpu.enqueue_indirect_dma source(%dma_start3A_121 : memref<1000000x32xf32, #tpu.memory_space<hbm>>) target(%arg17 : memref<128x32xf32, #tpu.memory_space<vmem>>) offsets(%dma_start3A_118 : memref<128xi32, #tpu.memory_space<vmem>>) semaphore(%arg24 : memref<!tpu.dma_semaphore, #tpu.memory_space<semaphore_mem>>) {add = true}
    %dma_start3A_122 = tpu.memref_slice %arg10[%multiple_of3A_91] : memref<51200xi32, #tpu.memory_space<vmem>> -> memref<128xi32, #tpu.memory_space<vmem>>
    %dma_start3A_123 = arith.constant 0 : i32
    %dma_start3A_124 = arith.constant 0 : i32
    %dma_start3A_125 = tpu.memref_slice %arg7[%dma_start3A_123, %dma_start3A_124] : memref<1000000x32xf32, #tpu.memory_space<hbm>> -> memref<1000000x32xf32, #tpu.memory_space<hbm>>
    tpu.enqueue_indirect_dma source(%dma_start3A_125 : memref<1000000x32xf32, #tpu.memory_space<hbm>>) target(%arg17 : memref<128x32xf32, #tpu.memory_space<vmem>>) offsets(%dma_start3A_122 : memref<128xi32, #tpu.memory_space<vmem>>) semaphore(%arg24 : memref<!tpu.dma_semaphore, #tpu.memory_space<semaphore_mem>>) {add = true}
    %dma_start3A_126 = tpu.memref_slice %arg10[%multiple_of3A_93] : memref<51200xi32, #tpu.memory_space<vmem>> -> memref<128xi32, #tpu.memory_space<vmem>>
    %dma_start3A_127 = arith.constant 0 : i32
    %dma_start3A_128 = arith.constant 0 : i32
    %dma_start3A_129 = tpu.memref_slice %arg7[%dma_start3A_127, %dma_start3A_128] : memref<1000000x32xf32, #tpu.memory_space<hbm>> -> memref<1000000x32xf32, #tpu.memory_space<hbm>>
    tpu.enqueue_indirect_dma source(%dma_start3A_129 : memref<1000000x32xf32, #tpu.memory_space<hbm>>) target(%arg17 : memref<128x32xf32, #tpu.memory_space<vmem>>) offsets(%dma_start3A_126 : memref<128xi32, #tpu.memory_space<vmem>>) semaphore(%arg24 : memref<!tpu.dma_semaphore, #tpu.memory_space<semaphore_mem>>) {add = true}
    %mul3A_130 = arith.constant 6400 : i32
    %mul3A_131 = arith.muli %add3A, %mul3A_130 : i32
    %add3A_132 = arith.constant 128 : i32
    %add3A_133 = arith.addi %mul3A_131, %add3A_132 : i32
    %multiple_of3A_134 = tpu.assume_multiple %add3A_133, 16 : i32
    %mul3A_135 = arith.constant 4 : i32
    %mul3A_136 = arith.muli %multiple_of3A_134, %mul3A_135 : i32
    %dma_start3A_137 = tpu.memref_slice %arg4[%mul3A_136] : memref<819200xf32, #tpu.memory_space<hbm>> -> memref<512xf32, #tpu.memory_space<hbm>>
    %dma_start3A_138 = tpu.memref_slice %arg4[%mul3A_136] : memref<819200xf32, #tpu.memory_space<hbm>> -> memref<512xf32, #tpu.memory_space<hbm>>
    tpu.enqueue_dma source(%dma_start3A_138 : memref<512xf32, #tpu.memory_space<hbm>>) target(%arg12 : memref<512xf32, #tpu.memory_space<vmem>>) target_semaphore(%arg22 : memref<!tpu.dma_semaphore, #tpu.memory_space<semaphore_mem>>)
    %scan3A_139 = arith.constant 0 : i32
    %scan3A_140 = arith.constant 0 : i32
    %scan3A_141 = arith.constant 25 : i32
    %scan3A_142 = arith.addi %scan3A_140, %scan3A_141 : i32
    %scan3A_143 = arith.constant 1 : i32
    scf.for %scan3A_162 = %scan3A_140 to %scan3A_142 step %scan3A_143  : i32 {
      %mul3A_163 = arith.constant 2 : i32
      %mul3A_164 = arith.muli %scan3A_162, %mul3A_163 : i32
      %add3A_165 = arith.constant 0 : i32
      %add3A_166 = arith.addi %mul3A_164, %add3A_165 : i32
      %mul3A_167 = arith.constant 128 : i32
      %mul3A_168 = arith.muli %add3A_166, %mul3A_167 : i32
      %multiple_of3A_169 = tpu.assume_multiple %mul3A_168, 128 : i32
      %mul3A_170 = arith.constant 128 : i32
      %mul3A_171 = arith.muli %add3A_166, %mul3A_170 : i32
      %mul3A_172 = arith.constant 8 : i32
      %mul3A_173 = arith.muli %mul3A_171, %mul3A_172 : i32
      %add3A_174 = arith.constant 0 : i32
      %add3A_175 = arith.addi %mul3A_173, %add3A_174 : i32
      %multiple_of3A_176 = tpu.assume_multiple %add3A_175, 128 : i32
      %mul3A_177 = arith.constant 128 : i32
      %mul3A_178 = arith.muli %add3A_166, %mul3A_177 : i32
      %mul3A_179 = arith.constant 8 : i32
      %mul3A_180 = arith.muli %mul3A_178, %mul3A_179 : i32
      %add3A_181 = arith.constant 128 : i32
      %add3A_182 = arith.addi %mul3A_180, %add3A_181 : i32
      %multiple_of3A_183 = tpu.assume_multiple %add3A_182, 128 : i32
      %mul3A_184 = arith.constant 128 : i32
      %mul3A_185 = arith.muli %add3A_166, %mul3A_184 : i32
      %mul3A_186 = arith.constant 8 : i32
      %mul3A_187 = arith.muli %mul3A_185, %mul3A_186 : i32
      %add3A_188 = arith.constant 256 : i32
      %add3A_189 = arith.addi %mul3A_187, %add3A_188 : i32
      %multiple_of3A_190 = tpu.assume_multiple %add3A_189, 128 : i32
      %mul3A_191 = arith.constant 128 : i32
      %mul3A_192 = arith.muli %add3A_166, %mul3A_191 : i32
      %mul3A_193 = arith.constant 8 : i32
      %mul3A_194 = arith.muli %mul3A_192, %mul3A_193 : i32
      %add3A_195 = arith.constant 384 : i32
      %add3A_196 = arith.addi %mul3A_194, %add3A_195 : i32
      %multiple_of3A_197 = tpu.assume_multiple %add3A_196, 128 : i32
      %mul3A_198 = arith.constant 128 : i32
      %mul3A_199 = arith.muli %add3A_166, %mul3A_198 : i32
      %mul3A_200 = arith.constant 8 : i32
      %mul3A_201 = arith.muli %mul3A_199, %mul3A_200 : i32
      %add3A_202 = arith.constant 512 : i32
      %add3A_203 = arith.addi %mul3A_201, %add3A_202 : i32
      %multiple_of3A_204 = tpu.assume_multiple %add3A_203, 128 : i32
      %mul3A_205 = arith.constant 128 : i32
      %mul3A_206 = arith.muli %add3A_166, %mul3A_205 : i32
      %mul3A_207 = arith.constant 8 : i32
      %mul3A_208 = arith.muli %mul3A_206, %mul3A_207 : i32
      %add3A_209 = arith.constant 640 : i32
      %add3A_210 = arith.addi %mul3A_208, %add3A_209 : i32
      %multiple_of3A_211 = tpu.assume_multiple %add3A_210, 128 : i32
      %mul3A_212 = arith.constant 128 : i32
      %mul3A_213 = arith.muli %add3A_166, %mul3A_212 : i32
      %mul3A_214 = arith.constant 8 : i32
      %mul3A_215 = arith.muli %mul3A_213, %mul3A_214 : i32
      %add3A_216 = arith.constant 768 : i32
      %add3A_217 = arith.addi %mul3A_215, %add3A_216 : i32
      %multiple_of3A_218 = tpu.assume_multiple %add3A_217, 128 : i32
      %mul3A_219 = arith.constant 128 : i32
      %mul3A_220 = arith.muli %add3A_166, %mul3A_219 : i32
      %mul3A_221 = arith.constant 8 : i32
      %mul3A_222 = arith.muli %mul3A_220, %mul3A_221 : i32
      %add3A_223 = arith.constant 896 : i32
      %add3A_224 = arith.addi %mul3A_222, %add3A_223 : i32
      %multiple_of3A_225 = tpu.assume_multiple %add3A_224, 128 : i32
      %dma_wait3A_226 = tpu.memref_slice %arg9[%multiple_of3A_169] : memref<6400xi32, #tpu.memory_space<vmem>> -> memref<128xi32, #tpu.memory_space<vmem>>
      %dma_wait3A_227 = arith.constant 0 : i32
      %dma_wait3A_228 = arith.constant 0 : i32
      %dma_wait3A_229 = tpu.memref_slice %arg6[%dma_wait3A_227, %dma_wait3A_228] : memref<1000000x128xf32, #tpu.memory_space<hbm>> -> memref<1000000x128xf32, #tpu.memory_space<hbm>>
      tpu.wait_indirect_dma semaphore(%arg23 : memref<!tpu.dma_semaphore, #tpu.memory_space<semaphore_mem>>) src(%dma_wait3A_229 : memref<1000000x128xf32, #tpu.memory_space<hbm>>) dst(%arg14 : memref<128x128xf32, #tpu.memory_space<vmem>>)
      %dma_wait3A_230 = tpu.memref_slice %arg10[%multiple_of3A_176] : memref<51200xi32, #tpu.memory_space<vmem>> -> memref<128xi32, #tpu.memory_space<vmem>>
      %dma_wait3A_231 = arith.constant 0 : i32
      %dma_wait3A_232 = arith.constant 0 : i32
      %dma_wait3A_233 = tpu.memref_slice %arg7[%dma_wait3A_231, %dma_wait3A_232] : memref<1000000x32xf32, #tpu.memory_space<hbm>> -> memref<1000000x32xf32, #tpu.memory_space<hbm>>
      tpu.wait_indirect_dma semaphore(%arg23 : memref<!tpu.dma_semaphore, #tpu.memory_space<semaphore_mem>>) src(%dma_wait3A_233 : memref<1000000x32xf32, #tpu.memory_space<hbm>>) dst(%arg16 : memref<128x32xf32, #tpu.memory_space<vmem>>)
      %dma_wait3A_234 = tpu.memref_slice %arg10[%multiple_of3A_183] : memref<51200xi32, #tpu.memory_space<vmem>> -> memref<128xi32, #tpu.memory_space<vmem>>
      %dma_wait3A_235 = arith.constant 0 : i32
      %dma_wait3A_236 = arith.constant 0 : i32
      %dma_wait3A_237 = tpu.memref_slice %arg7[%dma_wait3A_235, %dma_wait3A_236] : memref<1000000x32xf32, #tpu.memory_space<hbm>> -> memref<1000000x32xf32, #tpu.memory_space<hbm>>
      tpu.wait_indirect_dma semaphore(%arg23 : memref<!tpu.dma_semaphore, #tpu.memory_space<semaphore_mem>>) src(%dma_wait3A_237 : memref<1000000x32xf32, #tpu.memory_space<hbm>>) dst(%arg16 : memref<128x32xf32, #tpu.memory_space<vmem>>)
      %dma_wait3A_238 = tpu.memref_slice %arg10[%multiple_of3A_190] : memref<51200xi32, #tpu.memory_space<vmem>> -> memref<128xi32, #tpu.memory_space<vmem>>
      %dma_wait3A_239 = arith.constant 0 : i32
      %dma_wait3A_240 = arith.constant 0 : i32
      %dma_wait3A_241 = tpu.memref_slice %arg7[%dma_wait3A_239, %dma_wait3A_240] : memref<1000000x32xf32, #tpu.memory_space<hbm>> -> memref<1000000x32xf32, #tpu.memory_space<hbm>>
      tpu.wait_indirect_dma semaphore(%arg23 : memref<!tpu.dma_semaphore, #tpu.memory_space<semaphore_mem>>) src(%dma_wait3A_241 : memref<1000000x32xf32, #tpu.memory_space<hbm>>) dst(%arg16 : memref<128x32xf32, #tpu.memory_space<vmem>>)
      %dma_wait3A_242 = tpu.memref_slice %arg10[%multiple_of3A_197] : memref<51200xi32, #tpu.memory_space<vmem>> -> memref<128xi32, #tpu.memory_space<vmem>>
      %dma_wait3A_243 = arith.constant 0 : i32
      %dma_wait3A_244 = arith.constant 0 : i32
      %dma_wait3A_245 = tpu.memref_slice %arg7[%dma_wait3A_243, %dma_wait3A_244] : memref<1000000x32xf32, #tpu.memory_space<hbm>> -> memref<1000000x32xf32, #tpu.memory_space<hbm>>
      tpu.wait_indirect_dma semaphore(%arg23 : memref<!tpu.dma_semaphore, #tpu.memory_space<semaphore_mem>>) src(%dma_wait3A_245 : memref<1000000x32xf32, #tpu.memory_space<hbm>>) dst(%arg16 : memref<128x32xf32, #tpu.memory_space<vmem>>)
      %dma_wait3A_246 = tpu.memref_slice %arg10[%multiple_of3A_204] : memref<51200xi32, #tpu.memory_space<vmem>> -> memref<128xi32, #tpu.memory_space<vmem>>
      %dma_wait3A_247 = arith.constant 0 : i32
      %dma_wait3A_248 = arith.constant 0 : i32
      %dma_wait3A_249 = tpu.memref_slice %arg7[%dma_wait3A_247, %dma_wait3A_248] : memref<1000000x32xf32, #tpu.memory_space<hbm>> -> memref<1000000x32xf32, #tpu.memory_space<hbm>>
      tpu.wait_indirect_dma semaphore(%arg23 : memref<!tpu.dma_semaphore, #tpu.memory_space<semaphore_mem>>) src(%dma_wait3A_249 : memref<1000000x32xf32, #tpu.memory_space<hbm>>) dst(%arg16 : memref<128x32xf32, #tpu.memory_space<vmem>>)
      %dma_wait3A_250 = tpu.memref_slice %arg10[%multiple_of3A_211] : memref<51200xi32, #tpu.memory_space<vmem>> -> memref<128xi32, #tpu.memory_space<vmem>>
      %dma_wait3A_251 = arith.constant 0 : i32
      %dma_wait3A_252 = arith.constant 0 : i32
      %dma_wait3A_253 = tpu.memref_slice %arg7[%dma_wait3A_251, %dma_wait3A_252] : memref<1000000x32xf32, #tpu.memory_space<hbm>> -> memref<1000000x32xf32, #tpu.memory_space<hbm>>
      tpu.wait_indirect_dma semaphore(%arg23 : memref<!tpu.dma_semaphore, #tpu.memory_space<semaphore_mem>>) src(%dma_wait3A_253 : memref<1000000x32xf32, #tpu.memory_space<hbm>>) dst(%arg16 : memref<128x32xf32, #tpu.memory_space<vmem>>)
      %dma_wait3A_254 = tpu.memref_slice %arg10[%multiple_of3A_218] : memref<51200xi32, #tpu.memory_space<vmem>> -> memref<128xi32, #tpu.memory_space<vmem>>
      %dma_wait3A_255 = arith.constant 0 : i32
      %dma_wait3A_256 = arith.constant 0 : i32
      %dma_wait3A_257 = tpu.memref_slice %arg7[%dma_wait3A_255, %dma_wait3A_256] : memref<1000000x32xf32, #tpu.memory_space<hbm>> -> memref<1000000x32xf32, #tpu.memory_space<hbm>>
      tpu.wait_indirect_dma semaphore(%arg23 : memref<!tpu.dma_semaphore, #tpu.memory_space<semaphore_mem>>) src(%dma_wait3A_257 : memref<1000000x32xf32, #tpu.memory_space<hbm>>) dst(%arg16 : memref<128x32xf32, #tpu.memory_space<vmem>>)
      %dma_wait3A_258 = tpu.memref_slice %arg10[%multiple_of3A_225] : memref<51200xi32, #tpu.memory_space<vmem>> -> memref<128xi32, #tpu.memory_space<vmem>>
      %dma_wait3A_259 = arith.constant 0 : i32
      %dma_wait3A_260 = arith.constant 0 : i32
      %dma_wait3A_261 = tpu.memref_slice %arg7[%dma_wait3A_259, %dma_wait3A_260] : memref<1000000x32xf32, #tpu.memory_space<hbm>> -> memref<1000000x32xf32, #tpu.memory_space<hbm>>
      tpu.wait_indirect_dma semaphore(%arg23 : memref<!tpu.dma_semaphore, #tpu.memory_space<semaphore_mem>>) src(%dma_wait3A_261 : memref<1000000x32xf32, #tpu.memory_space<hbm>>) dst(%arg16 : memref<128x32xf32, #tpu.memory_space<vmem>>)
      %ge3A = arith.constant 2 : i32
      %ge3A_262 = arith.cmpi sge, %add3A_166, %ge3A : i32
      %convert_element_type3A = arith.extui %ge3A_262 : i1 to i32
      %cond3A = arith.constant 0 : i32
      %cond3A_263 = arith.cmpi ne, %convert_element_type3A, %cond3A : i32
      scf.if %cond3A_263 {
        %sub3A = arith.constant 2 : i32
        %sub3A_433 = arith.subi %add3A_166, %sub3A : i32
        %mul3A_434 = arith.constant 6400 : i32
        %mul3A_435 = arith.muli %add3A, %mul3A_434 : i32
        %mul3A_436 = arith.constant 128 : i32
        %mul3A_437 = arith.muli %sub3A_433, %mul3A_436 : i32
        %add3A_438 = arith.addi %mul3A_435, %mul3A_437 : i32
        %multiple_of3A_439 = tpu.assume_multiple %add3A_438, 16 : i32
        %dma_wait3A_440 = arith.constant 0 : i32
        %dma_wait3A_441 = tpu.memref_slice %arg8[%multiple_of3A_439, %dma_wait3A_440] : memref<204800x32xf32, #tpu.memory_space<hbm>> -> memref<128x32xf32, #tpu.memory_space<hbm>>
        %dma_wait3A_442 = arith.constant 0 : i32
        %dma_wait3A_443 = tpu.memref_slice %arg8[%multiple_of3A_439, %dma_wait3A_442] : memref<204800x32xf32, #tpu.memory_space<hbm>> -> memref<128x32xf32, #tpu.memory_space<hbm>>
        tpu.wait_dma2 semaphore(%arg25 : memref<!tpu.dma_semaphore, #tpu.memory_space<semaphore_mem>>) src(%arg18 : memref<128x32xf32, #tpu.memory_space<vmem>>) dst(%dma_wait3A_443 : memref<128x32xf32, #tpu.memory_space<hbm>>)
      } else {
      }
      %mul3A_264 = arith.constant 6400 : i32
      %mul3A_265 = arith.muli %add3A, %mul3A_264 : i32
      %mul3A_266 = arith.constant 128 : i32
      %mul3A_267 = arith.muli %add3A_166, %mul3A_266 : i32
      %add3A_268 = arith.addi %mul3A_265, %mul3A_267 : i32
      %multiple_of3A_269 = tpu.assume_multiple %add3A_268, 16 : i32
      %mul3A_270 = arith.constant 4 : i32
      %mul3A_271 = arith.muli %multiple_of3A_269, %mul3A_270 : i32
      %dma_wait3A_272 = tpu.memref_slice %arg4[%mul3A_271] : memref<819200xf32, #tpu.memory_space<hbm>> -> memref<512xf32, #tpu.memory_space<hbm>>
      %dma_wait3A_273 = tpu.memref_slice %arg4[%mul3A_271] : memref<819200xf32, #tpu.memory_space<hbm>> -> memref<512xf32, #tpu.memory_space<hbm>>
      tpu.wait_dma2 semaphore(%arg21 : memref<!tpu.dma_semaphore, #tpu.memory_space<semaphore_mem>>) src(%dma_wait3A_273 : memref<512xf32, #tpu.memory_space<hbm>>) dst(%arg11 : memref<512xf32, #tpu.memory_space<vmem>>)
      %scan3A_274 = arith.constant 0 : i32
      %scan3A_275 = arith.constant 0 : i32
      %scan3A_276 = arith.constant 8 : i32
      %scan3A_277 = arith.addi %scan3A_275, %scan3A_276 : i32
      %scan3A_278 = arith.constant 1 : i32
      scf.for %scan3A_433 = %scan3A_275 to %scan3A_277 step %scan3A_278  : i32 {
        %mul3A_434 = arith.constant 16 : i32
        %mul3A_435 = arith.muli %scan3A_433, %mul3A_434 : i32
        %add3A_436 = vector.broadcast %mul3A_435 : i32 to vector<16xi32>
        %add3A_437 = arith.addi %iota3A, %add3A_436 : vector<16xi32>
        %scan3A_438 = arith.constant 0 : i32
        %scan3A_439 = arith.constant 0 : i32
        %scan3A_440 = arith.constant 8 : i32
        %scan3A_441 = arith.addi %scan3A_439, %scan3A_440 : i32
        %scan3A_442 = arith.constant 1 : i32
        scf.for %scan3A_493 = %scan3A_439 to %scan3A_441 step %scan3A_442  : i32 {
          %mul3A_494 = arith.constant 16 : i32
          %mul3A_495 = arith.muli %scan3A_493, %mul3A_494 : i32
          %add3A_496 = arith.constant 0 : i32
          %add3A_497 = arith.addi %mul3A_495, %add3A_496 : i32
          %add3A_498 = vector.broadcast %add3A_497 : i32 to vector<16xi32>
          %add3A_499 = arith.addi %iota3A, %add3A_498 : vector<16xi32>
          %and3A = arith.constant 127 : i32
          %and3A_500 = vector.broadcast %and3A : i32 to vector<16xi32>
          %and3A_501 = arith.andi %add3A_499, %and3A_500 : vector<16xi32>
          %gather3A_502 = tpu.vector_load_idx %arg14[%add3A_437, %and3A_501] : memref<128x128xf32, #tpu.memory_space<vmem>>[vector<16xi32>, vector<16xi32>], vector<16xf32>,
          tpu.vector_store_idx %arg20[%add3A_437, %and3A_501], %gather3A_502 : memref<128x129xf32, #tpu.memory_space<vmem>>[vector<16xi32>, vector<16xi32>], vector<16xf32>,
          %mul3A_503 = arith.constant 16 : i32
          %mul3A_504 = arith.muli %scan3A_493, %mul3A_503 : i32
          %add3A_505 = arith.constant 1 : i32
          %add3A_506 = arith.addi %mul3A_504, %add3A_505 : i32
          %add3A_507 = vector.broadcast %add3A_506 : i32 to vector<16xi32>
          %add3A_508 = arith.addi %iota3A, %add3A_507 : vector<16xi32>
          %and3A_509 = arith.constant 127 : i32
          %and3A_510 = vector.broadcast %and3A_509 : i32 to vector<16xi32>
          %and3A_511 = arith.andi %add3A_508, %and3A_510 : vector<16xi32>
          %gather3A_512 = tpu.vector_load_idx %arg14[%add3A_437, %and3A_511] : memref<128x128xf32, #tpu.memory_space<vmem>>[vector<16xi32>, vector<16xi32>], vector<16xf32>,
          tpu.vector_store_idx %arg20[%add3A_437, %and3A_511], %gather3A_512 : memref<128x129xf32, #tpu.memory_space<vmem>>[vector<16xi32>, vector<16xi32>], vector<16xf32>,
          %mul3A_513 = arith.constant 16 : i32
          %mul3A_514 = arith.muli %scan3A_493, %mul3A_513 : i32
          %add3A_515 = arith.constant 2 : i32
          %add3A_516 = arith.addi %mul3A_514, %add3A_515 : i32
          %add3A_517 = vector.broadcast %add3A_516 : i32 to vector<16xi32>
          %add3A_518 = arith.addi %iota3A, %add3A_517 : vector<16xi32>
          %and3A_519 = arith.constant 127 : i32
          %and3A_520 = vector.broadcast %and3A_519 : i32 to vector<16xi32>
          %and3A_521 = arith.andi %add3A_518, %and3A_520 : vector<16xi32>
          %gather3A_522 = tpu.vector_load_idx %arg14[%add3A_437, %and3A_521] : memref<128x128xf32, #tpu.memory_space<vmem>>[vector<16xi32>, vector<16xi32>], vector<16xf32>,
          tpu.vector_store_idx %arg20[%add3A_437, %and3A_521], %gather3A_522 : memref<128x129xf32, #tpu.memory_space<vmem>>[vector<16xi32>, vector<16xi32>], vector<16xf32>,
          %mul3A_523 = arith.constant 16 : i32
          %mul3A_524 = arith.muli %scan3A_493, %mul3A_523 : i32
          %add3A_525 = arith.constant 3 : i32
          %add3A_526 = arith.addi %mul3A_524, %add3A_525 : i32
          %add3A_527 = vector.broadcast %add3A_526 : i32 to vector<16xi32>
          %add3A_528 = arith.addi %iota3A, %add3A_527 : vector<16xi32>
          %and3A_529 = arith.constant 127 : i32
          %and3A_530 = vector.broadcast %and3A_529 : i32 to vector<16xi32>
          %and3A_531 = arith.andi %add3A_528, %and3A_530 : vector<16xi32>
          %gather3A_532 = tpu.vector_load_idx %arg14[%add3A_437, %and3A_531] : memref<128x128xf32, #tpu.memory_space<vmem>>[vector<16xi32>, vector<16xi32>], vector<16xf32>,
          tpu.vector_store_idx %arg20[%add3A_437, %and3A_531], %gather3A_532 : memref<128x129xf32, #tpu.memory_space<vmem>>[vector<16xi32>, vector<16xi32>], vector<16xf32>,
          %mul3A_533 = arith.constant 16 : i32
          %mul3A_534 = arith.muli %scan3A_493, %mul3A_533 : i32
          %add3A_535 = arith.constant 4 : i32
          %add3A_536 = arith.addi %mul3A_534, %add3A_535 : i32
          %add3A_537 = vector.broadcast %add3A_536 : i32 to vector<16xi32>
          %add3A_538 = arith.addi %iota3A, %add3A_537 : vector<16xi32>
          %and3A_539 = arith.constant 127 : i32
          %and3A_540 = vector.broadcast %and3A_539 : i32 to vector<16xi32>
          %and3A_541 = arith.andi %add3A_538, %and3A_540 : vector<16xi32>
          %gather3A_542 = tpu.vector_load_idx %arg14[%add3A_437, %and3A_541] : memref<128x128xf32, #tpu.memory_space<vmem>>[vector<16xi32>, vector<16xi32>], vector<16xf32>,
          tpu.vector_store_idx %arg20[%add3A_437, %and3A_541], %gather3A_542 : memref<128x129xf32, #tpu.memory_space<vmem>>[vector<16xi32>, vector<16xi32>], vector<16xf32>,
          %mul3A_543 = arith.constant 16 : i32
          %mul3A_544 = arith.muli %scan3A_493, %mul3A_543 : i32
          %add3A_545 = arith.constant 5 : i32
          %add3A_546 = arith.addi %mul3A_544, %add3A_545 : i32
          %add3A_547 = vector.broadcast %add3A_546 : i32 to vector<16xi32>
          %add3A_548 = arith.addi %iota3A, %add3A_547 : vector<16xi32>
          %and3A_549 = arith.constant 127 : i32
          %and3A_550 = vector.broadcast %and3A_549 : i32 to vector<16xi32>
          %and3A_551 = arith.andi %add3A_548, %and3A_550 : vector<16xi32>
          %gather3A_552 = tpu.vector_load_idx %arg14[%add3A_437, %and3A_551] : memref<128x128xf32, #tpu.memory_space<vmem>>[vector<16xi32>, vector<16xi32>], vector<16xf32>,
          tpu.vector_store_idx %arg20[%add3A_437, %and3A_551], %gather3A_552 : memref<128x129xf32, #tpu.memory_space<vmem>>[vector<16xi32>, vector<16xi32>], vector<16xf32>,
          %mul3A_553 = arith.constant 16 : i32
          %mul3A_554 = arith.muli %scan3A_493, %mul3A_553 : i32
          %add3A_555 = arith.constant 6 : i32
          %add3A_556 = arith.addi %mul3A_554, %add3A_555 : i32
          %add3A_557 = vector.broadcast %add3A_556 : i32 to vector<16xi32>
          %add3A_558 = arith.addi %iota3A, %add3A_557 : vector<16xi32>
          %and3A_559 = arith.constant 127 : i32
          %and3A_560 = vector.broadcast %and3A_559 : i32 to vector<16xi32>
          %and3A_561 = arith.andi %add3A_558, %and3A_560 : vector<16xi32>
          %gather3A_562 = tpu.vector_load_idx %arg14[%add3A_437, %and3A_561] : memref<128x128xf32, #tpu.memory_space<vmem>>[vector<16xi32>, vector<16xi32>], vector<16xf32>,
          tpu.vector_store_idx %arg20[%add3A_437, %and3A_561], %gather3A_562 : memref<128x129xf32, #tpu.memory_space<vmem>>[vector<16xi32>, vector<16xi32>], vector<16xf32>,
          %mul3A_563 = arith.constant 16 : i32
          %mul3A_564 = arith.muli %scan3A_493, %mul3A_563 : i32
          %add3A_565 = arith.constant 7 : i32
          %add3A_566 = arith.addi %mul3A_564, %add3A_565 : i32
          %add3A_567 = vector.broadcast %add3A_566 : i32 to vector<16xi32>
          %add3A_568 = arith.addi %iota3A, %add3A_567 : vector<16xi32>
          %and3A_569 = arith.constant 127 : i32
          %and3A_570 = vector.broadcast %and3A_569 : i32 to vector<16xi32>
          %and3A_571 = arith.andi %add3A_568, %and3A_570 : vector<16xi32>
          %gather3A_572 = tpu.vector_load_idx %arg14[%add3A_437, %and3A_571] : memref<128x128xf32, #tpu.memory_space<vmem>>[vector<16xi32>, vector<16xi32>], vector<16xf32>,
          tpu.vector_store_idx %arg20[%add3A_437, %and3A_571], %gather3A_572 : memref<128x129xf32, #tpu.memory_space<vmem>>[vector<16xi32>, vector<16xi32>], vector<16xf32>,
          %mul3A_573 = arith.constant 16 : i32
          %mul3A_574 = arith.muli %scan3A_493, %mul3A_573 : i32
          %add3A_575 = arith.constant 8 : i32
          %add3A_576 = arith.addi %mul3A_574, %add3A_575 : i32
          %add3A_577 = vector.broadcast %add3A_576 : i32 to vector<16xi32>
          %add3A_578 = arith.addi %iota3A, %add3A_577 : vector<16xi32>
          %and3A_579 = arith.constant 127 : i32
          %and3A_580 = vector.broadcast %and3A_579 : i32 to vector<16xi32>
          %and3A_581 = arith.andi %add3A_578, %and3A_580 : vector<16xi32>
          %gather3A_582 = tpu.vector_load_idx %arg14[%add3A_437, %and3A_581] : memref<128x128xf32, #tpu.memory_space<vmem>>[vector<16xi32>, vector<16xi32>], vector<16xf32>,
          tpu.vector_store_idx %arg20[%add3A_437, %and3A_581], %gather3A_582 : memref<128x129xf32, #tpu.memory_space<vmem>>[vector<16xi32>, vector<16xi32>], vector<16xf32>,
          %mul3A_583 = arith.constant 16 : i32
          %mul3A_584 = arith.muli %scan3A_493, %mul3A_583 : i32
          %add3A_585 = arith.constant 9 : i32
          %add3A_586 = arith.addi %mul3A_584, %add3A_585 : i32
          %add3A_587 = vector.broadcast %add3A_586 : i32 to vector<16xi32>
          %add3A_588 = arith.addi %iota3A, %add3A_587 : vector<16xi32>
          %and3A_589 = arith.constant 127 : i32
          %and3A_590 = vector.broadcast %and3A_589 : i32 to vector<16xi32>
          %and3A_591 = arith.andi %add3A_588, %and3A_590 : vector<16xi32>
          %gather3A_592 = tpu.vector_load_idx %arg14[%add3A_437, %and3A_591] : memref<128x128xf32, #tpu.memory_space<vmem>>[vector<16xi32>, vector<16xi32>], vector<16xf32>,
          tpu.vector_store_idx %arg20[%add3A_437, %and3A_591], %gather3A_592 : memref<128x129xf32, #tpu.memory_space<vmem>>[vector<16xi32>, vector<16xi32>], vector<16xf32>,
          %mul3A_593 = arith.constant 16 : i32
          %mul3A_594 = arith.muli %scan3A_493, %mul3A_593 : i32
          %add3A_595 = arith.constant 10 : i32
          %add3A_596 = arith.addi %mul3A_594, %add3A_595 : i32
          %add3A_597 = vector.broadcast %add3A_596 : i32 to vector<16xi32>
          %add3A_598 = arith.addi %iota3A, %add3A_597 : vector<16xi32>
          %and3A_599 = arith.constant 127 : i32
          %and3A_600 = vector.broadcast %and3A_599 : i32 to vector<16xi32>
          %and3A_601 = arith.andi %add3A_598, %and3A_600 : vector<16xi32>
          %gather3A_602 = tpu.vector_load_idx %arg14[%add3A_437, %and3A_601] : memref<128x128xf32, #tpu.memory_space<vmem>>[vector<16xi32>, vector<16xi32>], vector<16xf32>,
          tpu.vector_store_idx %arg20[%add3A_437, %and3A_601], %gather3A_602 : memref<128x129xf32, #tpu.memory_space<vmem>>[vector<16xi32>, vector<16xi32>], vector<16xf32>,
          %mul3A_603 = arith.constant 16 : i32
          %mul3A_604 = arith.muli %scan3A_493, %mul3A_603 : i32
          %add3A_605 = arith.constant 11 : i32
          %add3A_606 = arith.addi %mul3A_604, %add3A_605 : i32
          %add3A_607 = vector.broadcast %add3A_606 : i32 to vector<16xi32>
          %add3A_608 = arith.addi %iota3A, %add3A_607 : vector<16xi32>
          %and3A_609 = arith.constant 127 : i32
          %and3A_610 = vector.broadcast %and3A_609 : i32 to vector<16xi32>
          %and3A_611 = arith.andi %add3A_608, %and3A_610 : vector<16xi32>
          %gather3A_612 = tpu.vector_load_idx %arg14[%add3A_437, %and3A_611] : memref<128x128xf32, #tpu.memory_space<vmem>>[vector<16xi32>, vector<16xi32>], vector<16xf32>,
          tpu.vector_store_idx %arg20[%add3A_437, %and3A_611], %gather3A_612 : memref<128x129xf32, #tpu.memory_space<vmem>>[vector<16xi32>, vector<16xi32>], vector<16xf32>,
          %mul3A_613 = arith.constant 16 : i32
          %mul3A_614 = arith.muli %scan3A_493, %mul3A_613 : i32
          %add3A_615 = arith.constant 12 : i32
          %add3A_616 = arith.addi %mul3A_614, %add3A_615 : i32
          %add3A_617 = vector.broadcast %add3A_616 : i32 to vector<16xi32>
          %add3A_618 = arith.addi %iota3A, %add3A_617 : vector<16xi32>
          %and3A_619 = arith.constant 127 : i32
          %and3A_620 = vector.broadcast %and3A_619 : i32 to vector<16xi32>
          %and3A_621 = arith.andi %add3A_618, %and3A_620 : vector<16xi32>
          %gather3A_622 = tpu.vector_load_idx %arg14[%add3A_437, %and3A_621] : memref<128x128xf32, #tpu.memory_space<vmem>>[vector<16xi32>, vector<16xi32>], vector<16xf32>,
          tpu.vector_store_idx %arg20[%add3A_437, %and3A_621], %gather3A_622 : memref<128x129xf32, #tpu.memory_space<vmem>>[vector<16xi32>, vector<16xi32>], vector<16xf32>,
          %mul3A_623 = arith.constant 16 : i32
          %mul3A_624 = arith.muli %scan3A_493, %mul3A_623 : i32
          %add3A_625 = arith.constant 13 : i32
          %add3A_626 = arith.addi %mul3A_624, %add3A_625 : i32
          %add3A_627 = vector.broadcast %add3A_626 : i32 to vector<16xi32>
          %add3A_628 = arith.addi %iota3A, %add3A_627 : vector<16xi32>
          %and3A_629 = arith.constant 127 : i32
          %and3A_630 = vector.broadcast %and3A_629 : i32 to vector<16xi32>
          %and3A_631 = arith.andi %add3A_628, %and3A_630 : vector<16xi32>
          %gather3A_632 = tpu.vector_load_idx %arg14[%add3A_437, %and3A_631] : memref<128x128xf32, #tpu.memory_space<vmem>>[vector<16xi32>, vector<16xi32>], vector<16xf32>,
          tpu.vector_store_idx %arg20[%add3A_437, %and3A_631], %gather3A_632 : memref<128x129xf32, #tpu.memory_space<vmem>>[vector<16xi32>, vector<16xi32>], vector<16xf32>,
          %mul3A_633 = arith.constant 16 : i32
          %mul3A_634 = arith.muli %scan3A_493, %mul3A_633 : i32
          %add3A_635 = arith.constant 14 : i32
          %add3A_636 = arith.addi %mul3A_634, %add3A_635 : i32
          %add3A_637 = vector.broadcast %add3A_636 : i32 to vector<16xi32>
          %add3A_638 = arith.addi %iota3A, %add3A_637 : vector<16xi32>
          %and3A_639 = arith.constant 127 : i32
          %and3A_640 = vector.broadcast %and3A_639 : i32 to vector<16xi32>
          %and3A_641 = arith.andi %add3A_638, %and3A_640 : vector<16xi32>
          %gather3A_642 = tpu.vector_load_idx %arg14[%add3A_437, %and3A_641] : memref<128x128xf32, #tpu.memory_space<vmem>>[vector<16xi32>, vector<16xi32>], vector<16xf32>,
          tpu.vector_store_idx %arg20[%add3A_437, %and3A_641], %gather3A_642 : memref<128x129xf32, #tpu.memory_space<vmem>>[vector<16xi32>, vector<16xi32>], vector<16xf32>,
          %mul3A_643 = arith.constant 16 : i32
          %mul3A_644 = arith.muli %scan3A_493, %mul3A_643 : i32
          %add3A_645 = arith.constant 15 : i32
          %add3A_646 = arith.addi %mul3A_644, %add3A_645 : i32
          %add3A_647 = vector.broadcast %add3A_646 : i32 to vector<16xi32>
          %add3A_648 = arith.addi %iota3A, %add3A_647 : vector<16xi32>
          %and3A_649 = arith.constant 127 : i32
          %and3A_650 = vector.broadcast %and3A_649 : i32 to vector<16xi32>
          %and3A_651 = arith.andi %add3A_648, %and3A_650 : vector<16xi32>
          %gather3A_652 = tpu.vector_load_idx %arg14[%add3A_437, %and3A_651] : memref<128x128xf32, #tpu.memory_space<vmem>>[vector<16xi32>, vector<16xi32>], vector<16xf32>,
          tpu.vector_store_idx %arg20[%add3A_437, %and3A_651], %gather3A_652 : memref<128x129xf32, #tpu.memory_space<vmem>>[vector<16xi32>, vector<16xi32>], vector<16xf32>,
        }
        %scan3A_443 = arith.constant 8 : i32
        %broadcast_in_dim3A = arith.constant 0.000000e+00 : f32
        %broadcast_in_dim3A_444 = vector.broadcast %broadcast_in_dim3A : f32 to vector<16xf32>
        %scan3A_445 = arith.constant 0 : i32
        %scan3A_446 = arith.constant 32 : i32
        %scan3A_447 = arith.addi %scan3A_445, %scan3A_446 : i32
        %scan3A_448 = arith.constant 1 : i32
        %scan3A_449:4 = scf.for %scan3A_493 = %scan3A_445 to %scan3A_447 step %scan3A_448 iter_args(%scan3A_494 = %broadcast_in_dim3A_444, %scan3A_495 = %broadcast_in_dim3A_444, %scan3A_496 = %broadcast_in_dim3A_444, %scan3A_497 = %broadcast_in_dim3A_444) -> (vector<16xf32>, vector<16xf32>, vector<16xf32>, vector<16xf32>)  : i32 {
          %add3A_498 = vector.broadcast %scan3A_493 : i32 to vector<16xi32>
          %add3A_499 = arith.addi %iota3A, %add3A_498 : vector<16xi32>
          %and3A = arith.constant 31 : i32
          %and3A_500 = vector.broadcast %and3A : i32 to vector<16xi32>
          %and3A_501 = arith.andi %add3A_499, %and3A_500 : vector<16xi32>
          %gather3A_502 = tpu.vector_load_idx %arg16[%add3A_437, %and3A_501] : memref<128x32xf32, #tpu.memory_space<vmem>>[vector<16xi32>, vector<16xi32>], vector<16xf32>,
          %broadcast_in_dim3A_503 = arith.constant 0.000000e+00 : f32
          %broadcast_in_dim3A_504 = vector.broadcast %broadcast_in_dim3A_503 : f32 to vector<16xf32>
          tpu.vector_store_idx %arg16[%add3A_437, %and3A_501], %broadcast_in_dim3A_504 : memref<128x32xf32, #tpu.memory_space<vmem>>[vector<16xi32>, vector<16xi32>], vector<16xf32>,
          %mul3A_505 = arith.constant 4 : i32
          %mul3A_506 = vector.broadcast %mul3A_505 : i32 to vector<16xi32>
          %mul3A_507 = arith.muli %and3A_501, %mul3A_506 : vector<16xi32>
          %mul3A_508 = arith.mulf %gather3A_502, %get3A_8 : vector<16xf32>
          %add3A_509 = arith.constant 0 : i32
          %add3A_510 = vector.broadcast %add3A_509 : i32 to vector<16xi32>
          %add3A_511 = arith.addi %mul3A_507, %add3A_510 : vector<16xi32>
          %gather3A_512 = tpu.vector_load_idx %arg20[%add3A_437, %add3A_511] : memref<128x129xf32, #tpu.memory_space<vmem>>[vector<16xi32>, vector<16xi32>], vector<16xf32>,
          %mul3A_513 = arith.mulf %mul3A_508, %gather3A_512 : vector<16xf32>
          %add3A_514 = arith.addf %scan3A_494, %mul3A_513 : vector<16xf32>
          %mul3A_515 = arith.mulf %gather3A_502, %get3A_8 : vector<16xf32>
          %add3A_516 = arith.constant 1 : i32
          %add3A_517 = vector.broadcast %add3A_516 : i32 to vector<16xi32>
          %add3A_518 = arith.addi %mul3A_507, %add3A_517 : vector<16xi32>
          %gather3A_519 = tpu.vector_load_idx %arg20[%add3A_437, %add3A_518] : memref<128x129xf32, #tpu.memory_space<vmem>>[vector<16xi32>, vector<16xi32>], vector<16xf32>,
          %mul3A_520 = arith.mulf %mul3A_515, %gather3A_519 : vector<16xf32>
          %add3A_521 = arith.addf %scan3A_495, %mul3A_520 : vector<16xf32>
          %mul3A_522 = arith.mulf %gather3A_502, %get3A_8 : vector<16xf32>
          %add3A_523 = arith.constant 2 : i32
          %add3A_524 = vector.broadcast %add3A_523 : i32 to vector<16xi32>
          %add3A_525 = arith.addi %mul3A_507, %add3A_524 : vector<16xi32>
          %gather3A_526 = tpu.vector_load_idx %arg20[%add3A_437, %add3A_525] : memref<128x129xf32, #tpu.memory_space<vmem>>[vector<16xi32>, vector<16xi32>], vector<16xf32>,
          %mul3A_527 = arith.mulf %mul3A_522, %gather3A_526 : vector<16xf32>
          %add3A_528 = arith.addf %scan3A_496, %mul3A_527 : vector<16xf32>
          %mul3A_529 = arith.mulf %gather3A_502, %get3A_8 : vector<16xf32>
          %add3A_530 = arith.constant 3 : i32
          %add3A_531 = vector.broadcast %add3A_530 : i32 to vector<16xi32>
          %add3A_532 = arith.addi %mul3A_507, %add3A_531 : vector<16xi32>
          %gather3A_533 = tpu.vector_load_idx %arg20[%add3A_437, %add3A_532] : memref<128x129xf32, #tpu.memory_space<vmem>>[vector<16xi32>, vector<16xi32>], vector<16xf32>,
          %mul3A_534 = arith.mulf %mul3A_529, %gather3A_533 : vector<16xf32>
          %add3A_535 = arith.addf %scan3A_497, %mul3A_534 : vector<16xf32>
          scf.yield %add3A_514, %add3A_521, %add3A_528, %add3A_535 : vector<16xf32>, vector<16xf32>, vector<16xf32>, vector<16xf32>
        }
        %scan3A_450 = arith.constant 32 : i32
        %mul3A_451 = arith.constant 4 : i32
        %mul3A_452 = vector.broadcast %mul3A_451 : i32 to vector<16xi32>
        %mul3A_453 = arith.muli %add3A_437, %mul3A_452 : vector<16xi32>
        %add3A_454 = arith.constant 0 : i32
        %add3A_455 = vector.broadcast %add3A_454 : i32 to vector<16xi32>
        %add3A_456 = arith.addi %mul3A_453, %add3A_455 : vector<16xi32>
        %gather3A = tpu.vector_load_idx %arg11[%add3A_456] : memref<512xf32, #tpu.memory_space<vmem>>[vector<16xi32>], vector<16xf32>,
        %sub3A = arith.subf %scan3A_449#0, %gather3A : vector<16xf32>
        %add3A_457 = arith.constant 1 : i32
        %add3A_458 = vector.broadcast %add3A_457 : i32 to vector<16xi32>
        %add3A_459 = arith.addi %mul3A_453, %add3A_458 : vector<16xi32>
        %gather3A_460 = tpu.vector_load_idx %arg11[%add3A_459] : memref<512xf32, #tpu.memory_space<vmem>>[vector<16xi32>], vector<16xf32>,
        %sub3A_461 = arith.subf %scan3A_449#1, %gather3A_460 : vector<16xf32>
        %add3A_462 = arith.constant 2 : i32
        %add3A_463 = vector.broadcast %add3A_462 : i32 to vector<16xi32>
        %add3A_464 = arith.addi %mul3A_453, %add3A_463 : vector<16xi32>
        %gather3A_465 = tpu.vector_load_idx %arg11[%add3A_464] : memref<512xf32, #tpu.memory_space<vmem>>[vector<16xi32>], vector<16xf32>,
        %sub3A_466 = arith.subf %scan3A_449#2, %gather3A_465 : vector<16xf32>
        %add3A_467 = arith.constant 3 : i32
        %add3A_468 = vector.broadcast %add3A_467 : i32 to vector<16xi32>
        %add3A_469 = arith.addi %mul3A_453, %add3A_468 : vector<16xi32>
        %gather3A_470 = tpu.vector_load_idx %arg11[%add3A_469] : memref<512xf32, #tpu.memory_space<vmem>>[vector<16xi32>], vector<16xf32>,
        %sub3A_471 = arith.subf %scan3A_449#3, %gather3A_470 : vector<16xf32>
        %max3A = arith.maximumf %sub3A, %sub3A_461 : vector<16xf32>
        %max3A_472 = arith.maximumf %sub3A_466, %sub3A_471 : vector<16xf32>
        %max3A_473 = arith.maximumf %max3A, %max3A_472 : vector<16xf32>
        %sub3A_474 = arith.subf %sub3A, %max3A_473 : vector<16xf32>
        %exp3A = math.exp %sub3A_474 : vector<16xf32>
        %sub3A_475 = arith.subf %sub3A_461, %max3A_473 : vector<16xf32>
        %exp3A_476 = math.exp %sub3A_475 : vector<16xf32>
        %sub3A_477 = arith.subf %sub3A_466, %max3A_473 : vector<16xf32>
        %exp3A_478 = math.exp %sub3A_477 : vector<16xf32>
        %sub3A_479 = arith.subf %sub3A_471, %max3A_473 : vector<16xf32>
        %exp3A_480 = math.exp %sub3A_479 : vector<16xf32>
        %add3A_481 = arith.addf %exp3A, %exp3A_476 : vector<16xf32>
        %add3A_482 = arith.addf %exp3A_478, %exp3A_480 : vector<16xf32>
        %add3A_483 = arith.addf %add3A_481, %add3A_482 : vector<16xf32>
        %div3A = arith.divf %exp3A, %add3A_483 : vector<16xf32>
        %div3A_484 = arith.divf %exp3A_476, %add3A_483 : vector<16xf32>
        %div3A_485 = arith.divf %exp3A_478, %add3A_483 : vector<16xf32>
        %div3A_486 = arith.divf %exp3A_480, %add3A_483 : vector<16xf32>
        %scan3A_487 = arith.constant 0 : i32
        %scan3A_488 = arith.constant 0 : i32
        %scan3A_489 = arith.constant 32 : i32
        %scan3A_490 = arith.addi %scan3A_488, %scan3A_489 : i32
        %scan3A_491 = arith.constant 1 : i32
        scf.for %scan3A_493 = %scan3A_488 to %scan3A_490 step %scan3A_491  : i32 {
          %add3A_494 = vector.broadcast %scan3A_493 : i32 to vector<16xi32>
          %add3A_495 = arith.addi %iota3A, %add3A_494 : vector<16xi32>
          %and3A = arith.constant 31 : i32
          %and3A_496 = vector.broadcast %and3A : i32 to vector<16xi32>
          %and3A_497 = arith.andi %add3A_495, %and3A_496 : vector<16xi32>
          %mul3A_498 = arith.constant 4 : i32
          %mul3A_499 = vector.broadcast %mul3A_498 : i32 to vector<16xi32>
          %mul3A_500 = arith.muli %and3A_497, %mul3A_499 : vector<16xi32>
          %gather3A_501 = tpu.vector_load_idx %arg20[%add3A_437, %mul3A_500] : memref<128x129xf32, #tpu.memory_space<vmem>>[vector<16xi32>, vector<16xi32>], vector<16xf32>,
          %mul3A_502 = arith.mulf %div3A, %gather3A_501 : vector<16xf32>
          %add3A_503 = arith.constant 1 : i32
          %add3A_504 = vector.broadcast %add3A_503 : i32 to vector<16xi32>
          %add3A_505 = arith.addi %mul3A_500, %add3A_504 : vector<16xi32>
          %gather3A_506 = tpu.vector_load_idx %arg20[%add3A_437, %add3A_505] : memref<128x129xf32, #tpu.memory_space<vmem>>[vector<16xi32>, vector<16xi32>], vector<16xf32>,
          %mul3A_507 = arith.mulf %div3A_484, %gather3A_506 : vector<16xf32>
          %add3A_508 = arith.addf %mul3A_502, %mul3A_507 : vector<16xf32>
          %add3A_509 = arith.constant 2 : i32
          %add3A_510 = vector.broadcast %add3A_509 : i32 to vector<16xi32>
          %add3A_511 = arith.addi %mul3A_500, %add3A_510 : vector<16xi32>
          %gather3A_512 = tpu.vector_load_idx %arg20[%add3A_437, %add3A_511] : memref<128x129xf32, #tpu.memory_space<vmem>>[vector<16xi32>, vector<16xi32>], vector<16xf32>,
          %mul3A_513 = arith.mulf %div3A_485, %gather3A_512 : vector<16xf32>
          %add3A_514 = arith.addf %add3A_508, %mul3A_513 : vector<16xf32>
          %add3A_515 = arith.constant 3 : i32
          %add3A_516 = vector.broadcast %add3A_515 : i32 to vector<16xi32>
          %add3A_517 = arith.addi %mul3A_500, %add3A_516 : vector<16xi32>
          %gather3A_518 = tpu.vector_load_idx %arg20[%add3A_437, %add3A_517] : memref<128x129xf32, #tpu.memory_space<vmem>>[vector<16xi32>, vector<16xi32>], vector<16xf32>,
          %mul3A_519 = arith.mulf %div3A_486, %gather3A_518 : vector<16xf32>
          %add3A_520 = arith.addf %add3A_514, %mul3A_519 : vector<16xf32>
          tpu.vector_store_idx %arg18[%add3A_437, %and3A_497], %add3A_520 : memref<128x32xf32, #tpu.memory_space<vmem>>[vector<16xi32>, vector<16xi32>], vector<16xf32>,
        }
        %scan3A_492 = arith.constant 32 : i32
      }
      %scan3A_279 = arith.constant 8 : i32
      %mul3A_280 = arith.constant 6400 : i32
      %mul3A_281 = arith.muli %add3A, %mul3A_280 : i32
      %mul3A_282 = arith.constant 128 : i32
      %mul3A_283 = arith.muli %add3A_166, %mul3A_282 : i32
      %add3A_284 = arith.addi %mul3A_281, %mul3A_283 : i32
      %multiple_of3A_285 = tpu.assume_multiple %add3A_284, 16 : i32
      %dma_start3A_286 = arith.constant 0 : i32
      %dma_start3A_287 = tpu.memref_slice %arg8[%multiple_of3A_285, %dma_start3A_286] : memref<204800x32xf32, #tpu.memory_space<hbm>> -> memref<128x32xf32, #tpu.memory_space<hbm>>
      %dma_start3A_288 = arith.constant 0 : i32
      %dma_start3A_289 = tpu.memref_slice %arg8[%multiple_of3A_285, %dma_start3A_288] : memref<204800x32xf32, #tpu.memory_space<hbm>> -> memref<128x32xf32, #tpu.memory_space<hbm>>
      tpu.enqueue_dma source(%arg18 : memref<128x32xf32, #tpu.memory_space<vmem>>) target(%dma_start3A_289 : memref<128x32xf32, #tpu.memory_space<hbm>>) target_semaphore(%arg25 : memref<!tpu.dma_semaphore, #tpu.memory_space<semaphore_mem>>)
      %add3A_290 = arith.constant 2 : i32
      %add3A_291 = arith.addi %add3A_166, %add3A_290 : i32
      %lt3A = arith.constant 50 : i32
      %lt3A_292 = arith.cmpi slt, %add3A_291, %lt3A : i32
      %convert_element_type3A_293 = arith.extui %lt3A_292 : i1 to i32
      %cond3A_294 = arith.constant 0 : i32
      %cond3A_295 = arith.cmpi ne, %convert_element_type3A_293, %cond3A_294 : i32
      scf.if %cond3A_295 {
        %add3A_433 = arith.constant 2 : i32
        %add3A_434 = arith.addi %add3A_166, %add3A_433 : i32
        %mul3A_435 = arith.constant 128 : i32
        %mul3A_436 = arith.muli %add3A_434, %mul3A_435 : i32
        %multiple_of3A_437 = tpu.assume_multiple %mul3A_436, 128 : i32
        %mul3A_438 = arith.constant 128 : i32
        %mul3A_439 = arith.muli %add3A_434, %mul3A_438 : i32
        %mul3A_440 = arith.constant 8 : i32
        %mul3A_441 = arith.muli %mul3A_439, %mul3A_440 : i32
        %add3A_442 = arith.constant 0 : i32
        %add3A_443 = arith.addi %mul3A_441, %add3A_442 : i32
        %multiple_of3A_444 = tpu.assume_multiple %add3A_443, 128 : i32
        %mul3A_445 = arith.constant 128 : i32
        %mul3A_446 = arith.muli %add3A_434, %mul3A_445 : i32
        %mul3A_447 = arith.constant 8 : i32
        %mul3A_448 = arith.muli %mul3A_446, %mul3A_447 : i32
        %add3A_449 = arith.constant 128 : i32
        %add3A_450 = arith.addi %mul3A_448, %add3A_449 : i32
        %multiple_of3A_451 = tpu.assume_multiple %add3A_450, 128 : i32
        %mul3A_452 = arith.constant 128 : i32
        %mul3A_453 = arith.muli %add3A_434, %mul3A_452 : i32
        %mul3A_454 = arith.constant 8 : i32
        %mul3A_455 = arith.muli %mul3A_453, %mul3A_454 : i32
        %add3A_456 = arith.constant 256 : i32
        %add3A_457 = arith.addi %mul3A_455, %add3A_456 : i32
        %multiple_of3A_458 = tpu.assume_multiple %add3A_457, 128 : i32
        %mul3A_459 = arith.constant 128 : i32
        %mul3A_460 = arith.muli %add3A_434, %mul3A_459 : i32
        %mul3A_461 = arith.constant 8 : i32
        %mul3A_462 = arith.muli %mul3A_460, %mul3A_461 : i32
        %add3A_463 = arith.constant 384 : i32
        %add3A_464 = arith.addi %mul3A_462, %add3A_463 : i32
        %multiple_of3A_465 = tpu.assume_multiple %add3A_464, 128 : i32
        %mul3A_466 = arith.constant 128 : i32
        %mul3A_467 = arith.muli %add3A_434, %mul3A_466 : i32
        %mul3A_468 = arith.constant 8 : i32
        %mul3A_469 = arith.muli %mul3A_467, %mul3A_468 : i32
        %add3A_470 = arith.constant 512 : i32
        %add3A_471 = arith.addi %mul3A_469, %add3A_470 : i32
        %multiple_of3A_472 = tpu.assume_multiple %add3A_471, 128 : i32
        %mul3A_473 = arith.constant 128 : i32
        %mul3A_474 = arith.muli %add3A_434, %mul3A_473 : i32
        %mul3A_475 = arith.constant 8 : i32
        %mul3A_476 = arith.muli %mul3A_474, %mul3A_475 : i32
        %add3A_477 = arith.constant 640 : i32
        %add3A_478 = arith.addi %mul3A_476, %add3A_477 : i32
        %multiple_of3A_479 = tpu.assume_multiple %add3A_478, 128 : i32
        %mul3A_480 = arith.constant 128 : i32
        %mul3A_481 = arith.muli %add3A_434, %mul3A_480 : i32
        %mul3A_482 = arith.constant 8 : i32
        %mul3A_483 = arith.muli %mul3A_481, %mul3A_482 : i32
        %add3A_484 = arith.constant 768 : i32
        %add3A_485 = arith.addi %mul3A_483, %add3A_484 : i32
        %multiple_of3A_486 = tpu.assume_multiple %add3A_485, 128 : i32
        %mul3A_487 = arith.constant 128 : i32
        %mul3A_488 = arith.muli %add3A_434, %mul3A_487 : i32
        %mul3A_489 = arith.constant 8 : i32
        %mul3A_490 = arith.muli %mul3A_488, %mul3A_489 : i32
        %add3A_491 = arith.constant 896 : i32
        %add3A_492 = arith.addi %mul3A_490, %add3A_491 : i32
        %multiple_of3A_493 = tpu.assume_multiple %add3A_492, 128 : i32
        %dma_start3A_494 = tpu.memref_slice %arg9[%multiple_of3A_437] : memref<6400xi32, #tpu.memory_space<vmem>> -> memref<128xi32, #tpu.memory_space<vmem>>
        %dma_start3A_495 = arith.constant 0 : i32
        %dma_start3A_496 = arith.constant 0 : i32
        %dma_start3A_497 = tpu.memref_slice %arg6[%dma_start3A_495, %dma_start3A_496] : memref<1000000x128xf32, #tpu.memory_space<hbm>> -> memref<1000000x128xf32, #tpu.memory_space<hbm>>
        tpu.enqueue_indirect_dma source(%dma_start3A_497 : memref<1000000x128xf32, #tpu.memory_space<hbm>>) target(%arg14 : memref<128x128xf32, #tpu.memory_space<vmem>>) offsets(%dma_start3A_494 : memref<128xi32, #tpu.memory_space<vmem>>) semaphore(%arg23 : memref<!tpu.dma_semaphore, #tpu.memory_space<semaphore_mem>>)
        %dma_start3A_498 = tpu.memref_slice %arg10[%multiple_of3A_444] : memref<51200xi32, #tpu.memory_space<vmem>> -> memref<128xi32, #tpu.memory_space<vmem>>
        %dma_start3A_499 = arith.constant 0 : i32
        %dma_start3A_500 = arith.constant 0 : i32
        %dma_start3A_501 = tpu.memref_slice %arg7[%dma_start3A_499, %dma_start3A_500] : memref<1000000x32xf32, #tpu.memory_space<hbm>> -> memref<1000000x32xf32, #tpu.memory_space<hbm>>
        tpu.enqueue_indirect_dma source(%dma_start3A_501 : memref<1000000x32xf32, #tpu.memory_space<hbm>>) target(%arg16 : memref<128x32xf32, #tpu.memory_space<vmem>>) offsets(%dma_start3A_498 : memref<128xi32, #tpu.memory_space<vmem>>) semaphore(%arg23 : memref<!tpu.dma_semaphore, #tpu.memory_space<semaphore_mem>>) {add = true}
        %dma_start3A_502 = tpu.memref_slice %arg10[%multiple_of3A_451] : memref<51200xi32, #tpu.memory_space<vmem>> -> memref<128xi32, #tpu.memory_space<vmem>>
        %dma_start3A_503 = arith.constant 0 : i32
        %dma_start3A_504 = arith.constant 0 : i32
        %dma_start3A_505 = tpu.memref_slice %arg7[%dma_start3A_503, %dma_start3A_504] : memref<1000000x32xf32, #tpu.memory_space<hbm>> -> memref<1000000x32xf32, #tpu.memory_space<hbm>>
        tpu.enqueue_indirect_dma source(%dma_start3A_505 : memref<1000000x32xf32, #tpu.memory_space<hbm>>) target(%arg16 : memref<128x32xf32, #tpu.memory_space<vmem>>) offsets(%dma_start3A_502 : memref<128xi32, #tpu.memory_space<vmem>>) semaphore(%arg23 : memref<!tpu.dma_semaphore, #tpu.memory_space<semaphore_mem>>) {add = true}
        %dma_start3A_506 = tpu.memref_slice %arg10[%multiple_of3A_458] : memref<51200xi32, #tpu.memory_space<vmem>> -> memref<128xi32, #tpu.memory_space<vmem>>
        %dma_start3A_507 = arith.constant 0 : i32
        %dma_start3A_508 = arith.constant 0 : i32
        %dma_start3A_509 = tpu.memref_slice %arg7[%dma_start3A_507, %dma_start3A_508] : memref<1000000x32xf32, #tpu.memory_space<hbm>> -> memref<1000000x32xf32, #tpu.memory_space<hbm>>
        tpu.enqueue_indirect_dma source(%dma_start3A_509 : memref<1000000x32xf32, #tpu.memory_space<hbm>>) target(%arg16 : memref<128x32xf32, #tpu.memory_space<vmem>>) offsets(%dma_start3A_506 : memref<128xi32, #tpu.memory_space<vmem>>) semaphore(%arg23 : memref<!tpu.dma_semaphore, #tpu.memory_space<semaphore_mem>>) {add = true}
        %dma_start3A_510 = tpu.memref_slice %arg10[%multiple_of3A_465] : memref<51200xi32, #tpu.memory_space<vmem>> -> memref<128xi32, #tpu.memory_space<vmem>>
        %dma_start3A_511 = arith.constant 0 : i32
        %dma_start3A_512 = arith.constant 0 : i32
        %dma_start3A_513 = tpu.memref_slice %arg7[%dma_start3A_511, %dma_start3A_512] : memref<1000000x32xf32, #tpu.memory_space<hbm>> -> memref<1000000x32xf32, #tpu.memory_space<hbm>>
        tpu.enqueue_indirect_dma source(%dma_start3A_513 : memref<1000000x32xf32, #tpu.memory_space<hbm>>) target(%arg16 : memref<128x32xf32, #tpu.memory_space<vmem>>) offsets(%dma_start3A_510 : memref<128xi32, #tpu.memory_space<vmem>>) semaphore(%arg23 : memref<!tpu.dma_semaphore, #tpu.memory_space<semaphore_mem>>) {add = true}
        %dma_start3A_514 = tpu.memref_slice %arg10[%multiple_of3A_472] : memref<51200xi32, #tpu.memory_space<vmem>> -> memref<128xi32, #tpu.memory_space<vmem>>
        %dma_start3A_515 = arith.constant 0 : i32
        %dma_start3A_516 = arith.constant 0 : i32
        %dma_start3A_517 = tpu.memref_slice %arg7[%dma_start3A_515, %dma_start3A_516] : memref<1000000x32xf32, #tpu.memory_space<hbm>> -> memref<1000000x32xf32, #tpu.memory_space<hbm>>
        tpu.enqueue_indirect_dma source(%dma_start3A_517 : memref<1000000x32xf32, #tpu.memory_space<hbm>>) target(%arg16 : memref<128x32xf32, #tpu.memory_space<vmem>>) offsets(%dma_start3A_514 : memref<128xi32, #tpu.memory_space<vmem>>) semaphore(%arg23 : memref<!tpu.dma_semaphore, #tpu.memory_space<semaphore_mem>>) {add = true}
        %dma_start3A_518 = tpu.memref_slice %arg10[%multiple_of3A_479] : memref<51200xi32, #tpu.memory_space<vmem>> -> memref<128xi32, #tpu.memory_space<vmem>>
        %dma_start3A_519 = arith.constant 0 : i32
        %dma_start3A_520 = arith.constant 0 : i32
        %dma_start3A_521 = tpu.memref_slice %arg7[%dma_start3A_519, %dma_start3A_520] : memref<1000000x32xf32, #tpu.memory_space<hbm>> -> memref<1000000x32xf32, #tpu.memory_space<hbm>>
        tpu.enqueue_indirect_dma source(%dma_start3A_521 : memref<1000000x32xf32, #tpu.memory_space<hbm>>) target(%arg16 : memref<128x32xf32, #tpu.memory_space<vmem>>) offsets(%dma_start3A_518 : memref<128xi32, #tpu.memory_space<vmem>>) semaphore(%arg23 : memref<!tpu.dma_semaphore, #tpu.memory_space<semaphore_mem>>) {add = true}
        %dma_start3A_522 = tpu.memref_slice %arg10[%multiple_of3A_486] : memref<51200xi32, #tpu.memory_space<vmem>> -> memref<128xi32, #tpu.memory_space<vmem>>
        %dma_start3A_523 = arith.constant 0 : i32
        %dma_start3A_524 = arith.constant 0 : i32
        %dma_start3A_525 = tpu.memref_slice %arg7[%dma_start3A_523, %dma_start3A_524] : memref<1000000x32xf32, #tpu.memory_space<hbm>> -> memref<1000000x32xf32, #tpu.memory_space<hbm>>
        tpu.enqueue_indirect_dma source(%dma_start3A_525 : memref<1000000x32xf32, #tpu.memory_space<hbm>>) target(%arg16 : memref<128x32xf32, #tpu.memory_space<vmem>>) offsets(%dma_start3A_522 : memref<128xi32, #tpu.memory_space<vmem>>) semaphore(%arg23 : memref<!tpu.dma_semaphore, #tpu.memory_space<semaphore_mem>>) {add = true}
        %dma_start3A_526 = tpu.memref_slice %arg10[%multiple_of3A_493] : memref<51200xi32, #tpu.memory_space<vmem>> -> memref<128xi32, #tpu.memory_space<vmem>>
        %dma_start3A_527 = arith.constant 0 : i32
        %dma_start3A_528 = arith.constant 0 : i32
        %dma_start3A_529 = tpu.memref_slice %arg7[%dma_start3A_527, %dma_start3A_528] : memref<1000000x32xf32, #tpu.memory_space<hbm>> -> memref<1000000x32xf32, #tpu.memory_space<hbm>>
        tpu.enqueue_indirect_dma source(%dma_start3A_529 : memref<1000000x32xf32, #tpu.memory_space<hbm>>) target(%arg16 : memref<128x32xf32, #tpu.memory_space<vmem>>) offsets(%dma_start3A_526 : memref<128xi32, #tpu.memory_space<vmem>>) semaphore(%arg23 : memref<!tpu.dma_semaphore, #tpu.memory_space<semaphore_mem>>) {add = true}
        %add3A_530 = arith.constant 2 : i32
        %add3A_531 = arith.addi %add3A_166, %add3A_530 : i32
        %mul3A_532 = arith.constant 6400 : i32
        %mul3A_533 = arith.muli %add3A, %mul3A_532 : i32
        %mul3A_534 = arith.constant 128 : i32
        %mul3A_535 = arith.muli %add3A_531, %mul3A_534 : i32
        %add3A_536 = arith.addi %mul3A_533, %mul3A_535 : i32
        %multiple_of3A_537 = tpu.assume_multiple %add3A_536, 16 : i32
        %mul3A_538 = arith.constant 4 : i32
        %mul3A_539 = arith.muli %multiple_of3A_537, %mul3A_538 : i32
        %dma_start3A_540 = tpu.memref_slice %arg4[%mul3A_539] : memref<819200xf32, #tpu.memory_space<hbm>> -> memref<512xf32, #tpu.memory_space<hbm>>
        %dma_start3A_541 = tpu.memref_slice %arg4[%mul3A_539] : memref<819200xf32, #tpu.memory_space<hbm>> -> memref<512xf32, #tpu.memory_space<hbm>>
        tpu.enqueue_dma source(%dma_start3A_541 : memref<512xf32, #tpu.memory_space<hbm>>) target(%arg11 : memref<512xf32, #tpu.memory_space<vmem>>) target_semaphore(%arg21 : memref<!tpu.dma_semaphore, #tpu.memory_space<semaphore_mem>>)
      } else {
      }
      %mul3A_296 = arith.constant 2 : i32
      %mul3A_297 = arith.muli %scan3A_162, %mul3A_296 : i32
      %add3A_298 = arith.constant 1 : i32
      %add3A_299 = arith.addi %mul3A_297, %add3A_298 : i32
      %mul3A_300 = arith.constant 128 : i32
      %mul3A_301 = arith.muli %add3A_299, %mul3A_300 : i32
      %multiple_of3A_302 = tpu.assume_multiple %mul3A_301, 128 : i32
      %mul3A_303 = arith.constant 128 : i32
      %mul3A_304 = arith.muli %add3A_299, %mul3A_303 : i32
      %mul3A_305 = arith.constant 8 : i32
      %mul3A_306 = arith.muli %mul3A_304, %mul3A_305 : i32
      %add3A_307 = arith.constant 0 : i32
      %add3A_308 = arith.addi %mul3A_306, %add3A_307 : i32
      %multiple_of3A_309 = tpu.assume_multiple %add3A_308, 128 : i32
      %mul3A_310 = arith.constant 128 : i32
      %mul3A_311 = arith.muli %add3A_299, %mul3A_310 : i32
      %mul3A_312 = arith.constant 8 : i32
      %mul3A_313 = arith.muli %mul3A_311, %mul3A_312 : i32
      %add3A_314 = arith.constant 128 : i32
      %add3A_315 = arith.addi %mul3A_313, %add3A_314 : i32
      %multiple_of3A_316 = tpu.assume_multiple %add3A_315, 128 : i32
      %mul3A_317 = arith.constant 128 : i32
      %mul3A_318 = arith.muli %add3A_299, %mul3A_317 : i32
      %mul3A_319 = arith.constant 8 : i32
      %mul3A_320 = arith.muli %mul3A_318, %mul3A_319 : i32
      %add3A_321 = arith.constant 256 : i32
      %add3A_322 = arith.addi %mul3A_320, %add3A_321 : i32
      %multiple_of3A_323 = tpu.assume_multiple %add3A_322, 128 : i32
      %mul3A_324 = arith.constant 128 : i32
      %mul3A_325 = arith.muli %add3A_299, %mul3A_324 : i32
      %mul3A_326 = arith.constant 8 : i32
      %mul3A_327 = arith.muli %mul3A_325, %mul3A_326 : i32
      %add3A_328 = arith.constant 384 : i32
      %add3A_329 = arith.addi %mul3A_327, %add3A_328 : i32
      %multiple_of3A_330 = tpu.assume_multiple %add3A_329, 128 : i32
      %mul3A_331 = arith.constant 128 : i32
      %mul3A_332 = arith.muli %add3A_299, %mul3A_331 : i32
      %mul3A_333 = arith.constant 8 : i32
      %mul3A_334 = arith.muli %mul3A_332, %mul3A_333 : i32
      %add3A_335 = arith.constant 512 : i32
      %add3A_336 = arith.addi %mul3A_334, %add3A_335 : i32
      %multiple_of3A_337 = tpu.assume_multiple %add3A_336, 128 : i32
      %mul3A_338 = arith.constant 128 : i32
      %mul3A_339 = arith.muli %add3A_299, %mul3A_338 : i32
      %mul3A_340 = arith.constant 8 : i32
      %mul3A_341 = arith.muli %mul3A_339, %mul3A_340 : i32
      %add3A_342 = arith.constant 640 : i32
      %add3A_343 = arith.addi %mul3A_341, %add3A_342 : i32
      %multiple_of3A_344 = tpu.assume_multiple %add3A_343, 128 : i32
      %mul3A_345 = arith.constant 128 : i32
      %mul3A_346 = arith.muli %add3A_299, %mul3A_345 : i32
      %mul3A_347 = arith.constant 8 : i32
      %mul3A_348 = arith.muli %mul3A_346, %mul3A_347 : i32
      %add3A_349 = arith.constant 768 : i32
      %add3A_350 = arith.addi %mul3A_348, %add3A_349 : i32
      %multiple_of3A_351 = tpu.assume_multiple %add3A_350, 128 : i32
      %mul3A_352 = arith.constant 128 : i32
      %mul3A_353 = arith.muli %add3A_299, %mul3A_352 : i32
      %mul3A_354 = arith.constant 8 : i32
      %mul3A_355 = arith.muli %mul3A_353, %mul3A_354 : i32
      %add3A_356 = arith.constant 896 : i32
      %add3A_357 = arith.addi %mul3A_355, %add3A_356 : i32
      %multiple_of3A_358 = tpu.assume_multiple %add3A_357, 128 : i32
      %dma_wait3A_359 = tpu.memref_slice %arg9[%multiple_of3A_302] : memref<6400xi32, #tpu.memory_space<vmem>> -> memref<128xi32, #tpu.memory_space<vmem>>
      %dma_wait3A_360 = arith.constant 0 : i32
      %dma_wait3A_361 = arith.constant 0 : i32
      %dma_wait3A_362 = tpu.memref_slice %arg6[%dma_wait3A_360, %dma_wait3A_361] : memref<1000000x128xf32, #tpu.memory_space<hbm>> -> memref<1000000x128xf32, #tpu.memory_space<hbm>>
      tpu.wait_indirect_dma semaphore(%arg24 : memref<!tpu.dma_semaphore, #tpu.memory_space<semaphore_mem>>) src(%dma_wait3A_362 : memref<1000000x128xf32, #tpu.memory_space<hbm>>) dst(%arg15 : memref<128x128xf32, #tpu.memory_space<vmem>>)
      %dma_wait3A_363 = tpu.memref_slice %arg10[%multiple_of3A_309] : memref<51200xi32, #tpu.memory_space<vmem>> -> memref<128xi32, #tpu.memory_space<vmem>>
      %dma_wait3A_364 = arith.constant 0 : i32
      %dma_wait3A_365 = arith.constant 0 : i32
      %dma_wait3A_366 = tpu.memref_slice %arg7[%dma_wait3A_364, %dma_wait3A_365] : memref<1000000x32xf32, #tpu.memory_space<hbm>> -> memref<1000000x32xf32, #tpu.memory_space<hbm>>
      tpu.wait_indirect_dma semaphore(%arg24 : memref<!tpu.dma_semaphore, #tpu.memory_space<semaphore_mem>>) src(%dma_wait3A_366 : memref<1000000x32xf32, #tpu.memory_space<hbm>>) dst(%arg17 : memref<128x32xf32, #tpu.memory_space<vmem>>)
      %dma_wait3A_367 = tpu.memref_slice %arg10[%multiple_of3A_316] : memref<51200xi32, #tpu.memory_space<vmem>> -> memref<128xi32, #tpu.memory_space<vmem>>
      %dma_wait3A_368 = arith.constant 0 : i32
      %dma_wait3A_369 = arith.constant 0 : i32
      %dma_wait3A_370 = tpu.memref_slice %arg7[%dma_wait3A_368, %dma_wait3A_369] : memref<1000000x32xf32, #tpu.memory_space<hbm>> -> memref<1000000x32xf32, #tpu.memory_space<hbm>>
      tpu.wait_indirect_dma semaphore(%arg24 : memref<!tpu.dma_semaphore, #tpu.memory_space<semaphore_mem>>) src(%dma_wait3A_370 : memref<1000000x32xf32, #tpu.memory_space<hbm>>) dst(%arg17 : memref<128x32xf32, #tpu.memory_space<vmem>>)
      %dma_wait3A_371 = tpu.memref_slice %arg10[%multiple_of3A_323] : memref<51200xi32, #tpu.memory_space<vmem>> -> memref<128xi32, #tpu.memory_space<vmem>>
      %dma_wait3A_372 = arith.constant 0 : i32
      %dma_wait3A_373 = arith.constant 0 : i32
      %dma_wait3A_374 = tpu.memref_slice %arg7[%dma_wait3A_372, %dma_wait3A_373] : memref<1000000x32xf32, #tpu.memory_space<hbm>> -> memref<1000000x32xf32, #tpu.memory_space<hbm>>
      tpu.wait_indirect_dma semaphore(%arg24 : memref<!tpu.dma_semaphore, #tpu.memory_space<semaphore_mem>>) src(%dma_wait3A_374 : memref<1000000x32xf32, #tpu.memory_space<hbm>>) dst(%arg17 : memref<128x32xf32, #tpu.memory_space<vmem>>)
      %dma_wait3A_375 = tpu.memref_slice %arg10[%multiple_of3A_330] : memref<51200xi32, #tpu.memory_space<vmem>> -> memref<128xi32, #tpu.memory_space<vmem>>
      %dma_wait3A_376 = arith.constant 0 : i32
      %dma_wait3A_377 = arith.constant 0 : i32
      %dma_wait3A_378 = tpu.memref_slice %arg7[%dma_wait3A_376, %dma_wait3A_377] : memref<1000000x32xf32, #tpu.memory_space<hbm>> -> memref<1000000x32xf32, #tpu.memory_space<hbm>>
      tpu.wait_indirect_dma semaphore(%arg24 : memref<!tpu.dma_semaphore, #tpu.memory_space<semaphore_mem>>) src(%dma_wait3A_378 : memref<1000000x32xf32, #tpu.memory_space<hbm>>) dst(%arg17 : memref<128x32xf32, #tpu.memory_space<vmem>>)
      %dma_wait3A_379 = tpu.memref_slice %arg10[%multiple_of3A_337] : memref<51200xi32, #tpu.memory_space<vmem>> -> memref<128xi32, #tpu.memory_space<vmem>>
      %dma_wait3A_380 = arith.constant 0 : i32
      %dma_wait3A_381 = arith.constant 0 : i32
      %dma_wait3A_382 = tpu.memref_slice %arg7[%dma_wait3A_380, %dma_wait3A_381] : memref<1000000x32xf32, #tpu.memory_space<hbm>> -> memref<1000000x32xf32, #tpu.memory_space<hbm>>
      tpu.wait_indirect_dma semaphore(%arg24 : memref<!tpu.dma_semaphore, #tpu.memory_space<semaphore_mem>>) src(%dma_wait3A_382 : memref<1000000x32xf32, #tpu.memory_space<hbm>>) dst(%arg17 : memref<128x32xf32, #tpu.memory_space<vmem>>)
      %dma_wait3A_383 = tpu.memref_slice %arg10[%multiple_of3A_344] : memref<51200xi32, #tpu.memory_space<vmem>> -> memref<128xi32, #tpu.memory_space<vmem>>
      %dma_wait3A_384 = arith.constant 0 : i32
      %dma_wait3A_385 = arith.constant 0 : i32
      %dma_wait3A_386 = tpu.memref_slice %arg7[%dma_wait3A_384, %dma_wait3A_385] : memref<1000000x32xf32, #tpu.memory_space<hbm>> -> memref<1000000x32xf32, #tpu.memory_space<hbm>>
      tpu.wait_indirect_dma semaphore(%arg24 : memref<!tpu.dma_semaphore, #tpu.memory_space<semaphore_mem>>) src(%dma_wait3A_386 : memref<1000000x32xf32, #tpu.memory_space<hbm>>) dst(%arg17 : memref<128x32xf32, #tpu.memory_space<vmem>>)
      %dma_wait3A_387 = tpu.memref_slice %arg10[%multiple_of3A_351] : memref<51200xi32, #tpu.memory_space<vmem>> -> memref<128xi32, #tpu.memory_space<vmem>>
      %dma_wait3A_388 = arith.constant 0 : i32
      %dma_wait3A_389 = arith.constant 0 : i32
      %dma_wait3A_390 = tpu.memref_slice %arg7[%dma_wait3A_388, %dma_wait3A_389] : memref<1000000x32xf32, #tpu.memory_space<hbm>> -> memref<1000000x32xf32, #tpu.memory_space<hbm>>
      tpu.wait_indirect_dma semaphore(%arg24 : memref<!tpu.dma_semaphore, #tpu.memory_space<semaphore_mem>>) src(%dma_wait3A_390 : memref<1000000x32xf32, #tpu.memory_space<hbm>>) dst(%arg17 : memref<128x32xf32, #tpu.memory_space<vmem>>)
      %dma_wait3A_391 = tpu.memref_slice %arg10[%multiple_of3A_358] : memref<51200xi32, #tpu.memory_space<vmem>> -> memref<128xi32, #tpu.memory_space<vmem>>
      %dma_wait3A_392 = arith.constant 0 : i32
      %dma_wait3A_393 = arith.constant 0 : i32
      %dma_wait3A_394 = tpu.memref_slice %arg7[%dma_wait3A_392, %dma_wait3A_393] : memref<1000000x32xf32, #tpu.memory_space<hbm>> -> memref<1000000x32xf32, #tpu.memory_space<hbm>>
      tpu.wait_indirect_dma semaphore(%arg24 : memref<!tpu.dma_semaphore, #tpu.memory_space<semaphore_mem>>) src(%dma_wait3A_394 : memref<1000000x32xf32, #tpu.memory_space<hbm>>) dst(%arg17 : memref<128x32xf32, #tpu.memory_space<vmem>>)
      %ge3A_395 = arith.constant 2 : i32
      %ge3A_396 = arith.cmpi sge, %add3A_299, %ge3A_395 : i32
      %convert_element_type3A_397 = arith.extui %ge3A_396 : i1 to i32
      %cond3A_398 = arith.constant 0 : i32
      %cond3A_399 = arith.cmpi ne, %convert_element_type3A_397, %cond3A_398 : i32
      scf.if %cond3A_399 {
        %sub3A = arith.constant 2 : i32
        %sub3A_433 = arith.subi %add3A_299, %sub3A : i32
        %mul3A_434 = arith.constant 6400 : i32
        %mul3A_435 = arith.muli %add3A, %mul3A_434 : i32
        %mul3A_436 = arith.constant 128 : i32
        %mul3A_437 = arith.muli %sub3A_433, %mul3A_436 : i32
        %add3A_438 = arith.addi %mul3A_435, %mul3A_437 : i32
        %multiple_of3A_439 = tpu.assume_multiple %add3A_438, 16 : i32
        %dma_wait3A_440 = arith.constant 0 : i32
        %dma_wait3A_441 = tpu.memref_slice %arg8[%multiple_of3A_439, %dma_wait3A_440] : memref<204800x32xf32, #tpu.memory_space<hbm>> -> memref<128x32xf32, #tpu.memory_space<hbm>>
        %dma_wait3A_442 = arith.constant 0 : i32
        %dma_wait3A_443 = tpu.memref_slice %arg8[%multiple_of3A_439, %dma_wait3A_442] : memref<204800x32xf32, #tpu.memory_space<hbm>> -> memref<128x32xf32, #tpu.memory_space<hbm>>
        tpu.wait_dma2 semaphore(%arg26 : memref<!tpu.dma_semaphore, #tpu.memory_space<semaphore_mem>>) src(%arg19 : memref<128x32xf32, #tpu.memory_space<vmem>>) dst(%dma_wait3A_443 : memref<128x32xf32, #tpu.memory_space<hbm>>)
      } else {
      }
      %mul3A_400 = arith.constant 6400 : i32
      %mul3A_401 = arith.muli %add3A, %mul3A_400 : i32
      %mul3A_402 = arith.constant 128 : i32
      %mul3A_403 = arith.muli %add3A_299, %mul3A_402 : i32
      %add3A_404 = arith.addi %mul3A_401, %mul3A_403 : i32
      %multiple_of3A_405 = tpu.assume_multiple %add3A_404, 16 : i32
      %mul3A_406 = arith.constant 4 : i32
      %mul3A_407 = arith.muli %multiple_of3A_405, %mul3A_406 : i32
      %dma_wait3A_408 = tpu.memref_slice %arg4[%mul3A_407] : memref<819200xf32, #tpu.memory_space<hbm>> -> memref<512xf32, #tpu.memory_space<hbm>>
      %dma_wait3A_409 = tpu.memref_slice %arg4[%mul3A_407] : memref<819200xf32, #tpu.memory_space<hbm>> -> memref<512xf32, #tpu.memory_space<hbm>>
      tpu.wait_dma2 semaphore(%arg22 : memref<!tpu.dma_semaphore, #tpu.memory_space<semaphore_mem>>) src(%dma_wait3A_409 : memref<512xf32, #tpu.memory_space<hbm>>) dst(%arg12 : memref<512xf32, #tpu.memory_space<vmem>>)
      %scan3A_410 = arith.constant 0 : i32
      %scan3A_411 = arith.constant 0 : i32
      %scan3A_412 = arith.constant 8 : i32
      %scan3A_413 = arith.addi %scan3A_411, %scan3A_412 : i32
      %scan3A_414 = arith.constant 1 : i32
      scf.for %scan3A_433 = %scan3A_411 to %scan3A_413 step %scan3A_414  : i32 {
        %mul3A_434 = arith.constant 16 : i32
        %mul3A_435 = arith.muli %scan3A_433, %mul3A_434 : i32
        %add3A_436 = vector.broadcast %mul3A_435 : i32 to vector<16xi32>
        %add3A_437 = arith.addi %iota3A, %add3A_436 : vector<16xi32>
        %scan3A_438 = arith.constant 0 : i32
        %scan3A_439 = arith.constant 0 : i32
        %scan3A_440 = arith.constant 8 : i32
        %scan3A_441 = arith.addi %scan3A_439, %scan3A_440 : i32
        %scan3A_442 = arith.constant 1 : i32
        scf.for %scan3A_493 = %scan3A_439 to %scan3A_441 step %scan3A_442  : i32 {
          %mul3A_494 = arith.constant 16 : i32
          %mul3A_495 = arith.muli %scan3A_493, %mul3A_494 : i32
          %add3A_496 = arith.constant 0 : i32
          %add3A_497 = arith.addi %mul3A_495, %add3A_496 : i32
          %add3A_498 = vector.broadcast %add3A_497 : i32 to vector<16xi32>
          %add3A_499 = arith.addi %iota3A, %add3A_498 : vector<16xi32>
          %and3A = arith.constant 127 : i32
          %and3A_500 = vector.broadcast %and3A : i32 to vector<16xi32>
          %and3A_501 = arith.andi %add3A_499, %and3A_500 : vector<16xi32>
          %gather3A_502 = tpu.vector_load_idx %arg15[%add3A_437, %and3A_501] : memref<128x128xf32, #tpu.memory_space<vmem>>[vector<16xi32>, vector<16xi32>], vector<16xf32>,
          tpu.vector_store_idx %arg20[%add3A_437, %and3A_501], %gather3A_502 : memref<128x129xf32, #tpu.memory_space<vmem>>[vector<16xi32>, vector<16xi32>], vector<16xf32>,
          %mul3A_503 = arith.constant 16 : i32
          %mul3A_504 = arith.muli %scan3A_493, %mul3A_503 : i32
          %add3A_505 = arith.constant 1 : i32
          %add3A_506 = arith.addi %mul3A_504, %add3A_505 : i32
          %add3A_507 = vector.broadcast %add3A_506 : i32 to vector<16xi32>
          %add3A_508 = arith.addi %iota3A, %add3A_507 : vector<16xi32>
          %and3A_509 = arith.constant 127 : i32
          %and3A_510 = vector.broadcast %and3A_509 : i32 to vector<16xi32>
          %and3A_511 = arith.andi %add3A_508, %and3A_510 : vector<16xi32>
          %gather3A_512 = tpu.vector_load_idx %arg15[%add3A_437, %and3A_511] : memref<128x128xf32, #tpu.memory_space<vmem>>[vector<16xi32>, vector<16xi32>], vector<16xf32>,
          tpu.vector_store_idx %arg20[%add3A_437, %and3A_511], %gather3A_512 : memref<128x129xf32, #tpu.memory_space<vmem>>[vector<16xi32>, vector<16xi32>], vector<16xf32>,
          %mul3A_513 = arith.constant 16 : i32
          %mul3A_514 = arith.muli %scan3A_493, %mul3A_513 : i32
          %add3A_515 = arith.constant 2 : i32
          %add3A_516 = arith.addi %mul3A_514, %add3A_515 : i32
          %add3A_517 = vector.broadcast %add3A_516 : i32 to vector<16xi32>
          %add3A_518 = arith.addi %iota3A, %add3A_517 : vector<16xi32>
          %and3A_519 = arith.constant 127 : i32
          %and3A_520 = vector.broadcast %and3A_519 : i32 to vector<16xi32>
          %and3A_521 = arith.andi %add3A_518, %and3A_520 : vector<16xi32>
          %gather3A_522 = tpu.vector_load_idx %arg15[%add3A_437, %and3A_521] : memref<128x128xf32, #tpu.memory_space<vmem>>[vector<16xi32>, vector<16xi32>], vector<16xf32>,
          tpu.vector_store_idx %arg20[%add3A_437, %and3A_521], %gather3A_522 : memref<128x129xf32, #tpu.memory_space<vmem>>[vector<16xi32>, vector<16xi32>], vector<16xf32>,
          %mul3A_523 = arith.constant 16 : i32
          %mul3A_524 = arith.muli %scan3A_493, %mul3A_523 : i32
          %add3A_525 = arith.constant 3 : i32
          %add3A_526 = arith.addi %mul3A_524, %add3A_525 : i32
          %add3A_527 = vector.broadcast %add3A_526 : i32 to vector<16xi32>
          %add3A_528 = arith.addi %iota3A, %add3A_527 : vector<16xi32>
          %and3A_529 = arith.constant 127 : i32
          %and3A_530 = vector.broadcast %and3A_529 : i32 to vector<16xi32>
          %and3A_531 = arith.andi %add3A_528, %and3A_530 : vector<16xi32>
          %gather3A_532 = tpu.vector_load_idx %arg15[%add3A_437, %and3A_531] : memref<128x128xf32, #tpu.memory_space<vmem>>[vector<16xi32>, vector<16xi32>], vector<16xf32>,
          tpu.vector_store_idx %arg20[%add3A_437, %and3A_531], %gather3A_532 : memref<128x129xf32, #tpu.memory_space<vmem>>[vector<16xi32>, vector<16xi32>], vector<16xf32>,
          %mul3A_533 = arith.constant 16 : i32
          %mul3A_534 = arith.muli %scan3A_493, %mul3A_533 : i32
          %add3A_535 = arith.constant 4 : i32
          %add3A_536 = arith.addi %mul3A_534, %add3A_535 : i32
          %add3A_537 = vector.broadcast %add3A_536 : i32 to vector<16xi32>
          %add3A_538 = arith.addi %iota3A, %add3A_537 : vector<16xi32>
          %and3A_539 = arith.constant 127 : i32
          %and3A_540 = vector.broadcast %and3A_539 : i32 to vector<16xi32>
          %and3A_541 = arith.andi %add3A_538, %and3A_540 : vector<16xi32>
          %gather3A_542 = tpu.vector_load_idx %arg15[%add3A_437, %and3A_541] : memref<128x128xf32, #tpu.memory_space<vmem>>[vector<16xi32>, vector<16xi32>], vector<16xf32>,
          tpu.vector_store_idx %arg20[%add3A_437, %and3A_541], %gather3A_542 : memref<128x129xf32, #tpu.memory_space<vmem>>[vector<16xi32>, vector<16xi32>], vector<16xf32>,
          %mul3A_543 = arith.constant 16 : i32
          %mul3A_544 = arith.muli %scan3A_493, %mul3A_543 : i32
          %add3A_545 = arith.constant 5 : i32
          %add3A_546 = arith.addi %mul3A_544, %add3A_545 : i32
          %add3A_547 = vector.broadcast %add3A_546 : i32 to vector<16xi32>
          %add3A_548 = arith.addi %iota3A, %add3A_547 : vector<16xi32>
          %and3A_549 = arith.constant 127 : i32
          %and3A_550 = vector.broadcast %and3A_549 : i32 to vector<16xi32>
          %and3A_551 = arith.andi %add3A_548, %and3A_550 : vector<16xi32>
          %gather3A_552 = tpu.vector_load_idx %arg15[%add3A_437, %and3A_551] : memref<128x128xf32, #tpu.memory_space<vmem>>[vector<16xi32>, vector<16xi32>], vector<16xf32>,
          tpu.vector_store_idx %arg20[%add3A_437, %and3A_551], %gather3A_552 : memref<128x129xf32, #tpu.memory_space<vmem>>[vector<16xi32>, vector<16xi32>], vector<16xf32>,
          %mul3A_553 = arith.constant 16 : i32
          %mul3A_554 = arith.muli %scan3A_493, %mul3A_553 : i32
          %add3A_555 = arith.constant 6 : i32
          %add3A_556 = arith.addi %mul3A_554, %add3A_555 : i32
          %add3A_557 = vector.broadcast %add3A_556 : i32 to vector<16xi32>
          %add3A_558 = arith.addi %iota3A, %add3A_557 : vector<16xi32>
          %and3A_559 = arith.constant 127 : i32
          %and3A_560 = vector.broadcast %and3A_559 : i32 to vector<16xi32>
          %and3A_561 = arith.andi %add3A_558, %and3A_560 : vector<16xi32>
          %gather3A_562 = tpu.vector_load_idx %arg15[%add3A_437, %and3A_561] : memref<128x128xf32, #tpu.memory_space<vmem>>[vector<16xi32>, vector<16xi32>], vector<16xf32>,
          tpu.vector_store_idx %arg20[%add3A_437, %and3A_561], %gather3A_562 : memref<128x129xf32, #tpu.memory_space<vmem>>[vector<16xi32>, vector<16xi32>], vector<16xf32>,
          %mul3A_563 = arith.constant 16 : i32
          %mul3A_564 = arith.muli %scan3A_493, %mul3A_563 : i32
          %add3A_565 = arith.constant 7 : i32
          %add3A_566 = arith.addi %mul3A_564, %add3A_565 : i32
          %add3A_567 = vector.broadcast %add3A_566 : i32 to vector<16xi32>
          %add3A_568 = arith.addi %iota3A, %add3A_567 : vector<16xi32>
          %and3A_569 = arith.constant 127 : i32
          %and3A_570 = vector.broadcast %and3A_569 : i32 to vector<16xi32>
          %and3A_571 = arith.andi %add3A_568, %and3A_570 : vector<16xi32>
          %gather3A_572 = tpu.vector_load_idx %arg15[%add3A_437, %and3A_571] : memref<128x128xf32, #tpu.memory_space<vmem>>[vector<16xi32>, vector<16xi32>], vector<16xf32>,
          tpu.vector_store_idx %arg20[%add3A_437, %and3A_571], %gather3A_572 : memref<128x129xf32, #tpu.memory_space<vmem>>[vector<16xi32>, vector<16xi32>], vector<16xf32>,
          %mul3A_573 = arith.constant 16 : i32
          %mul3A_574 = arith.muli %scan3A_493, %mul3A_573 : i32
          %add3A_575 = arith.constant 8 : i32
          %add3A_576 = arith.addi %mul3A_574, %add3A_575 : i32
          %add3A_577 = vector.broadcast %add3A_576 : i32 to vector<16xi32>
          %add3A_578 = arith.addi %iota3A, %add3A_577 : vector<16xi32>
          %and3A_579 = arith.constant 127 : i32
          %and3A_580 = vector.broadcast %and3A_579 : i32 to vector<16xi32>
          %and3A_581 = arith.andi %add3A_578, %and3A_580 : vector<16xi32>
          %gather3A_582 = tpu.vector_load_idx %arg15[%add3A_437, %and3A_581] : memref<128x128xf32, #tpu.memory_space<vmem>>[vector<16xi32>, vector<16xi32>], vector<16xf32>,
          tpu.vector_store_idx %arg20[%add3A_437, %and3A_581], %gather3A_582 : memref<128x129xf32, #tpu.memory_space<vmem>>[vector<16xi32>, vector<16xi32>], vector<16xf32>,
          %mul3A_583 = arith.constant 16 : i32
          %mul3A_584 = arith.muli %scan3A_493, %mul3A_583 : i32
          %add3A_585 = arith.constant 9 : i32
          %add3A_586 = arith.addi %mul3A_584, %add3A_585 : i32
          %add3A_587 = vector.broadcast %add3A_586 : i32 to vector<16xi32>
          %add3A_588 = arith.addi %iota3A, %add3A_587 : vector<16xi32>
          %and3A_589 = arith.constant 127 : i32
          %and3A_590 = vector.broadcast %and3A_589 : i32 to vector<16xi32>
          %and3A_591 = arith.andi %add3A_588, %and3A_590 : vector<16xi32>
          %gather3A_592 = tpu.vector_load_idx %arg15[%add3A_437, %and3A_591] : memref<128x128xf32, #tpu.memory_space<vmem>>[vector<16xi32>, vector<16xi32>], vector<16xf32>,
          tpu.vector_store_idx %arg20[%add3A_437, %and3A_591], %gather3A_592 : memref<128x129xf32, #tpu.memory_space<vmem>>[vector<16xi32>, vector<16xi32>], vector<16xf32>,
          %mul3A_593 = arith.constant 16 : i32
          %mul3A_594 = arith.muli %scan3A_493, %mul3A_593 : i32
          %add3A_595 = arith.constant 10 : i32
          %add3A_596 = arith.addi %mul3A_594, %add3A_595 : i32
          %add3A_597 = vector.broadcast %add3A_596 : i32 to vector<16xi32>
          %add3A_598 = arith.addi %iota3A, %add3A_597 : vector<16xi32>
          %and3A_599 = arith.constant 127 : i32
          %and3A_600 = vector.broadcast %and3A_599 : i32 to vector<16xi32>
          %and3A_601 = arith.andi %add3A_598, %and3A_600 : vector<16xi32>
          %gather3A_602 = tpu.vector_load_idx %arg15[%add3A_437, %and3A_601] : memref<128x128xf32, #tpu.memory_space<vmem>>[vector<16xi32>, vector<16xi32>], vector<16xf32>,
          tpu.vector_store_idx %arg20[%add3A_437, %and3A_601], %gather3A_602 : memref<128x129xf32, #tpu.memory_space<vmem>>[vector<16xi32>, vector<16xi32>], vector<16xf32>,
          %mul3A_603 = arith.constant 16 : i32
          %mul3A_604 = arith.muli %scan3A_493, %mul3A_603 : i32
          %add3A_605 = arith.constant 11 : i32
          %add3A_606 = arith.addi %mul3A_604, %add3A_605 : i32
          %add3A_607 = vector.broadcast %add3A_606 : i32 to vector<16xi32>
          %add3A_608 = arith.addi %iota3A, %add3A_607 : vector<16xi32>
          %and3A_609 = arith.constant 127 : i32
          %and3A_610 = vector.broadcast %and3A_609 : i32 to vector<16xi32>
          %and3A_611 = arith.andi %add3A_608, %and3A_610 : vector<16xi32>
          %gather3A_612 = tpu.vector_load_idx %arg15[%add3A_437, %and3A_611] : memref<128x128xf32, #tpu.memory_space<vmem>>[vector<16xi32>, vector<16xi32>], vector<16xf32>,
          tpu.vector_store_idx %arg20[%add3A_437, %and3A_611], %gather3A_612 : memref<128x129xf32, #tpu.memory_space<vmem>>[vector<16xi32>, vector<16xi32>], vector<16xf32>,
          %mul3A_613 = arith.constant 16 : i32
          %mul3A_614 = arith.muli %scan3A_493, %mul3A_613 : i32
          %add3A_615 = arith.constant 12 : i32
          %add3A_616 = arith.addi %mul3A_614, %add3A_615 : i32
          %add3A_617 = vector.broadcast %add3A_616 : i32 to vector<16xi32>
          %add3A_618 = arith.addi %iota3A, %add3A_617 : vector<16xi32>
          %and3A_619 = arith.constant 127 : i32
          %and3A_620 = vector.broadcast %and3A_619 : i32 to vector<16xi32>
          %and3A_621 = arith.andi %add3A_618, %and3A_620 : vector<16xi32>
          %gather3A_622 = tpu.vector_load_idx %arg15[%add3A_437, %and3A_621] : memref<128x128xf32, #tpu.memory_space<vmem>>[vector<16xi32>, vector<16xi32>], vector<16xf32>,
          tpu.vector_store_idx %arg20[%add3A_437, %and3A_621], %gather3A_622 : memref<128x129xf32, #tpu.memory_space<vmem>>[vector<16xi32>, vector<16xi32>], vector<16xf32>,
          %mul3A_623 = arith.constant 16 : i32
          %mul3A_624 = arith.muli %scan3A_493, %mul3A_623 : i32
          %add3A_625 = arith.constant 13 : i32
          %add3A_626 = arith.addi %mul3A_624, %add3A_625 : i32
          %add3A_627 = vector.broadcast %add3A_626 : i32 to vector<16xi32>
          %add3A_628 = arith.addi %iota3A, %add3A_627 : vector<16xi32>
          %and3A_629 = arith.constant 127 : i32
          %and3A_630 = vector.broadcast %and3A_629 : i32 to vector<16xi32>
          %and3A_631 = arith.andi %add3A_628, %and3A_630 : vector<16xi32>
          %gather3A_632 = tpu.vector_load_idx %arg15[%add3A_437, %and3A_631] : memref<128x128xf32, #tpu.memory_space<vmem>>[vector<16xi32>, vector<16xi32>], vector<16xf32>,
          tpu.vector_store_idx %arg20[%add3A_437, %and3A_631], %gather3A_632 : memref<128x129xf32, #tpu.memory_space<vmem>>[vector<16xi32>, vector<16xi32>], vector<16xf32>,
          %mul3A_633 = arith.constant 16 : i32
          %mul3A_634 = arith.muli %scan3A_493, %mul3A_633 : i32
          %add3A_635 = arith.constant 14 : i32
          %add3A_636 = arith.addi %mul3A_634, %add3A_635 : i32
          %add3A_637 = vector.broadcast %add3A_636 : i32 to vector<16xi32>
          %add3A_638 = arith.addi %iota3A, %add3A_637 : vector<16xi32>
          %and3A_639 = arith.constant 127 : i32
          %and3A_640 = vector.broadcast %and3A_639 : i32 to vector<16xi32>
          %and3A_641 = arith.andi %add3A_638, %and3A_640 : vector<16xi32>
          %gather3A_642 = tpu.vector_load_idx %arg15[%add3A_437, %and3A_641] : memref<128x128xf32, #tpu.memory_space<vmem>>[vector<16xi32>, vector<16xi32>], vector<16xf32>,
          tpu.vector_store_idx %arg20[%add3A_437, %and3A_641], %gather3A_642 : memref<128x129xf32, #tpu.memory_space<vmem>>[vector<16xi32>, vector<16xi32>], vector<16xf32>,
          %mul3A_643 = arith.constant 16 : i32
          %mul3A_644 = arith.muli %scan3A_493, %mul3A_643 : i32
          %add3A_645 = arith.constant 15 : i32
          %add3A_646 = arith.addi %mul3A_644, %add3A_645 : i32
          %add3A_647 = vector.broadcast %add3A_646 : i32 to vector<16xi32>
          %add3A_648 = arith.addi %iota3A, %add3A_647 : vector<16xi32>
          %and3A_649 = arith.constant 127 : i32
          %and3A_650 = vector.broadcast %and3A_649 : i32 to vector<16xi32>
          %and3A_651 = arith.andi %add3A_648, %and3A_650 : vector<16xi32>
          %gather3A_652 = tpu.vector_load_idx %arg15[%add3A_437, %and3A_651] : memref<128x128xf32, #tpu.memory_space<vmem>>[vector<16xi32>, vector<16xi32>], vector<16xf32>,
          tpu.vector_store_idx %arg20[%add3A_437, %and3A_651], %gather3A_652 : memref<128x129xf32, #tpu.memory_space<vmem>>[vector<16xi32>, vector<16xi32>], vector<16xf32>,
        }
        %scan3A_443 = arith.constant 8 : i32
        %broadcast_in_dim3A = arith.constant 0.000000e+00 : f32
        %broadcast_in_dim3A_444 = vector.broadcast %broadcast_in_dim3A : f32 to vector<16xf32>
        %scan3A_445 = arith.constant 0 : i32
        %scan3A_446 = arith.constant 32 : i32
        %scan3A_447 = arith.addi %scan3A_445, %scan3A_446 : i32
        %scan3A_448 = arith.constant 1 : i32
        %scan3A_449:4 = scf.for %scan3A_493 = %scan3A_445 to %scan3A_447 step %scan3A_448 iter_args(%scan3A_494 = %broadcast_in_dim3A_444, %scan3A_495 = %broadcast_in_dim3A_444, %scan3A_496 = %broadcast_in_dim3A_444, %scan3A_497 = %broadcast_in_dim3A_444) -> (vector<16xf32>, vector<16xf32>, vector<16xf32>, vector<16xf32>)  : i32 {
          %add3A_498 = vector.broadcast %scan3A_493 : i32 to vector<16xi32>
          %add3A_499 = arith.addi %iota3A, %add3A_498 : vector<16xi32>
          %and3A = arith.constant 31 : i32
          %and3A_500 = vector.broadcast %and3A : i32 to vector<16xi32>
          %and3A_501 = arith.andi %add3A_499, %and3A_500 : vector<16xi32>
          %gather3A_502 = tpu.vector_load_idx %arg17[%add3A_437, %and3A_501] : memref<128x32xf32, #tpu.memory_space<vmem>>[vector<16xi32>, vector<16xi32>], vector<16xf32>,
          %broadcast_in_dim3A_503 = arith.constant 0.000000e+00 : f32
          %broadcast_in_dim3A_504 = vector.broadcast %broadcast_in_dim3A_503 : f32 to vector<16xf32>
          tpu.vector_store_idx %arg17[%add3A_437, %and3A_501], %broadcast_in_dim3A_504 : memref<128x32xf32, #tpu.memory_space<vmem>>[vector<16xi32>, vector<16xi32>], vector<16xf32>,
          %mul3A_505 = arith.constant 4 : i32
          %mul3A_506 = vector.broadcast %mul3A_505 : i32 to vector<16xi32>
          %mul3A_507 = arith.muli %and3A_501, %mul3A_506 : vector<16xi32>
          %mul3A_508 = arith.mulf %gather3A_502, %get3A_8 : vector<16xf32>
          %add3A_509 = arith.constant 0 : i32
          %add3A_510 = vector.broadcast %add3A_509 : i32 to vector<16xi32>
          %add3A_511 = arith.addi %mul3A_507, %add3A_510 : vector<16xi32>
          %gather3A_512 = tpu.vector_load_idx %arg20[%add3A_437, %add3A_511] : memref<128x129xf32, #tpu.memory_space<vmem>>[vector<16xi32>, vector<16xi32>], vector<16xf32>,
          %mul3A_513 = arith.mulf %mul3A_508, %gather3A_512 : vector<16xf32>
          %add3A_514 = arith.addf %scan3A_494, %mul3A_513 : vector<16xf32>
          %mul3A_515 = arith.mulf %gather3A_502, %get3A_8 : vector<16xf32>
          %add3A_516 = arith.constant 1 : i32
          %add3A_517 = vector.broadcast %add3A_516 : i32 to vector<16xi32>
          %add3A_518 = arith.addi %mul3A_507, %add3A_517 : vector<16xi32>
          %gather3A_519 = tpu.vector_load_idx %arg20[%add3A_437, %add3A_518] : memref<128x129xf32, #tpu.memory_space<vmem>>[vector<16xi32>, vector<16xi32>], vector<16xf32>,
          %mul3A_520 = arith.mulf %mul3A_515, %gather3A_519 : vector<16xf32>
          %add3A_521 = arith.addf %scan3A_495, %mul3A_520 : vector<16xf32>
          %mul3A_522 = arith.mulf %gather3A_502, %get3A_8 : vector<16xf32>
          %add3A_523 = arith.constant 2 : i32
          %add3A_524 = vector.broadcast %add3A_523 : i32 to vector<16xi32>
          %add3A_525 = arith.addi %mul3A_507, %add3A_524 : vector<16xi32>
          %gather3A_526 = tpu.vector_load_idx %arg20[%add3A_437, %add3A_525] : memref<128x129xf32, #tpu.memory_space<vmem>>[vector<16xi32>, vector<16xi32>], vector<16xf32>,
          %mul3A_527 = arith.mulf %mul3A_522, %gather3A_526 : vector<16xf32>
          %add3A_528 = arith.addf %scan3A_496, %mul3A_527 : vector<16xf32>
          %mul3A_529 = arith.mulf %gather3A_502, %get3A_8 : vector<16xf32>
          %add3A_530 = arith.constant 3 : i32
          %add3A_531 = vector.broadcast %add3A_530 : i32 to vector<16xi32>
          %add3A_532 = arith.addi %mul3A_507, %add3A_531 : vector<16xi32>
          %gather3A_533 = tpu.vector_load_idx %arg20[%add3A_437, %add3A_532] : memref<128x129xf32, #tpu.memory_space<vmem>>[vector<16xi32>, vector<16xi32>], vector<16xf32>,
          %mul3A_534 = arith.mulf %mul3A_529, %gather3A_533 : vector<16xf32>
          %add3A_535 = arith.addf %scan3A_497, %mul3A_534 : vector<16xf32>
          scf.yield %add3A_514, %add3A_521, %add3A_528, %add3A_535 : vector<16xf32>, vector<16xf32>, vector<16xf32>, vector<16xf32>
        }
        %scan3A_450 = arith.constant 32 : i32
        %mul3A_451 = arith.constant 4 : i32
        %mul3A_452 = vector.broadcast %mul3A_451 : i32 to vector<16xi32>
        %mul3A_453 = arith.muli %add3A_437, %mul3A_452 : vector<16xi32>
        %add3A_454 = arith.constant 0 : i32
        %add3A_455 = vector.broadcast %add3A_454 : i32 to vector<16xi32>
        %add3A_456 = arith.addi %mul3A_453, %add3A_455 : vector<16xi32>
        %gather3A = tpu.vector_load_idx %arg12[%add3A_456] : memref<512xf32, #tpu.memory_space<vmem>>[vector<16xi32>], vector<16xf32>,
        %sub3A = arith.subf %scan3A_449#0, %gather3A : vector<16xf32>
        %add3A_457 = arith.constant 1 : i32
        %add3A_458 = vector.broadcast %add3A_457 : i32 to vector<16xi32>
        %add3A_459 = arith.addi %mul3A_453, %add3A_458 : vector<16xi32>
        %gather3A_460 = tpu.vector_load_idx %arg12[%add3A_459] : memref<512xf32, #tpu.memory_space<vmem>>[vector<16xi32>], vector<16xf32>,
        %sub3A_461 = arith.subf %scan3A_449#1, %gather3A_460 : vector<16xf32>
        %add3A_462 = arith.constant 2 : i32
        %add3A_463 = vector.broadcast %add3A_462 : i32 to vector<16xi32>
        %add3A_464 = arith.addi %mul3A_453, %add3A_463 : vector<16xi32>
        %gather3A_465 = tpu.vector_load_idx %arg12[%add3A_464] : memref<512xf32, #tpu.memory_space<vmem>>[vector<16xi32>], vector<16xf32>,
        %sub3A_466 = arith.subf %scan3A_449#2, %gather3A_465 : vector<16xf32>
        %add3A_467 = arith.constant 3 : i32
        %add3A_468 = vector.broadcast %add3A_467 : i32 to vector<16xi32>
        %add3A_469 = arith.addi %mul3A_453, %add3A_468 : vector<16xi32>
        %gather3A_470 = tpu.vector_load_idx %arg12[%add3A_469] : memref<512xf32, #tpu.memory_space<vmem>>[vector<16xi32>], vector<16xf32>,
        %sub3A_471 = arith.subf %scan3A_449#3, %gather3A_470 : vector<16xf32>
        %max3A = arith.maximumf %sub3A, %sub3A_461 : vector<16xf32>
        %max3A_472 = arith.maximumf %sub3A_466, %sub3A_471 : vector<16xf32>
        %max3A_473 = arith.maximumf %max3A, %max3A_472 : vector<16xf32>
        %sub3A_474 = arith.subf %sub3A, %max3A_473 : vector<16xf32>
        %exp3A = math.exp %sub3A_474 : vector<16xf32>
        %sub3A_475 = arith.subf %sub3A_461, %max3A_473 : vector<16xf32>
        %exp3A_476 = math.exp %sub3A_475 : vector<16xf32>
        %sub3A_477 = arith.subf %sub3A_466, %max3A_473 : vector<16xf32>
        %exp3A_478 = math.exp %sub3A_477 : vector<16xf32>
        %sub3A_479 = arith.subf %sub3A_471, %max3A_473 : vector<16xf32>
        %exp3A_480 = math.exp %sub3A_479 : vector<16xf32>
        %add3A_481 = arith.addf %exp3A, %exp3A_476 : vector<16xf32>
        %add3A_482 = arith.addf %exp3A_478, %exp3A_480 : vector<16xf32>
        %add3A_483 = arith.addf %add3A_481, %add3A_482 : vector<16xf32>
        %div3A = arith.divf %exp3A, %add3A_483 : vector<16xf32>
        %div3A_484 = arith.divf %exp3A_476, %add3A_483 : vector<16xf32>
        %div3A_485 = arith.divf %exp3A_478, %add3A_483 : vector<16xf32>
        %div3A_486 = arith.divf %exp3A_480, %add3A_483 : vector<16xf32>
        %scan3A_487 = arith.constant 0 : i32
        %scan3A_488 = arith.constant 0 : i32
        %scan3A_489 = arith.constant 32 : i32
        %scan3A_490 = arith.addi %scan3A_488, %scan3A_489 : i32
        %scan3A_491 = arith.constant 1 : i32
        scf.for %scan3A_493 = %scan3A_488 to %scan3A_490 step %scan3A_491  : i32 {
          %add3A_494 = vector.broadcast %scan3A_493 : i32 to vector<16xi32>
          %add3A_495 = arith.addi %iota3A, %add3A_494 : vector<16xi32>
          %and3A = arith.constant 31 : i32
          %and3A_496 = vector.broadcast %and3A : i32 to vector<16xi32>
          %and3A_497 = arith.andi %add3A_495, %and3A_496 : vector<16xi32>
          %mul3A_498 = arith.constant 4 : i32
          %mul3A_499 = vector.broadcast %mul3A_498 : i32 to vector<16xi32>
          %mul3A_500 = arith.muli %and3A_497, %mul3A_499 : vector<16xi32>
          %gather3A_501 = tpu.vector_load_idx %arg20[%add3A_437, %mul3A_500] : memref<128x129xf32, #tpu.memory_space<vmem>>[vector<16xi32>, vector<16xi32>], vector<16xf32>,
          %mul3A_502 = arith.mulf %div3A, %gather3A_501 : vector<16xf32>
          %add3A_503 = arith.constant 1 : i32
          %add3A_504 = vector.broadcast %add3A_503 : i32 to vector<16xi32>
          %add3A_505 = arith.addi %mul3A_500, %add3A_504 : vector<16xi32>
          %gather3A_506 = tpu.vector_load_idx %arg20[%add3A_437, %add3A_505] : memref<128x129xf32, #tpu.memory_space<vmem>>[vector<16xi32>, vector<16xi32>], vector<16xf32>,
          %mul3A_507 = arith.mulf %div3A_484, %gather3A_506 : vector<16xf32>
          %add3A_508 = arith.addf %mul3A_502, %mul3A_507 : vector<16xf32>
          %add3A_509 = arith.constant 2 : i32
          %add3A_510 = vector.broadcast %add3A_509 : i32 to vector<16xi32>
          %add3A_511 = arith.addi %mul3A_500, %add3A_510 : vector<16xi32>
          %gather3A_512 = tpu.vector_load_idx %arg20[%add3A_437, %add3A_511] : memref<128x129xf32, #tpu.memory_space<vmem>>[vector<16xi32>, vector<16xi32>], vector<16xf32>,
          %mul3A_513 = arith.mulf %div3A_485, %gather3A_512 : vector<16xf32>
          %add3A_514 = arith.addf %add3A_508, %mul3A_513 : vector<16xf32>
          %add3A_515 = arith.constant 3 : i32
          %add3A_516 = vector.broadcast %add3A_515 : i32 to vector<16xi32>
          %add3A_517 = arith.addi %mul3A_500, %add3A_516 : vector<16xi32>
          %gather3A_518 = tpu.vector_load_idx %arg20[%add3A_437, %add3A_517] : memref<128x129xf32, #tpu.memory_space<vmem>>[vector<16xi32>, vector<16xi32>], vector<16xf32>,
          %mul3A_519 = arith.mulf %div3A_486, %gather3A_518 : vector<16xf32>
          %add3A_520 = arith.addf %add3A_514, %mul3A_519 : vector<16xf32>
          tpu.vector_store_idx %arg19[%add3A_437, %and3A_497], %add3A_520 : memref<128x32xf32, #tpu.memory_space<vmem>>[vector<16xi32>, vector<16xi32>], vector<16xf32>,
        }
        %scan3A_492 = arith.constant 32 : i32
      }
      %scan3A_415 = arith.constant 8 : i32
      %mul3A_416 = arith.constant 6400 : i32
      %mul3A_417 = arith.muli %add3A, %mul3A_416 : i32
      %mul3A_418 = arith.constant 128 : i32
      %mul3A_419 = arith.muli %add3A_299, %mul3A_418 : i32
      %add3A_420 = arith.addi %mul3A_417, %mul3A_419 : i32
      %multiple_of3A_421 = tpu.assume_multiple %add3A_420, 16 : i32
      %dma_start3A_422 = arith.constant 0 : i32
      %dma_start3A_423 = tpu.memref_slice %arg8[%multiple_of3A_421, %dma_start3A_422] : memref<204800x32xf32, #tpu.memory_space<hbm>> -> memref<128x32xf32, #tpu.memory_space<hbm>>
      %dma_start3A_424 = arith.constant 0 : i32
      %dma_start3A_425 = tpu.memref_slice %arg8[%multiple_of3A_421, %dma_start3A_424] : memref<204800x32xf32, #tpu.memory_space<hbm>> -> memref<128x32xf32, #tpu.memory_space<hbm>>
      tpu.enqueue_dma source(%arg19 : memref<128x32xf32, #tpu.memory_space<vmem>>) target(%dma_start3A_425 : memref<128x32xf32, #tpu.memory_space<hbm>>) target_semaphore(%arg26 : memref<!tpu.dma_semaphore, #tpu.memory_space<semaphore_mem>>)
      %add3A_426 = arith.constant 2 : i32
      %add3A_427 = arith.addi %add3A_299, %add3A_426 : i32
      %lt3A_428 = arith.constant 50 : i32
      %lt3A_429 = arith.cmpi slt, %add3A_427, %lt3A_428 : i32
      %convert_element_type3A_430 = arith.extui %lt3A_429 : i1 to i32
      %cond3A_431 = arith.constant 0 : i32
      %cond3A_432 = arith.cmpi ne, %convert_element_type3A_430, %cond3A_431 : i32
      scf.if %cond3A_432 {
        %add3A_433 = arith.constant 2 : i32
        %add3A_434 = arith.addi %add3A_299, %add3A_433 : i32
        %mul3A_435 = arith.constant 128 : i32
        %mul3A_436 = arith.muli %add3A_434, %mul3A_435 : i32
        %multiple_of3A_437 = tpu.assume_multiple %mul3A_436, 128 : i32
        %mul3A_438 = arith.constant 128 : i32
        %mul3A_439 = arith.muli %add3A_434, %mul3A_438 : i32
        %mul3A_440 = arith.constant 8 : i32
        %mul3A_441 = arith.muli %mul3A_439, %mul3A_440 : i32
        %add3A_442 = arith.constant 0 : i32
        %add3A_443 = arith.addi %mul3A_441, %add3A_442 : i32
        %multiple_of3A_444 = tpu.assume_multiple %add3A_443, 128 : i32
        %mul3A_445 = arith.constant 128 : i32
        %mul3A_446 = arith.muli %add3A_434, %mul3A_445 : i32
        %mul3A_447 = arith.constant 8 : i32
        %mul3A_448 = arith.muli %mul3A_446, %mul3A_447 : i32
        %add3A_449 = arith.constant 128 : i32
        %add3A_450 = arith.addi %mul3A_448, %add3A_449 : i32
        %multiple_of3A_451 = tpu.assume_multiple %add3A_450, 128 : i32
        %mul3A_452 = arith.constant 128 : i32
        %mul3A_453 = arith.muli %add3A_434, %mul3A_452 : i32
        %mul3A_454 = arith.constant 8 : i32
        %mul3A_455 = arith.muli %mul3A_453, %mul3A_454 : i32
        %add3A_456 = arith.constant 256 : i32
        %add3A_457 = arith.addi %mul3A_455, %add3A_456 : i32
        %multiple_of3A_458 = tpu.assume_multiple %add3A_457, 128 : i32
        %mul3A_459 = arith.constant 128 : i32
        %mul3A_460 = arith.muli %add3A_434, %mul3A_459 : i32
        %mul3A_461 = arith.constant 8 : i32
        %mul3A_462 = arith.muli %mul3A_460, %mul3A_461 : i32
        %add3A_463 = arith.constant 384 : i32
        %add3A_464 = arith.addi %mul3A_462, %add3A_463 : i32
        %multiple_of3A_465 = tpu.assume_multiple %add3A_464, 128 : i32
        %mul3A_466 = arith.constant 128 : i32
        %mul3A_467 = arith.muli %add3A_434, %mul3A_466 : i32
        %mul3A_468 = arith.constant 8 : i32
        %mul3A_469 = arith.muli %mul3A_467, %mul3A_468 : i32
        %add3A_470 = arith.constant 512 : i32
        %add3A_471 = arith.addi %mul3A_469, %add3A_470 : i32
        %multiple_of3A_472 = tpu.assume_multiple %add3A_471, 128 : i32
        %mul3A_473 = arith.constant 128 : i32
        %mul3A_474 = arith.muli %add3A_434, %mul3A_473 : i32
        %mul3A_475 = arith.constant 8 : i32
        %mul3A_476 = arith.muli %mul3A_474, %mul3A_475 : i32
        %add3A_477 = arith.constant 640 : i32
        %add3A_478 = arith.addi %mul3A_476, %add3A_477 : i32
        %multiple_of3A_479 = tpu.assume_multiple %add3A_478, 128 : i32
        %mul3A_480 = arith.constant 128 : i32
        %mul3A_481 = arith.muli %add3A_434, %mul3A_480 : i32
        %mul3A_482 = arith.constant 8 : i32
        %mul3A_483 = arith.muli %mul3A_481, %mul3A_482 : i32
        %add3A_484 = arith.constant 768 : i32
        %add3A_485 = arith.addi %mul3A_483, %add3A_484 : i32
        %multiple_of3A_486 = tpu.assume_multiple %add3A_485, 128 : i32
        %mul3A_487 = arith.constant 128 : i32
        %mul3A_488 = arith.muli %add3A_434, %mul3A_487 : i32
        %mul3A_489 = arith.constant 8 : i32
        %mul3A_490 = arith.muli %mul3A_488, %mul3A_489 : i32
        %add3A_491 = arith.constant 896 : i32
        %add3A_492 = arith.addi %mul3A_490, %add3A_491 : i32
        %multiple_of3A_493 = tpu.assume_multiple %add3A_492, 128 : i32
        %dma_start3A_494 = tpu.memref_slice %arg9[%multiple_of3A_437] : memref<6400xi32, #tpu.memory_space<vmem>> -> memref<128xi32, #tpu.memory_space<vmem>>
        %dma_start3A_495 = arith.constant 0 : i32
        %dma_start3A_496 = arith.constant 0 : i32
        %dma_start3A_497 = tpu.memref_slice %arg6[%dma_start3A_495, %dma_start3A_496] : memref<1000000x128xf32, #tpu.memory_space<hbm>> -> memref<1000000x128xf32, #tpu.memory_space<hbm>>
        tpu.enqueue_indirect_dma source(%dma_start3A_497 : memref<1000000x128xf32, #tpu.memory_space<hbm>>) target(%arg15 : memref<128x128xf32, #tpu.memory_space<vmem>>) offsets(%dma_start3A_494 : memref<128xi32, #tpu.memory_space<vmem>>) semaphore(%arg24 : memref<!tpu.dma_semaphore, #tpu.memory_space<semaphore_mem>>)
        %dma_start3A_498 = tpu.memref_slice %arg10[%multiple_of3A_444] : memref<51200xi32, #tpu.memory_space<vmem>> -> memref<128xi32, #tpu.memory_space<vmem>>
        %dma_start3A_499 = arith.constant 0 : i32
        %dma_start3A_500 = arith.constant 0 : i32
        %dma_start3A_501 = tpu.memref_slice %arg7[%dma_start3A_499, %dma_start3A_500] : memref<1000000x32xf32, #tpu.memory_space<hbm>> -> memref<1000000x32xf32, #tpu.memory_space<hbm>>
        tpu.enqueue_indirect_dma source(%dma_start3A_501 : memref<1000000x32xf32, #tpu.memory_space<hbm>>) target(%arg17 : memref<128x32xf32, #tpu.memory_space<vmem>>) offsets(%dma_start3A_498 : memref<128xi32, #tpu.memory_space<vmem>>) semaphore(%arg24 : memref<!tpu.dma_semaphore, #tpu.memory_space<semaphore_mem>>) {add = true}
        %dma_start3A_502 = tpu.memref_slice %arg10[%multiple_of3A_451] : memref<51200xi32, #tpu.memory_space<vmem>> -> memref<128xi32, #tpu.memory_space<vmem>>
        %dma_start3A_503 = arith.constant 0 : i32
        %dma_start3A_504 = arith.constant 0 : i32
        %dma_start3A_505 = tpu.memref_slice %arg7[%dma_start3A_503, %dma_start3A_504] : memref<1000000x32xf32, #tpu.memory_space<hbm>> -> memref<1000000x32xf32, #tpu.memory_space<hbm>>
        tpu.enqueue_indirect_dma source(%dma_start3A_505 : memref<1000000x32xf32, #tpu.memory_space<hbm>>) target(%arg17 : memref<128x32xf32, #tpu.memory_space<vmem>>) offsets(%dma_start3A_502 : memref<128xi32, #tpu.memory_space<vmem>>) semaphore(%arg24 : memref<!tpu.dma_semaphore, #tpu.memory_space<semaphore_mem>>) {add = true}
        %dma_start3A_506 = tpu.memref_slice %arg10[%multiple_of3A_458] : memref<51200xi32, #tpu.memory_space<vmem>> -> memref<128xi32, #tpu.memory_space<vmem>>
        %dma_start3A_507 = arith.constant 0 : i32
        %dma_start3A_508 = arith.constant 0 : i32
        %dma_start3A_509 = tpu.memref_slice %arg7[%dma_start3A_507, %dma_start3A_508] : memref<1000000x32xf32, #tpu.memory_space<hbm>> -> memref<1000000x32xf32, #tpu.memory_space<hbm>>
        tpu.enqueue_indirect_dma source(%dma_start3A_509 : memref<1000000x32xf32, #tpu.memory_space<hbm>>) target(%arg17 : memref<128x32xf32, #tpu.memory_space<vmem>>) offsets(%dma_start3A_506 : memref<128xi32, #tpu.memory_space<vmem>>) semaphore(%arg24 : memref<!tpu.dma_semaphore, #tpu.memory_space<semaphore_mem>>) {add = true}
        %dma_start3A_510 = tpu.memref_slice %arg10[%multiple_of3A_465] : memref<51200xi32, #tpu.memory_space<vmem>> -> memref<128xi32, #tpu.memory_space<vmem>>
        %dma_start3A_511 = arith.constant 0 : i32
        %dma_start3A_512 = arith.constant 0 : i32
        %dma_start3A_513 = tpu.memref_slice %arg7[%dma_start3A_511, %dma_start3A_512] : memref<1000000x32xf32, #tpu.memory_space<hbm>> -> memref<1000000x32xf32, #tpu.memory_space<hbm>>
        tpu.enqueue_indirect_dma source(%dma_start3A_513 : memref<1000000x32xf32, #tpu.memory_space<hbm>>) target(%arg17 : memref<128x32xf32, #tpu.memory_space<vmem>>) offsets(%dma_start3A_510 : memref<128xi32, #tpu.memory_space<vmem>>) semaphore(%arg24 : memref<!tpu.dma_semaphore, #tpu.memory_space<semaphore_mem>>) {add = true}
        %dma_start3A_514 = tpu.memref_slice %arg10[%multiple_of3A_472] : memref<51200xi32, #tpu.memory_space<vmem>> -> memref<128xi32, #tpu.memory_space<vmem>>
        %dma_start3A_515 = arith.constant 0 : i32
        %dma_start3A_516 = arith.constant 0 : i32
        %dma_start3A_517 = tpu.memref_slice %arg7[%dma_start3A_515, %dma_start3A_516] : memref<1000000x32xf32, #tpu.memory_space<hbm>> -> memref<1000000x32xf32, #tpu.memory_space<hbm>>
        tpu.enqueue_indirect_dma source(%dma_start3A_517 : memref<1000000x32xf32, #tpu.memory_space<hbm>>) target(%arg17 : memref<128x32xf32, #tpu.memory_space<vmem>>) offsets(%dma_start3A_514 : memref<128xi32, #tpu.memory_space<vmem>>) semaphore(%arg24 : memref<!tpu.dma_semaphore, #tpu.memory_space<semaphore_mem>>) {add = true}
        %dma_start3A_518 = tpu.memref_slice %arg10[%multiple_of3A_479] : memref<51200xi32, #tpu.memory_space<vmem>> -> memref<128xi32, #tpu.memory_space<vmem>>
        %dma_start3A_519 = arith.constant 0 : i32
        %dma_start3A_520 = arith.constant 0 : i32
        %dma_start3A_521 = tpu.memref_slice %arg7[%dma_start3A_519, %dma_start3A_520] : memref<1000000x32xf32, #tpu.memory_space<hbm>> -> memref<1000000x32xf32, #tpu.memory_space<hbm>>
        tpu.enqueue_indirect_dma source(%dma_start3A_521 : memref<1000000x32xf32, #tpu.memory_space<hbm>>) target(%arg17 : memref<128x32xf32, #tpu.memory_space<vmem>>) offsets(%dma_start3A_518 : memref<128xi32, #tpu.memory_space<vmem>>) semaphore(%arg24 : memref<!tpu.dma_semaphore, #tpu.memory_space<semaphore_mem>>) {add = true}
        %dma_start3A_522 = tpu.memref_slice %arg10[%multiple_of3A_486] : memref<51200xi32, #tpu.memory_space<vmem>> -> memref<128xi32, #tpu.memory_space<vmem>>
        %dma_start3A_523 = arith.constant 0 : i32
        %dma_start3A_524 = arith.constant 0 : i32
        %dma_start3A_525 = tpu.memref_slice %arg7[%dma_start3A_523, %dma_start3A_524] : memref<1000000x32xf32, #tpu.memory_space<hbm>> -> memref<1000000x32xf32, #tpu.memory_space<hbm>>
        tpu.enqueue_indirect_dma source(%dma_start3A_525 : memref<1000000x32xf32, #tpu.memory_space<hbm>>) target(%arg17 : memref<128x32xf32, #tpu.memory_space<vmem>>) offsets(%dma_start3A_522 : memref<128xi32, #tpu.memory_space<vmem>>) semaphore(%arg24 : memref<!tpu.dma_semaphore, #tpu.memory_space<semaphore_mem>>) {add = true}
        %dma_start3A_526 = tpu.memref_slice %arg10[%multiple_of3A_493] : memref<51200xi32, #tpu.memory_space<vmem>> -> memref<128xi32, #tpu.memory_space<vmem>>
        %dma_start3A_527 = arith.constant 0 : i32
        %dma_start3A_528 = arith.constant 0 : i32
        %dma_start3A_529 = tpu.memref_slice %arg7[%dma_start3A_527, %dma_start3A_528] : memref<1000000x32xf32, #tpu.memory_space<hbm>> -> memref<1000000x32xf32, #tpu.memory_space<hbm>>
        tpu.enqueue_indirect_dma source(%dma_start3A_529 : memref<1000000x32xf32, #tpu.memory_space<hbm>>) target(%arg17 : memref<128x32xf32, #tpu.memory_space<vmem>>) offsets(%dma_start3A_526 : memref<128xi32, #tpu.memory_space<vmem>>) semaphore(%arg24 : memref<!tpu.dma_semaphore, #tpu.memory_space<semaphore_mem>>) {add = true}
        %add3A_530 = arith.constant 2 : i32
        %add3A_531 = arith.addi %add3A_299, %add3A_530 : i32
        %mul3A_532 = arith.constant 6400 : i32
        %mul3A_533 = arith.muli %add3A, %mul3A_532 : i32
        %mul3A_534 = arith.constant 128 : i32
        %mul3A_535 = arith.muli %add3A_531, %mul3A_534 : i32
        %add3A_536 = arith.addi %mul3A_533, %mul3A_535 : i32
        %multiple_of3A_537 = tpu.assume_multiple %add3A_536, 16 : i32
        %mul3A_538 = arith.constant 4 : i32
        %mul3A_539 = arith.muli %multiple_of3A_537, %mul3A_538 : i32
        %dma_start3A_540 = tpu.memref_slice %arg4[%mul3A_539] : memref<819200xf32, #tpu.memory_space<hbm>> -> memref<512xf32, #tpu.memory_space<hbm>>
        %dma_start3A_541 = tpu.memref_slice %arg4[%mul3A_539] : memref<819200xf32, #tpu.memory_space<hbm>> -> memref<512xf32, #tpu.memory_space<hbm>>
        tpu.enqueue_dma source(%dma_start3A_541 : memref<512xf32, #tpu.memory_space<hbm>>) target(%arg12 : memref<512xf32, #tpu.memory_space<vmem>>) target_semaphore(%arg22 : memref<!tpu.dma_semaphore, #tpu.memory_space<semaphore_mem>>)
      } else {
      }
    }
    %scan3A_144 = arith.constant 25 : i32
    %mul3A_145 = arith.constant 6400 : i32
    %mul3A_146 = arith.muli %add3A, %mul3A_145 : i32
    %add3A_147 = arith.constant 6144 : i32
    %add3A_148 = arith.addi %mul3A_146, %add3A_147 : i32
    %multiple_of3A_149 = tpu.assume_multiple %add3A_148, 16 : i32
    %dma_wait3A = arith.constant 0 : i32
    %dma_wait3A_150 = tpu.memref_slice %arg8[%multiple_of3A_149, %dma_wait3A] : memref<204800x32xf32, #tpu.memory_space<hbm>> -> memref<128x32xf32, #tpu.memory_space<hbm>>
    %dma_wait3A_151 = arith.constant 0 : i32
    %dma_wait3A_152 = tpu.memref_slice %arg8[%multiple_of3A_149, %dma_wait3A_151] : memref<204800x32xf32, #tpu.memory_space<hbm>> -> memref<128x32xf32, #tpu.memory_space<hbm>>
    tpu.wait_dma2 semaphore(%arg25 : memref<!tpu.dma_semaphore, #tpu.memory_space<semaphore_mem>>) src(%arg18 : memref<128x32xf32, #tpu.memory_space<vmem>>) dst(%dma_wait3A_152 : memref<128x32xf32, #tpu.memory_space<hbm>>)
    %mul3A_153 = arith.constant 6400 : i32
    %mul3A_154 = arith.muli %add3A, %mul3A_153 : i32
    %add3A_155 = arith.constant 6272 : i32
    %add3A_156 = arith.addi %mul3A_154, %add3A_155 : i32
    %multiple_of3A_157 = tpu.assume_multiple %add3A_156, 16 : i32
    %dma_wait3A_158 = arith.constant 0 : i32
    %dma_wait3A_159 = tpu.memref_slice %arg8[%multiple_of3A_157, %dma_wait3A_158] : memref<204800x32xf32, #tpu.memory_space<hbm>> -> memref<128x32xf32, #tpu.memory_space<hbm>>
    %dma_wait3A_160 = arith.constant 0 : i32
    %dma_wait3A_161 = tpu.memref_slice %arg8[%multiple_of3A_157, %dma_wait3A_160] : memref<204800x32xf32, #tpu.memory_space<hbm>> -> memref<128x32xf32, #tpu.memory_space<hbm>>
    tpu.wait_dma2 semaphore(%arg26 : memref<!tpu.dma_semaphore, #tpu.memory_space<semaphore_mem>>) src(%arg19 : memref<128x32xf32, #tpu.memory_space<vmem>>) dst(%dma_wait3A_161 : memref<128x32xf32, #tpu.memory_space<hbm>>)
    return
  }
}

</mosaic_0001>

<sc_bundles>
// kernel: kernel.3.cloned.1.call-start
scs
__scs_entry_jumppad:
0x0: {  	(pc) =	sbr.rel $0x88, $3  }
0x1: {  	(tag) =	ssettag $0x0;
	lr =	simm.s32 $0x1  }
0x2: {  	[smem:$0x3F9B] =	sst lr;
	_ =	strace $0xD0000000  }
0x3: {  	_ = 	snop  }
0x4: {  	_ = 	snop  }
0x5: {  	_ = 	snop  }
0x6: {  	_ = 	snop  }
0x7: {  	_ = 	snop  }
__scs_overlays_trampoline_lowered:
0x8: {  	[smem:$0x3FAA] =	sst s0  }
0x9: {  	[smem:$0x3FAB] =	sst s1  }
0xa: {  	[smem:$0x3FAC] =	sst s2  }
0xb: {  	[smem:$0x3FAD] =	sst s3  }
0xc: {  	[smem:$0x3FAE] =	sst s4  }
0xd: {  	[smem:$0x3FAF] =	sst s5  }
0xe: {  	[smem:$0x3FB0] =	sst s6  }
0xf: {  	[smem:$0x3FB1] =	sst s7  }
0x10: {  	[smem:$0x3FB2] =	sst s8  }
0x11: {  	[smem:$0x3FB3] =	sst s9;
	s0 =	simm.s32 @!p0 $0x0  }
0x12: {  	s1 =	sld [smem:$0x3F99];
	s0 =	simm.s32 @p0 $0x1  }
0x13: {  	[smem:$0x3FB4] =	sst s0;
	s0 =	simm.s32 @!p1 $0x0  }
0x14: {  	s2 =	sld [smem:$0x3F98];
	s0 =	simm.s32 @p1 $0x1  }
0x15: {  	[smem:$0x3FB5] =	sst s0;
	s0 =	simm.s32 @!p2 $0x0  }
0x16: {  	s3 =	sld [smem:$0x3FDB];
	s0 =	simm.s32 @p2 $0x1  }
0x17: {  	s4 =	simm.s32 $0x1BF5;
	[smem:$0x3FB7] =	sst s0  }
0x18: {  	s0 =	sld [smem:$0x3F9A];
	_ =	swait.ge [sflag:s4], $0x0  }
0x19: {  	s7 =	sld [smem:$0x3F9B]  }
0x1a: {  	s8 =	sadd.s32 $0xFFFFE003, lr  }
0x1b: {  	s9 =	sadd.s32 $0xFFFFFEF7, lr;
	s5 =	simm.s32 $0xFFFFFFFF;
	p2 =	slt.u32 s8, $0xFFFFF086  }
0x1c: {  	p1 =	slt.u32 s9, $0xF7A;
	s5 =	simm.s32 @!p2 $0x0  }
0x1d: {  	s5 =	simm.s32 @p1 $0x1;
	p0 =	seq.s32 s7, s2  }
0x1e: {  	s7 =	smul.u32 @!p0 $0xF7A, s2;
	p2 =	seq.s32 @!p0 s5, $0x0  }
0x1f: {  	s9 =	smul.u32 $0xF7A, s1;
	s8 =	simm.s32 @!p0 $0x1BF5;
	p2 =	por !p2, p0  }
0x20: {  	[sflag:s8] =	ssyncset.s32 @!p0 $0xFFFFF086;
	s6 =	sadd.s32 @!p0 s3, s7;
	s7 =	simm.s32 @!p0 $0x108  }
0x21: {  	s3 =	sadd.s32 s3, s9;
	s6 =	sadd.s32 @!p0 $0x88, s6;
	s7 =	simm.s32 @p2 $0x1082  }
0x22: {  	[simem:s7], [sflag:s8] =	dma.local @!p0 [hbm:s6], $0xF7A  }
0x23: {  	s9 =	sor.u32 $0xD0000000, s2;
	s6 =	simm.s32 $0x108;
	_ =	swait.ge @!p0 [sflag:s8], $0x0  }
0x24: {  	s3 =	sadd.s32 $0x88, s3;
	s6 =	simm.s32 @!p1 $0x1082;
	[sflag:s4] =	ssyncset.s32 $0xFFFFF086  }
0x25: {  	[simem:s6], [sflag:s4] =	dma.local [hbm:s3], $0xF7A  }
0x26: {  	[smem:$0x3F9B] =	sst s1;
	(tag) =	ssettag s2;
	_ =	strace s9  }
0x27: {  	s1 =	sld [smem:$0x3FAB]  }
0x28: {  	s2 =	sld [smem:$0x3FAC]  }
0x29: {  	s4 =	sld [smem:$0x3FAE]  }
0x2a: {  	p0 =	seq.s32 s5, $0x0;
	s5 =	sld [smem:$0x3FAF]  }
0x2b: {  	s6 =	sld [smem:$0x3FB0]  }
0x2c: {  	s7 =	sld [smem:$0x3FB1]  }
0x2d: {  	s3 =	simm.s32 $0x108;
	s8 =	sld [smem:$0x3FB2]  }
0x2e: {  	s3 =	simm.s32 @!p0 $0x1082;
	s9 =	sld [smem:$0x3FB3]  }
0x2f: {  	lr =	sadd.s32 s0, s3;
	s0 =	sld [smem:$0x3FAA]  }
0x30: {  	s3 =	sld [smem:$0x3FAD]  }
0x31: {  	[smem:$0x3FB6] =	sst s10  }
0x32: {  	s10 =	sld [smem:$0x3FB4];
	_ =	sdelay $0x3  }
0x33: {  	p0 =	seq.s32 s10, $0x1;
	s10 =	sld [smem:$0x3FB6];
	_ =	sdelay $0x3  }
0x34: {  	[smem:$0x3FB6] =	sst s10  }
0x35: {  	s10 =	sld [smem:$0x3FB5];
	_ =	sdelay $0x3  }
0x36: {  	p1 =	seq.s32 s10, $0x1;
	s10 =	sld [smem:$0x3FB6];
	_ =	sdelay $0x3  }
0x37: {  	[smem:$0x3FB6] =	sst s10  }
0x38: {  	s10 =	sld [smem:$0x3FB7]  }
0x39: {  	_ = 	snop;
	(pc) =	sbr.ind lr, $3  }
0x3a: {  	_ = 	snop  }
0x3b: {  	_ = 	snop  }
0x3c: {  	p2 =	seq.s32 s10, $0x1;
	s10 =	sld [smem:$0x3FB6]  }
0x3d: {  	_ =	shalt  }
0x3e: {  	_ =	shalt  }
0x3f: {  	_ =	shalt  }
0x40: {  	_ =	shalt  }
0x41: {  	_ =	shalt  }
0x42: {  	_ =	shalt  }
0x43: {  	_ =	shalt  }
0x44: {  	_ =	shalt  }
0x45: {  	_ =	shalt  }
0x46: {  	_ =	shalt  }
0x47: {  	_ =	shalt  }
0x48: {  	_ =	shalt  }
0x49: {  	_ =	shalt  }
0x4a: {  	_ =	shalt  }
0x4b: {  	_ =	shalt  }
0x4c: {  	_ =	shalt  }
0x4d: {  	_ =	shalt  }
0x4e: {  	_ =	shalt  }
0x4f: {  	_ =	shalt  }
0x50: {  	_ =	shalt  }
0x51: {  	_ =	shalt  }
0x52: {  	_ =	shalt  }
0x53: {  	_ =	shalt  }
0x54: {  	_ =	shalt  }
0x55: {  	_ =	shalt  }
0x56: {  	_ =	shalt  }
0x57: {  	_ =	shalt  }
0x58: {  	_ =	shalt  }
0x59: {  	_ =	shalt  }
0x5a: {  	_ =	shalt  }
0x5b: {  	_ =	shalt  }
0x5c: {  	_ =	shalt  }
0x5d: {  	_ =	shalt  }
0x5e: {  	_ =	shalt  }
0x5f: {  	_ =	shalt  }
0x60: {  	_ =	shalt  }
0x61: {  	_ =	shalt  }
0x62: {  	_ =	shalt  }
0x63: {  	_ =	shalt  }
0x64: {  	_ =	shalt  }
0x65: {  	_ =	shalt  }
0x66: {  	_ =	shalt  }
0x67: {  	_ =	shalt  }
0x68: {  	_ =	shalt  }
0x69: {  	_ =	shalt  }
0x6a: {  	_ =	shalt  }
0x6b: {  	_ =	shalt  }
0x6c: {  	_ =	shalt  }
0x6d: {  	_ =	shalt  }
0x6e: {  	_ =	shalt  }
0x6f: {  	_ =	shalt  }
0x70: {  	_ =	shalt  }
0x71: {  	_ =	shalt  }
0x72: {  	_ =	shalt  }
0x73: {  	_ =	shalt  }
0x74: {  	_ =	shalt  }
0x75: {  	_ =	shalt  }
0x76: {  	_ =	shalt  }
0x77: {  	_ =	shalt  }
0x78: {  	_ =	shalt  }
0x79: {  	_ =	shalt  }
0x7a: {  	_ =	shalt  }
0x7b: {  	_ =	shalt  }
0x7c: {  	_ =	shalt  }
0x7d: {  	_ =	shalt  }
0x7e: {  	_ =	shalt  }
0x7f: {  	_ =	shalt  }
0x80: {  	_ =	shalt  }
0x81: {  	_ =	shalt  }
0x82: {  	_ =	shalt  }
0x83: {  	_ =	shalt  }
0x84: {  	_ =	shalt  }
0x85: {  	_ =	shalt  }
0x86: {  	_ =	shalt  }
0x87: {  	_ =	shalt  }
.Lfunc_end0:
.L_simem_size_0:
called_computation_lowered:
.L_overlay_start_0:
0x88: {  	s2 =	sld [smem:$0x3FD9]  }
0x89: {  	s3 =	sld [smem:$0x3FFE];
	_ =	sdelay $0x1  }
0x8a: {  	s1 =	srdreg.scid  }
0x8b: {  	s0 =	sand.u32 $0x1, s1  }
0x8c: {  	s17 =	sshll.u32 s0, $0xA;
	s2 =	sadd.s32 s3, s2  }
0x8d: {  	s2 =	sadd.s32 s2, s17  }
0x8e: {  	[smem:$0x3FC2] =	sst s2  }
0x8f: {  	_ = 	snop  }
0x90: {  	s2 =	sld [smem:$0x3FC7]  }
0x91: {  	s18 =	sld [smem:$0x3FD0];
	(tm) =	ssettm $0x1  }
0x92: {  	s4 =	sld [smem:$0x3FFB];
	_ =	sdelay $0x3  }
0x93: {  	_ =	strace s4  }
0x94: {  	s4 =	sld [smem:$0x3FFC];
	_ =	sdelay $0x3  }
0x95: {  	_ =	strace s4  }
0x96: {  	s4 =	sld [smem:$0x3FFD];
	_ =	sdelay $0x3  }
0x97: {  	_ =	strace s4  }
0x98: {  	_ =	strace $0x8FFFFFFF  }
0x99: {  	s19 =	sld [smem:$0x3FDB];
	_ =	sdelay $0x1  }
0x9a: {  	s5 =	simm.s32 $_scs_section_size  }
0x9b: {  	s6 =	simm.s32 $_size__tile_overlayer_lowered;
	s7 =	simm.s32 $_tile_overlayer_lowered  }
0x9c: {  	s22 =	simm.s32 $0x1BFF;
	s21 =	sshll.u32 s7, $0x1;
	s4 =	sadd.s32 s5, s19  }
0x9d: {  	s8 =	simm.s32 $0x0;
	s20 =	sshll.u32 s6, $0x1;
	s6 =	sadd.s32 s21, s4  }
0x9e: {  	[timem:s8], [sflag:s22] =	dma.local [hbm:s6], s20  }
0x9f: {  	_ =	swait.ge [sflag:s22], s20  }
0xa0: {  	s5 =	ssub.s32 $0x0, s20;
	[sflag:s22] =	ssyncset.done $0x0  }
0xa1: {  	[sflag:s22] =	ssyncadd.s32 s5;
	_ =	sdelay $0x1  }
0xa2: {  	s23 =	simm.s32 $0x1B8B  }
0xa3: {  	_ =	swait.ge [sflag:s23], $0x1  }
0xa4: {  	[sflag:s23] =	ssyncset.done $0x0  }
0xa5: {  	s25 =	simm.s32 $0x1B8E;
	s24 =	sld [smem:$0x3FFE];
	[sflag:s23] =	ssyncadd.s32 $0xFFFFFFFF  }
0xa6: {  	s26 =	simm.s32 $execute0_lowered;
	[smem:$0x3FD2] =	sst s25  }
0xa7: {  	s6 =	sshll.u32 s26, $0x1;
	_ =	strace $0x80000046;
	[dreg:$0x1] =	wrdreg $0xFFFFFFFF  }
0xa8: {  	s28 =	simm.s32 $_size_execute0_lowered;
	s4 =	sadd.s32 s4, s6;
	[dreg:$0x0] =	wrdreg $0x0  }
0xa9: {  	s6 =	sshll.u32 s28, $0x1;
	[dreg:$0x2] =	wrdreg s4  }
0xaa: {  	[dreg:$0x3] =	wrdreg s6  }
0xab: {  	[dreg:$0x4] =	wrdreg $0xC0  }
0xac: {  	_ =	task [dreg:s8], $0x5FFFF  }
0xad: {  	[dreg:$0x1] =	wrdreg $0xFFFFFFFF  }
0xae: {  	[dreg:$0x0] =	wrdreg $0x60  }
0xaf: {  	[dreg:$0x2] =	wrdreg s24  }
0xb0: {  	[dreg:$0x3] =	wrdreg s2  }
0xb1: {  	[dreg:$0x4] =	wrdreg s18  }
0xb2: {  	[dreg:$0x5] =	wrdreg $0x9  }
0xb3: {  	_ =	task.clear_ibuf [dreg:s8], $0x6FFFF;
	_ =	strace $0x90000046  }
0xb4: {  	s29 =	simm.s32 $0x9;
	_ =	strace $0x80000048  }
0xb5: {  	_ =	swait.ge [sflag:s29], $0x1  }
0xb6: {  	[sflag:s29] =	ssyncadd.s32 $0xFFFFFFFF  }
0xb7: {  	_ =	strace $0x90000048  }
0xb8: {  	_ =	sfence  }
0xb9: {  	s30 =	sld [smem:$0x0];
	_ =	sdelay $0x2  }
0xba: {  	s31 =	sshll.u32 s1, $0xD;
	s1 =	sshrl.u32 s1, $0x2  }
0xbb: {  	s3 =	sand.u32 $0x4000, s31;
	s1 =	sadd.s32 s1, s30  }
0xbc: {  	s0 =	sor.u32 s3, s0;
	s1 =	sshll.u32 s1, $0x11  }
0xbd: {  	s0 =	sor.u32 s1, s0  }
0xbe: {  	s0 =	sadd.s32 $0x8F2B, s0  }
0xbf: {  	[sflag:s0] =	ssyncadd.remote.s32 $0x1  }
0xc0: {  	_ =	sfence.sel $0xFFFF  }
0xc1: {  	[dreg:$0x0] =	wrdreg $0xFFFFFFFF;
	(pc) =	sbr.abs _section_cstart, $3  }
0xc2: {  	[dreg:$0x1] =	wrdreg $0xFFFFFFFF  }
0xc3: {  	_ =	task.clear_ibuf [dreg:s8], $0x2FFFF;
	_ =	strace $0x9FFFFFFF  }
0xc4: {  	(tm) =	ssettm $0x7FFFFFFF  }
0xc5: {  	_ =	shalt  }
tec
execute0_lowered:
.L_overlay_start_1:
0x0: {  	(tag) =	ssettag $0x1  }
0x1: {  	s0 =	srdreg.scid  }
0x2: {  	s2 =	stileid.u32;
	s1 =	rddreg [dreg:$0x0];
	s5 =	simm.s32 $0x0  }
0x3: {  	s17 =	simm.s32 $0x7;
	s12 =	simm.s32 $0x1900;
	s19 =	simm.s32 $0x80  }
0x4: {  	s20 =	simm.s32 $0xE510;
	s21 =	simm.s32 $0x16510;
	s30 =	simm.s32 $0xE100  }
0x5: {  	s31 =	simm.s32 $0x12510;
	s29 =	simm.s32 $0xE300;
	s16 =	simm.s32 $0x1  }
0x6: {  	s0 =	sand.u32 $0x1, s0;
	s3 =	sshll.u32 s2, $0x1;
	s2 =	rddreg [dreg:$0x1]  }
0x7: {  	s22 =	simm.s32 $0x1A510;
	[smem:$0x7FF] =	sst s5;
	s7 =	sor.u32 s0, s3  }
0x8: {  	s8 =	sadd.s32 $0x20000, s1;
	s3 =	rddreg [dreg:$0x2];
	s4 =	smul.u32 $0x1900, s7  }
0x9: {  	_ =	strace $0x80000047;
	s0 =	ssub.s32 $0x2, s0;
	s11 =	smul.u32 $0xC80, s7  }
0xa: {  	[dreg:$0x4] =	wrdreg s8;
	s8 =	sadd.s32 $0x1295000, s1;
	s24 =	smul.u32 $0x6400, s7  }
0xb: {  	s23 =	sshrl.u32 s0, $0x1;
	s13 =	smul.u32 $0x32000, s7;
	s7 =	simm.s32 $0x0  }
0xc: {  	s0 =	ssub.s32 s0, s23;
	s23 =	simm.s32 $0x18510;
	s6 =	sshrl.u32 s4, $0x3  }
0xd: {  	s10 =	sadd.s32 s4, s1;
	s0 =	smax.u32 s0, $0x1;
	s28 =	sadd.s32 s24, s3  }
0xe: {  	s24 =	simm.s32 $0x4;
	s9 =	sadd.s32 s6, s1;
	s6 =	sadd.s32 $0x7000, s1  }
.Ltmp0:
0xf: {  	s25 =	sadd.s32 $0x352C00, s10;
	[dreg:$0x9] =	wrdreg s0;
	(pc) =	sbr.rel .LBB2_1-.Ltmp0, $4  }
0x10: {  	s15 =	sadd.s32 $0x200, s28;
	s9 =	sadd.s32 $0xC00, s9;
	[dreg:$0x7] =	wrdreg s25  }
0x11: {  	v0 =	vlaneseq.u32;
	s0 =	simm.s32 $0x17510;
	s11 =	sadd.s32 s6, s11;
	[dreg:$0x6] =	wrdreg s9  }
0x12: {  	v3 =	vshrl.u32 v0, $0x3;
	s1 =	simm.s32 $0x3;
	[dreg:$0x5] =	wrdreg s11;
	s26 =	sadd.s32 $0x40, s11  }
0x13: {  	v1 =	vimm.f32 $0.0e+00;
	v2 =	vand.u32 $0x7, v0;
	v3 =	vmul.u32 $0x8, v3;
	s25 =	simm.s32 $0x2;
	[dreg:$0x8] =	wrdreg s26;
	s26 =	simm.s32 $0x19510  }
.LBB2_22:
0x14: {  	s9 =	simm.s32 $0x5  }
0x15: {  	_ =	swait.ge [sflag:s9], $0x1000  }
0x16: {  	[sflag:s9] =	ssyncset.done $0x0  }
0x17: {  	s10 =	simm.s32 $0x6;
	[sflag:s9] =	ssyncadd.s32 $0xFFFFF000  }
0x18: {  	_ =	swait.ge [sflag:s10], $0x1000  }
0x19: {  	s7 =	sadd.s32 $0x1, s7;
	s28 =	rddreg [dreg:$0x9]  }
0x1a: {  	p0 =	sne.s32 s7, s28  }
.Ltmp1:
0x1b: {  	_ = 	snop;
	(pc) =	sbr.rel @!p0 .LBB2_23-.Ltmp1, $3  }
0x1c: {  	_ =	sdelay $0x1  }
0x1d: {  	[sflag:s10] =	ssyncset.done $0x0  }
0x1e: {  	s12 =	simm.s32 $0x1900;
	[sflag:s10] =	ssyncadd.s32 $0xFFFFF000  }
.LBB2_1:
0x1f: {  	s9 =	rddreg [dreg:$0x4];
	s10 =	simm.s32 $0xE500  }
0x20: {  	[tilespmem:s10], [sflag:$0x7] =	stream.linear.gather [hbm4b:s9+s5], $0x10, $0x38;
	[tilespmem:$0x1E910] =	vst v63  }
0x21: {  	_ =	swait.ge [sflag:s17], $0x10  }
0x22: {  	[sflag:s17] =	ssyncset.done $0x0  }
0x23: {  	s18 =	rddreg [dreg:$0x6];
	[sflag:s17] =	ssyncadd.s32 $0xFFFFFFF0  }
0x24: {  	[tilespmem:s5], [sflag:$0x7] =	stream.linear.gather [hbm4b:s18+s5], $0x1900, $0x38;
	[tilespmem:$0x1E910] =	vst v63  }
0x25: {  	_ =	swait.ge [sflag:s17], $0x1900  }
0x26: {  	[sflag:s17] =	ssyncset.done $0x0  }
0x27: {  	s28 =	rddreg [dreg:$0x7];
	[sflag:s17] =	ssyncadd.s32 $0xFFFFE700  }
0x28: {  	[tilespmem:s12], [sflag:$0x7] =	stream.linear.gather [hbm4b:s28+s5], $0xC800, $0x38;
	[tilespmem:$0x1E910] =	vst v63  }
0x29: {  	_ =	swait.ge [sflag:s17], $0xC800  }
0x2a: {  	[sflag:s17] =	ssyncset.done $0x0  }
0x2b: {  	[sflag:s17] =	ssyncadd.s32 $0xFFFF3800  }
0x2c: {  	v4 =	vld [tilespmem:$0xE500];
	_ =	sdelay $0x3  }
0x2d: {  	s10 =	simm.s32 $0x80;
	s9 =	simm.s32 $0x0  }
.LBB2_2:
0x2e: {  	p0 =	sne.s32 s10, $0x3F80;
	[tilespmem:s9+$0x17520] =	vst v1;
	s11 =	smov.u32 s10;
	s10 =	sadd.s32 $0x80, s10  }
.Ltmp2:
0x2f: {  	[tilespmem:s9+$0x17510] =	vst v1;
	(pc) =	sbr.rel @p0 .LBB2_2-.Ltmp2, $3  }
0x30: {  	[tilespmem:s9+$0x16510] =	vst v1  }
0x31: {  	[tilespmem:s9+$0x16520] =	vst v1;
	_ =	sdelay $0x1  }
0x32: {  	s9 =	sshra.s32 s11, $0x2  }
0x33: {  	[tilespmem:s9+$0x17520] =	vst v1  }
0x34: {  	[tilespmem:s9+$0x17510] =	vst v1  }
0x35: {  	[tilespmem:s9+$0x16510] =	vst v1  }
0x36: {  	[tilespmem:s9+$0x16520] =	vst v1;
	s10 =	simm.s32 $0x0  }
0x37: {  	[tilespmem:s20], [sflag:$0x3] =	stream.indirect.gather [hbm4b:s2+s19], $0x80, s10, s19, $0xb8;
	[tilespmem:$0x1E910] =	vst v63  }
0x38: {  	_ = 	snop  }
0x39: {  	[tilespmem:s21], [sflag:$0x3] =	stream.indirect.gather.add.f32 [hbm:s8], $0x20, s12, s19, $0xb8;
	[tilespmem:$0x1E910] =	vst v63  }
0x3a: {  	s18 =	simm.s32 $0x1980  }
0x3b: {  	[tilespmem:s21], [sflag:$0x3] =	stream.indirect.gather.add.f32 [hbm:s8], $0x20, s18, s19, $0xb8;
	[tilespmem:$0x1E910] =	vst v63  }
0x3c: {  	s28 =	simm.s32 $0x1A00  }
0x3d: {  	[tilespmem:s21], [sflag:$0x3] =	stream.indirect.gather.add.f32 [hbm:s8], $0x20, s28, s19, $0xb8;
	[tilespmem:$0x1E910] =	vst v63  }
0x3e: {  	s11 =	simm.s32 $0x1A80  }
0x3f: {  	[tilespmem:s21], [sflag:$0x3] =	stream.indirect.gather.add.f32 [hbm:s8], $0x20, s11, s19, $0xb8;
	[tilespmem:$0x1E910] =	vst v63  }
0x40: {  	s12 =	simm.s32 $0x1B00  }
0x41: {  	[tilespmem:s21], [sflag:$0x3] =	stream.indirect.gather.add.f32 [hbm:s8], $0x20, s12, s19, $0xb8;
	[tilespmem:$0x1E910] =	vst v63  }
0x42: {  	s14 =	simm.s32 $0x1B80  }
0x43: {  	[tilespmem:s21], [sflag:$0x3] =	stream.indirect.gather.add.f32 [hbm:s8], $0x20, s14, s19, $0xb8;
	[tilespmem:$0x1E910] =	vst v63  }
0x44: {  	s18 =	simm.s32 $0x1C00  }
0x45: {  	[tilespmem:s21], [sflag:$0x3] =	stream.indirect.gather.add.f32 [hbm:s8], $0x20, s18, s19, $0xb8;
	[tilespmem:$0x1E910] =	vst v63  }
0x46: {  	s28 =	simm.s32 $0x1C80  }
0x47: {  	[tilespmem:s21], [sflag:$0x3] =	stream.indirect.gather.add.f32 [hbm:s8], $0x20, s28, s19, $0xb8;
	[tilespmem:$0x1E910] =	vst v63  }
0x48: {  	s11 =	rddreg [dreg:$0x5]  }
0x49: {  	[tilespmem:s30], [sflag:$0x1] =	stream.linear.gather [hbm4b:s11+s10], $0x200, $0x38;
	[tilespmem:$0x1E910] =	vst v63  }
0x4a: {  	_ = 	snop  }
0x4b: {  	[tilespmem:s31], [sflag:$0x4] =	stream.indirect.gather [hbm4b:s2+s19], $0x80, s19, s19, $0xb8;
	[tilespmem:$0x1E910] =	vst v63  }
0x4c: {  	s12 =	simm.s32 $0x1D00  }
0x4d: {  	[tilespmem:s0], [sflag:$0x4] =	stream.indirect.gather.add.f32 [hbm:s8], $0x20, s12, s19, $0xb8;
	[tilespmem:$0x1E910] =	vst v63  }
0x4e: {  	s14 =	simm.s32 $0x1D80  }
0x4f: {  	[tilespmem:s0], [sflag:$0x4] =	stream.indirect.gather.add.f32 [hbm:s8], $0x20, s14, s19, $0xb8;
	[tilespmem:$0x1E910] =	vst v63  }
0x50: {  	s18 =	simm.s32 $0x1E00  }
0x51: {  	[tilespmem:s0], [sflag:$0x4] =	stream.indirect.gather.add.f32 [hbm:s8], $0x20, s18, s19, $0xb8;
	[tilespmem:$0x1E910] =	vst v63  }
0x52: {  	s28 =	simm.s32 $0x1E80  }
0x53: {  	[tilespmem:s0], [sflag:$0x4] =	stream.indirect.gather.add.f32 [hbm:s8], $0x20, s28, s19, $0xb8;
	[tilespmem:$0x1E910] =	vst v63  }
0x54: {  	s11 =	simm.s32 $0x1F00  }
0x55: {  	[tilespmem:s0], [sflag:$0x4] =	stream.indirect.gather.add.f32 [hbm:s8], $0x20, s11, s19, $0xb8;
	[tilespmem:$0x1E910] =	vst v63  }
0x56: {  	s12 =	simm.s32 $0x1F80  }
0x57: {  	[tilespmem:s0], [sflag:$0x4] =	stream.indirect.gather.add.f32 [hbm:s8], $0x20, s12, s19, $0xb8;
	[tilespmem:$0x1E910] =	vst v63  }
0x58: {  	s14 =	simm.s32 $0x2000  }
0x59: {  	[tilespmem:s0], [sflag:$0x4] =	stream.indirect.gather.add.f32 [hbm:s8], $0x20, s14, s19, $0xb8;
	[tilespmem:$0x1E910] =	vst v63  }
0x5a: {  	s18 =	simm.s32 $0x2080  }
0x5b: {  	[tilespmem:s0], [sflag:$0x4] =	stream.indirect.gather.add.f32 [hbm:s8], $0x20, s18, s19, $0xb8;
	[tilespmem:$0x1E910] =	vst v63  }
0x5c: {  	s28 =	rddreg [dreg:$0x8]  }
0x5d: {  	[tilespmem:s29], [sflag:$0x2] =	stream.linear.gather [hbm4b:s28+s10], $0x200, $0x38;
	[tilespmem:$0x1E910] =	vst v63  }
.LBB2_4:
0x5e: {  	_ =	swait.ge [sflag:s1], $0x4000  }
0x5f: {  	[sflag:s1] =	ssyncset.done $0x0  }
0x60: {  	[sflag:s1] =	ssyncadd.s32 $0xFFFFC000  }
0x61: {  	_ =	swait.ge [sflag:s1], $0x1000  }
0x62: {  	[sflag:s1] =	ssyncset.done $0x0  }
0x63: {  	[sflag:s1] =	ssyncadd.s32 $0xFFFFF000  }
0x64: {  	_ =	swait.ge [sflag:s1], $0x1000  }
0x65: {  	[sflag:s1] =	ssyncset.done $0x0  }
0x66: {  	[sflag:s1] =	ssyncadd.s32 $0xFFFFF000  }
0x67: {  	_ =	swait.ge [sflag:s1], $0x1000  }
0x68: {  	[sflag:s1] =	ssyncset.done $0x0  }
0x69: {  	[sflag:s1] =	ssyncadd.s32 $0xFFFFF000  }
0x6a: {  	_ =	swait.ge [sflag:s1], $0x1000  }
0x6b: {  	[sflag:s1] =	ssyncset.done $0x0  }
0x6c: {  	[sflag:s1] =	ssyncadd.s32 $0xFFFFF000  }
0x6d: {  	_ =	swait.ge [sflag:s1], $0x1000  }
0x6e: {  	[sflag:s1] =	ssyncset.done $0x0  }
0x6f: {  	[sflag:s1] =	ssyncadd.s32 $0xFFFFF000  }
0x70: {  	_ =	swait.ge [sflag:s1], $0x1000  }
0x71: {  	[sflag:s1] =	ssyncset.done $0x0  }
0x72: {  	[sflag:s1] =	ssyncadd.s32 $0xFFFFF000  }
0x73: {  	_ =	swait.ge [sflag:s1], $0x1000  }
0x74: {  	[sflag:s1] =	ssyncset.done $0x0  }
0x75: {  	[sflag:s1] =	ssyncadd.s32 $0xFFFFF000  }
0x76: {  	_ =	swait.ge [sflag:s1], $0x1000  }
0x77: {  	p0 =	seq.s32 s10, $0x0;
	[sflag:s1] =	ssyncset.done $0x0  }
0x78: {  	s9 =	simm.s32 @!p0 $0x5;
	[sflag:s1] =	ssyncadd.s32 $0xFFFFF000  }
0x79: {  	_ =	swait.ge @!p0 [sflag:s9], $0x1000  }
0x7a: {  	[sflag:s9] =	ssyncset.done @!p0 $0x0  }
0x7b: {  	[sflag:s9] =	ssyncadd.s32 @!p0 $0xFFFFF000  }
0x7c: {  	_ =	swait.ge [sflag:s16], $0x200  }
0x7d: {  	[sflag:s16] =	ssyncset.done $0x0  }
0x7e: {  	s11 =	sshll.u32 s10, $0x1;
	s12 =	simm.s32 $0x0;
	[sflag:s16] =	ssyncadd.s32 $0xFFFFFE00  }
.LBB2_5:
0x7f: {  	s9 =	sshll.u32 s12, $0x4  }
0x80: {  	v6 =	vor.u32 s9, v0  }
0x81: {  	v7 =	vshll.u32 v6, $0x7  }
0x82: {  	s14 =	simm.s32 $0x0;
	v10 =	vor.u32 v0, v7  }
0x83: {  	v11 =	vor.u32 s14, v10  }
0x84: {  	v5 =	vmul.u32 $0x88, v6  }
0x85: {  	s28 =	simm.s32 $0x1  }
0x86: {  	v12 =	vadd.s32 s28, v0;
	v8 =	vor.u32 v2, v5  }
0x87: {  	v14 =	vand.u32 $0x78, v12;
	v13 =	vadd.s32 s14, v8  }
0x88: {  	v12 =	vand.u32 $0x7, v12;
	v15 =	vor.u32 v7, v14;
	v13 =	vadd.s32 v3, v13;
	v11 =	vld.idx.msk [tilespmem:v11+s20+$0x0], $0xffff  }
0x89: {  	v15 =	vor.u32 v12, v15;
	_ =	sdelay $0x1  }
0x8a: {  	s18 =	simm.s32 $0x2  }
0x8b: {  	v16 =	vadd.s32 s18, v0  }
0x8c: {  	[tilespmem:v13+s22+$0x0] =	vst.idx.msk $0xffff, v11;
	v11 =	vadd.s32 v5, v14;
	v13 =	vand.u32 $0x78, v16  }
0x8d: {  	v14 =	vld.idx.msk [tilespmem:v15+s20+$0x0], $0xffff;
	v11 =	vor.u32 v12, v11;
	v12 =	vand.u32 $0x7, v16;
	v15 =	vor.u32 v7, v13  }
0x8e: {  	v15 =	vor.u32 v12, v15;
	_ =	sdelay $0x1  }
0x8f: {  	s18 =	simm.s32 $0x3  }
0x90: {  	v53 =	vadd.s32 s18, v0  }
0x91: {  	[tilespmem:v11+s22+$0x0] =	vst.idx.msk $0xffff, v14;
	v11 =	vadd.s32 v5, v13;
	v13 =	vand.u32 $0x78, v53  }
0x92: {  	v14 =	vld.idx.msk [tilespmem:v15+s20+$0x0], $0xffff;
	v11 =	vor.u32 v12, v11;
	v12 =	vand.u32 $0x7, v53;
	v15 =	vor.u32 v7, v13  }
0x93: {  	v15 =	vor.u32 v12, v15;
	_ =	sdelay $0x1  }
0x94: {  	s18 =	simm.s32 $0x4  }
0x95: {  	v54 =	vadd.s32 s18, v0  }
0x96: {  	[tilespmem:v11+s22+$0x0] =	vst.idx.msk $0xffff, v14;
	v11 =	vadd.s32 v5, v13;
	v13 =	vand.u32 $0x78, v54  }
0x97: {  	v14 =	vld.idx.msk [tilespmem:v15+s20+$0x0], $0xffff;
	v11 =	vor.u32 v12, v11;
	v12 =	vand.u32 $0x7, v54;
	v15 =	vor.u32 v7, v13  }
0x98: {  	v15 =	vor.u32 v12, v15;
	_ =	sdelay $0x1  }
0x99: {  	s18 =	simm.s32 $0x5  }
0x9a: {  	v55 =	vadd.s32 s18, v0  }
0x9b: {  	[tilespmem:v11+s22+$0x0] =	vst.idx.msk $0xffff, v14;
	v11 =	vadd.s32 v5, v13;
	v13 =	vand.u32 $0x78, v55  }
0x9c: {  	v14 =	vld.idx.msk [tilespmem:v15+s20+$0x0], $0xffff;
	v11 =	vor.u32 v12, v11;
	v12 =	vand.u32 $0x7, v55;
	v15 =	vor.u32 v7, v13  }
0x9d: {  	v15 =	vor.u32 v12, v15;
	_ =	sdelay $0x1  }
0x9e: {  	s18 =	simm.s32 $0x6  }
0x9f: {  	v56 =	vadd.s32 s18, v0  }
0xa0: {  	[tilespmem:v11+s22+$0x0] =	vst.idx.msk $0xffff, v14;
	v11 =	vadd.s32 v5, v13;
	v13 =	vand.u32 $0x78, v56  }
0xa1: {  	v14 =	vld.idx.msk [tilespmem:v15+s20+$0x0], $0xffff;
	v11 =	vor.u32 v12, v11;
	v12 =	vand.u32 $0x7, v56;
	v15 =	vor.u32 v7, v13  }
0xa2: {  	v15 =	vor.u32 v12, v15;
	_ =	sdelay $0x1  }
0xa3: {  	s18 =	simm.s32 $0x7  }
0xa4: {  	v57 =	vadd.s32 s18, v0  }
0xa5: {  	[tilespmem:v11+s22+$0x0] =	vst.idx.msk $0xffff, v14;
	v11 =	vadd.s32 v5, v13;
	v13 =	vand.u32 $0x78, v57  }
0xa6: {  	v14 =	vld.idx.msk [tilespmem:v15+s20+$0x0], $0xffff;
	v11 =	vor.u32 v12, v11;
	v12 =	vand.u32 $0x7, v57;
	v15 =	vor.u32 v7, v13  }
0xa7: {  	v15 =	vor.u32 v12, v15;
	_ =	sdelay $0x2  }
0xa8: {  	s18 =	simm.s32 $0x8  }
0xa9: {  	[tilespmem:v11+s22+$0x0] =	vst.idx.msk $0xffff, v14;
	v11 =	vadd.s32 v5, v13;
	v13 =	vadd.s32 s18, v0  }
0xaa: {  	v9 =	vor.u32 v2, v7;
	v14 =	vld.idx.msk [tilespmem:v15+s20+$0x0], $0xffff;
	v11 =	vor.u32 v12, v11;
	v12 =	vand.u32 $0x78, v13  }
0xab: {  	v13 =	vor.u32 v12, v9;
	_ =	sdelay $0x1  }
0xac: {  	s18 =	simm.s32 $0x9  }
0xad: {  	v15 =	vadd.s32 s18, v0  }
0xae: {  	[tilespmem:v11+s22+$0x0] =	vst.idx.msk $0xffff, v14;
	v11 =	vand.u32 $0x78, v15  }
0xaf: {  	v12 =	vadd.s32 v8, v12;
	v14 =	vand.u32 $0x7, v15;
	v13 =	vld.idx.msk [tilespmem:v13+s20+$0x0], $0xffff;
	v15 =	vor.u32 v7, v11  }
0xb0: {  	v15 =	vor.u32 v14, v15;
	_ =	sdelay $0x1  }
0xb1: {  	s18 =	simm.s32 $0xA  }
0xb2: {  	v58 =	vadd.s32 s18, v0  }
0xb3: {  	v11 =	vadd.s32 v5, v11;
	[tilespmem:v12+s22+$0x0] =	vst.idx.msk $0xffff, v13;
	v12 =	vand.u32 $0x78, v58  }
0xb4: {  	v11 =	vor.u32 v14, v11;
	v14 =	vand.u32 $0x7, v58;
	v13 =	vld.idx.msk [tilespmem:v15+s20+$0x0], $0xffff;
	v15 =	vor.u32 v7, v12  }
0xb5: {  	v15 =	vor.u32 v14, v15;
	_ =	sdelay $0x1  }
0xb6: {  	s18 =	simm.s32 $0xB  }
0xb7: {  	v59 =	vadd.s32 s18, v0  }
0xb8: {  	[tilespmem:v11+s22+$0x0] =	vst.idx.msk $0xffff, v13;
	v11 =	vadd.s32 v5, v12;
	v12 =	vand.u32 $0x78, v59  }
0xb9: {  	v13 =	vld.idx.msk [tilespmem:v15+s20+$0x0], $0xffff;
	v11 =	vor.u32 v14, v11;
	v14 =	vand.u32 $0x7, v59;
	v15 =	vor.u32 v7, v12  }
0xba: {  	v15 =	vor.u32 v14, v15;
	_ =	sdelay $0x1  }
0xbb: {  	s18 =	simm.s32 $0xC  }
0xbc: {  	v60 =	vadd.s32 s18, v0  }
0xbd: {  	[tilespmem:v11+s22+$0x0] =	vst.idx.msk $0xffff, v13;
	v11 =	vadd.s32 v5, v12;
	v12 =	vand.u32 $0x78, v60  }
0xbe: {  	v13 =	vld.idx.msk [tilespmem:v15+s20+$0x0], $0xffff;
	v11 =	vor.u32 v14, v11;
	v14 =	vand.u32 $0x7, v60;
	v15 =	vor.u32 v7, v12  }
0xbf: {  	v15 =	vor.u32 v14, v15;
	_ =	sdelay $0x1  }
0xc0: {  	s18 =	simm.s32 $0xD  }
0xc1: {  	v61 =	vadd.s32 s18, v0  }
0xc2: {  	[tilespmem:v11+s22+$0x0] =	vst.idx.msk $0xffff, v13;
	v11 =	vadd.s32 v5, v12;
	v12 =	vand.u32 $0x78, v61  }
0xc3: {  	v13 =	vld.idx.msk [tilespmem:v15+s20+$0x0], $0xffff;
	v11 =	vor.u32 v14, v11;
	v14 =	vand.u32 $0x7, v61;
	v15 =	vor.u32 v7, v12  }
0xc4: {  	v15 =	vor.u32 v14, v15;
	_ =	sdelay $0x1  }
0xc5: {  	s18 =	simm.s32 $0xE  }
0xc6: {  	v62 =	vadd.s32 s18, v0  }
0xc7: {  	[tilespmem:v11+s22+$0x0] =	vst.idx.msk $0xffff, v13;
	v11 =	vadd.s32 v5, v12;
	v12 =	vand.u32 $0x78, v62  }
0xc8: {  	v13 =	vld.idx.msk [tilespmem:v15+s20+$0x0], $0xffff;
	v11 =	vor.u32 v14, v11;
	v14 =	vand.u32 $0x7, v62;
	v15 =	vor.u32 v7, v12  }
0xc9: {  	v15 =	vor.u32 v14, v15;
	_ =	sdelay $0x1  }
0xca: {  	s9 =	simm.s32 $0xF  }
0xcb: {  	v63 =	vadd.s32 s9, v0  }
0xcc: {  	[tilespmem:v11+s22+$0x0] =	vst.idx.msk $0xffff, v13;
	v11 =	vadd.s32 v5, v12;
	v12 =	vand.u32 $0x78, v63  }
0xcd: {  	v13 =	vld.idx.msk [tilespmem:v15+s20+$0x0], $0xffff;
	v11 =	vor.u32 v14, v11;
	v14 =	vand.u32 $0x7, v63;
	v15 =	vor.u32 v7, v12  }
0xce: {  	v15 =	vor.u32 v14, v15;
	_ =	sdelay $0x3  }
0xcf: {  	v12 =	vadd.s32 v5, v12;
	[tilespmem:v11+s22+$0x0] =	vst.idx.msk $0xffff, v13  }
0xd0: {  	s28 =	simm.s32 $0x10;
	s9 =	simm.s32 $0x2F;
	s14 =	simm.s32 $0x1F;
	v12 =	vor.u32 v14, v12;
	v11 =	vld.idx.msk [tilespmem:v15+s20+$0x0], $0xffff  }
.LBB2_6:
0xd1: {  	p1 =	seq.s32 s9, $0x7F;
	v13 =	vor.u32 s28, v10;
	_ =	sdelay $0x2  }
0xd2: {  	s18 =	sadd.s32 $0xFFFFFFF2, s14  }
0xd3: {  	v14 =	vadd.s32 s18, v0;
	[tilespmem:v12+s22+$0x0] =	vst.idx.msk $0xffff, v11  }
0xd4: {  	v12 =	vadd.s32 s28, v8;
	v11 =	vld.idx.msk [tilespmem:v13+s20+$0x0], $0xffff;
	v13 =	vand.u32 $0x78, v14  }
0xd5: {  	v12 =	vadd.s32 v3, v12;
	v14 =	vand.u32 $0x7, v14;
	v15 =	vor.u32 v7, v13  }
0xd6: {  	v15 =	vor.u32 v14, v15;
	_ =	sdelay $0x2  }
0xd7: {  	s18 =	sadd.s32 $0xFFFFFFF3, s14  }
0xd8: {  	[tilespmem:v12+s22+$0x0] =	vst.idx.msk $0xffff, v11;
	v11 =	vadd.s32 s18, v0  }
0xd9: {  	v13 =	vadd.s32 v5, v13;
	v12 =	vld.idx.msk [tilespmem:v15+s20+$0x0], $0xffff;
	v15 =	vand.u32 $0x78, v11  }
0xda: {  	v13 =	vor.u32 v14, v13;
	v11 =	vand.u32 $0x7, v11;
	v14 =	vor.u32 v7, v15  }
0xdb: {  	v14 =	vor.u32 v11, v14;
	_ =	sdelay $0x2  }
0xdc: {  	s18 =	sadd.s32 $0xFFFFFFF4, s14  }
0xdd: {  	[tilespmem:v13+s22+$0x0] =	vst.idx.msk $0xffff, v12;
	v12 =	vadd.s32 s18, v0  }
0xde: {  	v13 =	vld.idx.msk [tilespmem:v14+s20+$0x0], $0xffff;
	v14 =	vadd.s32 v5, v15;
	v15 =	vand.u32 $0x78, v12  }
0xdf: {  	v12 =	vand.u32 $0x7, v12;
	v11 =	vor.u32 v11, v14;
	v14 =	vor.u32 v7, v15  }
0xe0: {  	v14 =	vor.u32 v12, v14;
	_ =	sdelay $0x2  }
0xe1: {  	s18 =	sadd.s32 $0xFFFFFFF5, s14  }
0xe2: {  	[tilespmem:v11+s22+$0x0] =	vst.idx.msk $0xffff, v13;
	v11 =	vadd.s32 s18, v0  }
0xe3: {  	v13 =	vld.idx.msk [tilespmem:v14+s20+$0x0], $0xffff;
	v14 =	vadd.s32 v5, v15;
	v15 =	vand.u32 $0x78, v11  }
0xe4: {  	v11 =	vand.u32 $0x7, v11;
	v12 =	vor.u32 v12, v14;
	v14 =	vor.u32 v7, v15  }
0xe5: {  	v14 =	vor.u32 v11, v14;
	_ =	sdelay $0x2  }
0xe6: {  	s18 =	sadd.s32 $0xFFFFFFF6, s14  }
0xe7: {  	[tilespmem:v12+s22+$0x0] =	vst.idx.msk $0xffff, v13;
	v12 =	vadd.s32 s18, v0  }
0xe8: {  	v13 =	vld.idx.msk [tilespmem:v14+s20+$0x0], $0xffff;
	v14 =	vadd.s32 v5, v15;
	v15 =	vand.u32 $0x78, v12  }
0xe9: {  	v12 =	vand.u32 $0x7, v12;
	v11 =	vor.u32 v11, v14;
	v14 =	vor.u32 v7, v15  }
0xea: {  	v14 =	vor.u32 v12, v14;
	_ =	sdelay $0x2  }
0xeb: {  	s18 =	sadd.s32 $0xFFFFFFF7, s14  }
0xec: {  	[tilespmem:v11+s22+$0x0] =	vst.idx.msk $0xffff, v13;
	v11 =	vadd.s32 s18, v0  }
0xed: {  	v13 =	vld.idx.msk [tilespmem:v14+s20+$0x0], $0xffff;
	v14 =	vadd.s32 v5, v15;
	v15 =	vand.u32 $0x78, v11  }
0xee: {  	v11 =	vand.u32 $0x7, v11;
	v12 =	vor.u32 v12, v14;
	v14 =	vor.u32 v7, v15  }
0xef: {  	v14 =	vor.u32 v11, v14;
	_ =	sdelay $0x2  }
0xf0: {  	s18 =	sadd.s32 $0xFFFFFFF8, s14  }
0xf1: {  	[tilespmem:v12+s22+$0x0] =	vst.idx.msk $0xffff, v13;
	v12 =	vadd.s32 s18, v0  }
0xf2: {  	v13 =	vld.idx.msk [tilespmem:v14+s20+$0x0], $0xffff;
	v14 =	vadd.s32 v5, v15;
	v15 =	vand.u32 $0x78, v12  }
0xf3: {  	v12 =	vand.u32 $0x7, v12;
	v11 =	vor.u32 v11, v14;
	v14 =	vor.u32 v7, v15  }
0xf4: {  	v14 =	vor.u32 v12, v14;
	_ =	sdelay $0x3  }
0xf5: {  	s18 =	sadd.s32 $0xFFFFFFF9, s14;
	[tilespmem:v11+s22+$0x0] =	vst.idx.msk $0xffff, v13  }
0xf6: {  	v13 =	vadd.s32 v5, v15;
	v11 =	vld.idx.msk [tilespmem:v14+s20+$0x0], $0xffff;
	v14 =	vadd.s32 s18, v0  }
0xf7: {  	v12 =	vor.u32 v12, v13;
	v13 =	vand.u32 $0x78, v14  }
0xf8: {  	v14 =	vor.u32 v13, v9;
	_ =	sdelay $0x2  }
0xf9: {  	s18 =	sadd.s32 $0xFFFFFFFA, s14  }
0xfa: {  	[tilespmem:v12+s22+$0x0] =	vst.idx.msk $0xffff, v11;
	v11 =	vadd.s32 s18, v0  }
0xfb: {  	v12 =	vld.idx.msk [tilespmem:v14+s20+$0x0], $0xffff;
	v14 =	vand.u32 $0x78, v11  }
0xfc: {  	v13 =	vadd.s32 v8, v13;
	v11 =	vand.u32 $0x7, v11;
	v15 =	vor.u32 v7, v14  }
0xfd: {  	v15 =	vor.u32 v11, v15;
	_ =	sdelay $0x2  }
0xfe: {  	s18 =	sadd.s32 $0xFFFFFFFB, s14  }
0xff: {  	[tilespmem:v13+s22+$0x0] =	vst.idx.msk $0xffff, v12;
	v12 =	vadd.s32 s18, v0  }
0x100: {  	v14 =	vadd.s32 v5, v14;
	v13 =	vld.idx.msk [tilespmem:v15+s20+$0x0], $0xffff;
	v15 =	vand.u32 $0x78, v12  }
0x101: {  	v11 =	vor.u32 v11, v14;
	v12 =	vand.u32 $0x7, v12;
	v14 =	vor.u32 v7, v15  }
0x102: {  	v14 =	vor.u32 v12, v14;
	_ =	sdelay $0x2  }
0x103: {  	s18 =	sadd.s32 $0xFFFFFFFC, s14  }
0x104: {  	[tilespmem:v11+s22+$0x0] =	vst.idx.msk $0xffff, v13;
	v11 =	vadd.s32 s18, v0  }
0x105: {  	v13 =	vld.idx.msk [tilespmem:v14+s20+$0x0], $0xffff;
	v14 =	vadd.s32 v5, v15;
	v15 =	vand.u32 $0x78, v11  }
0x106: {  	v11 =	vand.u32 $0x7, v11;
	v12 =	vor.u32 v12, v14;
	v14 =	vor.u32 v7, v15  }
0x107: {  	v14 =	vor.u32 v11, v14;
	_ =	sdelay $0x2  }
0x108: {  	s18 =	sadd.s32 $0xFFFFFFFD, s14  }
0x109: {  	[tilespmem:v12+s22+$0x0] =	vst.idx.msk $0xffff, v13;
	v12 =	vadd.s32 s18, v0  }
0x10a: {  	v13 =	vld.idx.msk [tilespmem:v14+s20+$0x0], $0xffff;
	v14 =	vadd.s32 v5, v15;
	v15 =	vand.u32 $0x78, v12  }
0x10b: {  	v12 =	vand.u32 $0x7, v12;
	v11 =	vor.u32 v11, v14;
	v14 =	vor.u32 v7, v15  }
0x10c: {  	v14 =	vor.u32 v12, v14;
	_ =	sdelay $0x2  }
0x10d: {  	s18 =	sadd.s32 $0xFFFFFFFE, s14  }
0x10e: {  	[tilespmem:v11+s22+$0x0] =	vst.idx.msk $0xffff, v13;
	v11 =	vadd.s32 s18, v0  }
0x10f: {  	v13 =	vld.idx.msk [tilespmem:v14+s20+$0x0], $0xffff;
	v14 =	vadd.s32 v5, v15;
	v15 =	vand.u32 $0x78, v11  }
0x110: {  	v11 =	vand.u32 $0x7, v11;
	v12 =	vor.u32 v12, v14;
	v14 =	vor.u32 v7, v15  }
0x111: {  	v14 =	vor.u32 v11, v14;
	_ =	sdelay $0x2  }
0x112: {  	s18 =	sadd.s32 $0xFFFFFFFF, s14  }
0x113: {  	[tilespmem:v12+s22+$0x0] =	vst.idx.msk $0xffff, v13;
	v12 =	vadd.s32 s18, v0  }
0x114: {  	v13 =	vld.idx.msk [tilespmem:v14+s20+$0x0], $0xffff;
	v14 =	vadd.s32 v5, v15;
	v15 =	vand.u32 $0x78, v12  }
0x115: {  	v12 =	vand.u32 $0x7, v12;
	v11 =	vor.u32 v11, v14;
	v14 =	vor.u32 v7, v15  }
0x116: {  	v14 =	vor.u32 v12, v14;
	_ =	sdelay $0x3  }
0x117: {  	[tilespmem:v11+s22+$0x0] =	vst.idx.msk $0xffff, v13;
	v11 =	vadd.s32 s14, v0;
	s14 =	smov.u32 s9  }
0x118: {  	v13 =	vld.idx.msk [tilespmem:v14+s20+$0x0], $0xffff;
	v14 =	vadd.s32 v5, v15;
	v15 =	vand.u32 $0x78, v11  }
0x119: {  	v12 =	vor.u32 v12, v14;
	v14 =	vand.u32 $0x7, v11;
	v11 =	vor.u32 v7, v15  }
0x11a: {  	v11 =	vor.u32 v14, v11;
	_ =	sdelay $0x1  }
.Ltmp3:
0x11b: {  	(pc) =	sbr.rel @!p1 .LBB2_6-.Ltmp3, $4  }
0x11c: {  	_ = 	snop  }
0x11d: {  	[tilespmem:v12+s22+$0x0] =	vst.idx.msk $0xffff, v13  }
0x11e: {  	v12 =	vadd.s32 v5, v15;
	v11 =	vld.idx.msk [tilespmem:v11+s20+$0x0], $0xffff  }
0x11f: {  	s9 =	sadd.s32 $0x10, s9;
	s28 =	sadd.s32 $0xFFFFFFF1, s14;
	v12 =	vor.u32 v14, v12  }
0x120: {  	v10 =	vor.u32 s28, v10;
	_ =	sdelay $0x1  }
0x121: {  	s9 =	sadd.s32 $0xFFFFFFF2, s14  }
0x122: {  	v13 =	vadd.s32 s9, v0  }
0x123: {  	[tilespmem:v12+s22+$0x0] =	vst.idx.msk $0xffff, v11;
	v11 =	vadd.s32 s28, v8;
	v12 =	vand.u32 $0x78, v13  }
0x124: {  	v13 =	vand.u32 $0x7, v13;
	v11 =	vadd.s32 v3, v11;
	v14 =	vor.u32 v7, v12;
	v10 =	vld.idx.msk [tilespmem:v10+s20+$0x0], $0xffff  }
0x125: {  	v14 =	vor.u32 v13, v14;
	_ =	sdelay $0x1  }
0x126: {  	s28 =	sadd.s32 $0xFFFFFFF3, s14  }
0x127: {  	v15 =	vadd.s32 s28, v0  }
0x128: {  	[tilespmem:v11+s22+$0x0] =	vst.idx.msk $0xffff, v10;
	v10 =	vadd.s32 v5, v12;
	v11 =	vand.u32 $0x78, v15  }
0x129: {  	v12 =	vld.idx.msk [tilespmem:v14+s20+$0x0], $0xffff;
	v10 =	vor.u32 v13, v10;
	v13 =	vand.u32 $0x7, v15;
	v14 =	vor.u32 v7, v11  }
0x12a: {  	v14 =	vor.u32 v13, v14;
	_ =	sdelay $0x1  }
0x12b: {  	s18 =	sadd.s32 $0xFFFFFFF4, s14  }
0x12c: {  	v15 =	vadd.s32 s18, v0  }
0x12d: {  	[tilespmem:v10+s22+$0x0] =	vst.idx.msk $0xffff, v12;
	v10 =	vadd.s32 v5, v11;
	v11 =	vand.u32 $0x78, v15  }
0x12e: {  	v12 =	vld.idx.msk [tilespmem:v14+s20+$0x0], $0xffff;
	v10 =	vor.u32 v13, v10;
	v13 =	vand.u32 $0x7, v15;
	v14 =	vor.u32 v7, v11  }
0x12f: {  	v14 =	vor.u32 v13, v14;
	_ =	sdelay $0x1  }
0x130: {  	s28 =	sadd.s32 $0xFFFFFFF5, s14  }
0x131: {  	v15 =	vadd.s32 s28, v0  }
0x132: {  	[tilespmem:v10+s22+$0x0] =	vst.idx.msk $0xffff, v12;
	v10 =	vadd.s32 v5, v11;
	v11 =	vand.u32 $0x78, v15  }
0x133: {  	v12 =	vld.idx.msk [tilespmem:v14+s20+$0x0], $0xffff;
	v10 =	vor.u32 v13, v10;
	v13 =	vand.u32 $0x7, v15;
	v14 =	vor.u32 v7, v11  }
0x134: {  	v14 =	vor.u32 v13, v14;
	_ =	sdelay $0x1  }
0x135: {  	s18 =	sadd.s32 $0xFFFFFFF6, s14  }
0x136: {  	v15 =	vadd.s32 s18, v0  }
0x137: {  	[tilespmem:v10+s22+$0x0] =	vst.idx.msk $0xffff, v12;
	v10 =	vadd.s32 v5, v11;
	v11 =	vand.u32 $0x78, v15  }
0x138: {  	v12 =	vld.idx.msk [tilespmem:v14+s20+$0x0], $0xffff;
	v10 =	vor.u32 v13, v10;
	v13 =	vand.u32 $0x7, v15;
	v14 =	vor.u32 v7, v11  }
0x139: {  	v14 =	vor.u32 v13, v14;
	_ =	sdelay $0x1  }
0x13a: {  	s28 =	sadd.s32 $0xFFFFFFF7, s14  }
0x13b: {  	v15 =	vadd.s32 s28, v0  }
0x13c: {  	[tilespmem:v10+s22+$0x0] =	vst.idx.msk $0xffff, v12;
	v10 =	vadd.s32 v5, v11;
	v11 =	vand.u32 $0x78, v15  }
0x13d: {  	v12 =	vld.idx.msk [tilespmem:v14+s20+$0x0], $0xffff;
	v10 =	vor.u32 v13, v10;
	v13 =	vand.u32 $0x7, v15;
	v14 =	vor.u32 v7, v11  }
0x13e: {  	v14 =	vor.u32 v13, v14;
	_ =	sdelay $0x1  }
0x13f: {  	s18 =	sadd.s32 $0xFFFFFFF8, s14  }
0x140: {  	v15 =	vadd.s32 s18, v0  }
0x141: {  	[tilespmem:v10+s22+$0x0] =	vst.idx.msk $0xffff, v12;
	v10 =	vadd.s32 v5, v11;
	v11 =	vand.u32 $0x78, v15  }
0x142: {  	v12 =	vld.idx.msk [tilespmem:v14+s20+$0x0], $0xffff;
	v10 =	vor.u32 v13, v10;
	v13 =	vand.u32 $0x7, v15;
	v14 =	vor.u32 v7, v11  }
0x143: {  	v14 =	vor.u32 v13, v14;
	_ =	sdelay $0x2  }
0x144: {  	s28 =	sadd.s32 $0xFFFFFFF9, s14  }
0x145: {  	[tilespmem:v10+s22+$0x0] =	vst.idx.msk $0xffff, v12;
	v10 =	vadd.s32 v5, v11;
	v11 =	vadd.s32 s28, v0  }
0x146: {  	v12 =	vld.idx.msk [tilespmem:v14+s20+$0x0], $0xffff;
	v10 =	vor.u32 v13, v10;
	v11 =	vand.u32 $0x78, v11  }
0x147: {  	v9 =	vor.u32 v11, v9;
	_ =	sdelay $0x1  }
0x148: {  	s18 =	sadd.s32 $0xFFFFFFFA, s14  }
0x149: {  	v13 =	vadd.s32 s18, v0  }
0x14a: {  	[tilespmem:v10+s22+$0x0] =	vst.idx.msk $0xffff, v12;
	v10 =	vand.u32 $0x78, v13  }
0x14b: {  	v8 =	vadd.s32 v8, v11;
	v11 =	vand.u32 $0x7, v13;
	v9 =	vld.idx.msk [tilespmem:v9+s20+$0x0], $0xffff;
	v12 =	vor.u32 v7, v10  }
0x14c: {  	v12 =	vor.u32 v11, v12;
	_ =	sdelay $0x1  }
0x14d: {  	s28 =	sadd.s32 $0xFFFFFFFB, s14  }
0x14e: {  	v13 =	vadd.s32 s28, v0  }
0x14f: {  	[tilespmem:v8+s22+$0x0] =	vst.idx.msk $0xffff, v9;
	v8 =	vadd.s32 v5, v10;
	v9 =	vand.u32 $0x78, v13  }
0x150: {  	v10 =	vld.idx.msk [tilespmem:v12+s20+$0x0], $0xffff;
	v8 =	vor.u32 v11, v8;
	v11 =	vand.u32 $0x7, v13;
	v12 =	vor.u32 v7, v9  }
0x151: {  	v12 =	vor.u32 v11, v12;
	_ =	sdelay $0x1  }
0x152: {  	s18 =	sadd.s32 $0xFFFFFFFC, s14  }
0x153: {  	v13 =	vadd.s32 s18, v0  }
0x154: {  	[tilespmem:v8+s22+$0x0] =	vst.idx.msk $0xffff, v10;
	v8 =	vadd.s32 v5, v9;
	v9 =	vand.u32 $0x78, v13  }
0x155: {  	v10 =	vld.idx.msk [tilespmem:v12+s20+$0x0], $0xffff;
	v8 =	vor.u32 v11, v8;
	v11 =	vand.u32 $0x7, v13;
	v12 =	vor.u32 v7, v9  }
0x156: {  	v12 =	vor.u32 v11, v12;
	_ =	sdelay $0x1  }
0x157: {  	s28 =	sadd.s32 $0xFFFFFFFD, s14  }
0x158: {  	v13 =	vadd.s32 s28, v0  }
0x159: {  	[tilespmem:v8+s22+$0x0] =	vst.idx.msk $0xffff, v10;
	v8 =	vadd.s32 v5, v9;
	v9 =	vand.u32 $0x78, v13  }
0x15a: {  	v10 =	vld.idx.msk [tilespmem:v12+s20+$0x0], $0xffff;
	v8 =	vor.u32 v11, v8;
	v11 =	vand.u32 $0x7, v13;
	v12 =	vor.u32 v7, v9  }
0x15b: {  	v12 =	vor.u32 v11, v12;
	_ =	sdelay $0x1  }
0x15c: {  	s18 =	sadd.s32 $0xFFFFFFFE, s14  }
0x15d: {  	v13 =	vadd.s32 s18, v0  }
0x15e: {  	[tilespmem:v8+s22+$0x0] =	vst.idx.msk $0xffff, v10;
	v8 =	vadd.s32 v5, v9;
	v9 =	vand.u32 $0x78, v13  }
0x15f: {  	v10 =	vld.idx.msk [tilespmem:v12+s20+$0x0], $0xffff;
	v8 =	vor.u32 v11, v8;
	v11 =	vand.u32 $0x7, v13;
	v12 =	vor.u32 v7, v9  }
0x160: {  	v12 =	vor.u32 v11, v12;
	_ =	sdelay $0x1  }
0x161: {  	s28 =	sadd.s32 $0xFFFFFFFF, s14  }
0x162: {  	v13 =	vadd.s32 s28, v0  }
0x163: {  	[tilespmem:v8+s22+$0x0] =	vst.idx.msk $0xffff, v10;
	v8 =	vadd.s32 v5, v9;
	v9 =	vand.u32 $0x78, v13  }
0x164: {  	v10 =	vld.idx.msk [tilespmem:v12+s20+$0x0], $0xffff;
	v8 =	vor.u32 v11, v8;
	v11 =	vand.u32 $0x7, v13;
	v12 =	vor.u32 v7, v9  }
0x165: {  	v12 =	vor.u32 v11, v12;
	_ =	sdelay $0x2  }
0x166: {  	v13 =	vadd.s32 s14, v0  }
0x167: {  	[tilespmem:v8+s22+$0x0] =	vst.idx.msk $0xffff, v10;
	v8 =	vadd.s32 v5, v9;
	v9 =	vand.u32 $0x78, v13  }
0x168: {  	v10 =	vld.idx.msk [tilespmem:v12+s20+$0x0], $0xffff;
	v8 =	vor.u32 v11, v8;
	v11 =	vand.u32 $0x7, v13;
	v7 =	vor.u32 v7, v9  }
0x169: {  	v7 =	vor.u32 v11, v7;
	_ =	sdelay $0x3  }
0x16a: {  	[tilespmem:v8+s22+$0x0] =	vst.idx.msk $0xffff, v10;
	v8 =	vadd.s32 v5, v9  }
0x16b: {  	v7 =	vld.idx.msk [tilespmem:v7+s20+$0x0], $0xffff;
	v8 =	vor.u32 v11, v8  }
0x16c: {  	s14 =	simm.s32 $0x0  }
0x16d: {  	v9 =	vadd.s32 s14, v0  }
0x16e: {  	v10 =	vshll.u32 v9, $0x2  }
0x16f: {  	v9 =	vand.u32 $0x1F, v9;
	v11 =	vand.u32 $0x78, v10  }
0x170: {  	v10 =	vand.u32 $0x4, v10;
	v11 =	vadd.s32 v5, v11;
	[tilespmem:v8+s22+$0x0] =	vst.idx.msk $0xffff, v7;
	v7 =	vshll.u32 v6, $0x5  }
0x171: {  	v10 =	vor.u32 v10, v11;
	v9 =	vor.u32 v7, v9  }
0x172: {  	v11 =	vor.u32 $0x1, v10  }
0x173: {  	s18 =	simm.s32 $0x1;
	v12 =	vor.u32 $0x2, v10  }
0x174: {  	v13 =	vadd.s32 s18, v0;
	v14 =	vor.u32 $0x3, v10  }
0x175: {  	v15 =	vshll.u32 v13, $0x2;
	v13 =	vand.u32 $0x1F, v13  }
0x176: {  	v13 =	vor.u32 v7, v13;
	v16 =	vld.idx.msk [tilespmem:v9+s21+$0x0], $0xffff;
	[tilespmem:v9+s21+$0x0] =	vst.idx.msk $0xffff, v1;
	v9 =	vand.u32 $0x78, v15  }
0x177: {  	v15 =	vand.u32 $0x4, v15;
	v9 =	vadd.s32 v5, v9;
	v17 =	vld.idx.msk [tilespmem:v11+s22+$0x0], $0xffff  }
0x178: {  	s28 =	simm.s32 $0x2;
	v12 =	vld.idx.msk [tilespmem:v12+s22+$0x0], $0xffff;
	v9 =	vor.u32 v15, v9  }
0x179: {  	v18 =	vadd.s32 s28, v0;
	v14 =	vld.idx.msk [tilespmem:v14+s22+$0x0], $0xffff;
	v15 =	vor.u32 $0x1, v9  }
0x17a: {  	v20 =	vshll.u32 v18, $0x2;
	v10 =	vld.idx.msk [tilespmem:v10+s22+$0x0], $0xffff;
	v19 =	vor.u32 $0x2, v9  }
0x17b: {  	v11 =	vld.idx.msk [tilespmem:v13+s21+$0x0], $0xffff;
	[tilespmem:v13+s21+$0x0] =	vst.idx.msk $0xffff, v1;
	v13 =	vand.u32 $0x1F, v18;
	v21 =	vor.u32 $0x3, v9;
	v16 =	vmul.f32 v16, v4  }
0x17c: {  	v22 =	vand.u32 $0x78, v20;
	v8 =	vimm.f32 $0.0e+00;
	v18 =	vor.u32 v7, v13  }
0x17d: {  	v13 =	vand.u32 $0x4, v20;
	v23 =	vmul.f32 v17, v16;
	v9 =	vld.idx.msk [tilespmem:v9+s22+$0x0], $0xffff;
	v17 =	vadd.s32 v5, v22  }
0x17e: {  	v12 =	vmul.f32 v12, v16;
	v22 =	vmul.f32 v14, v16;
	v15 =	vld.idx.msk [tilespmem:v15+s22+$0x0], $0xffff;
	v17 =	vor.u32 v13, v17  }
0x17f: {  	v20 =	vmul.f32 v10, v16;
	v14 =	vld.idx.msk [tilespmem:v19+s22+$0x0], $0xffff;
	v19 =	vor.u32 $0x1, v17;
	v10 =	vadd.f32 v23, v8  }
0x180: {  	s9 =	simm.s32 $0x3;
	s14 =	simm.s32 $0x4;
	v16 =	vld.idx.msk [tilespmem:v21+s22+$0x0], $0xffff;
	v21 =	vor.u32 $0x2, v17;
	v13 =	vadd.f32 v12, v8;
	v12 =	vadd.f32 v22, v8  }
.LBB2_8:
0x181: {  	p1 =	sne.s32 s14, $0x1F;
	v22 =	vadd.s32 s9, v0;
	v23 =	vor.u32 $0x3, v17;
	v24 =	vmul.f32 v11, v4;
	s9 =	smov.u32 s14  }
0x182: {  	v8 =	vadd.f32 v20, v8;
	v20 =	vmov v9;
	v25 =	vshll.u32 v22, $0x2;
	v11 =	vld.idx.msk [tilespmem:v18+s21+$0x0], $0xffff;
	[tilespmem:v18+s21+$0x0] =	vst.idx.msk $0xffff, v1  }
.Ltmp4:
0x183: {  	v18 =	vand.u32 $0x1F, v22;
	v22 =	vand.u32 $0x78, v25;
	v9 =	vld.idx.msk [tilespmem:v17+s22+$0x0], $0xffff;
	v26 =	vmul.f32 v15, v24;
	(pc) =	sbr.rel @p1 .LBB2_8-.Ltmp4, $4  }
0x184: {  	v18 =	vor.u32 v7, v18;
	v17 =	vand.u32 $0x4, v25;
	v22 =	vadd.s32 v5, v22;
	v15 =	vld.idx.msk [tilespmem:v19+s22+$0x0], $0xffff  }
0x185: {  	v25 =	vmul.f32 v16, v24;
	v17 =	vor.u32 v17, v22;
	v22 =	vmul.f32 v14, v24;
	v14 =	vld.idx.msk [tilespmem:v21+s22+$0x0], $0xffff  }
0x186: {  	v20 =	vmul.f32 v20, v24;
	v10 =	vadd.f32 v26, v10;
	v19 =	vor.u32 $0x1, v17;
	v16 =	vld.idx.msk [tilespmem:v23+s22+$0x0], $0xffff  }
0x187: {  	s14 =	sadd.s32 $0x1, s14;
	v21 =	vor.u32 $0x2, v17;
	v12 =	vadd.f32 v25, v12;
	v13 =	vadd.f32 v22, v13  }
0x188: {  	_ =	sdelay $0x1  }
0x189: {  	v22 =	vadd.s32 s9, v0  }
0x18a: {  	v24 =	vshll.u32 v22, $0x2  }
0x18b: {  	v23 =	vor.u32 $0x3, v17;
	v25 =	vld.idx.msk [tilespmem:v18+s21+$0x0], $0xffff;
	[tilespmem:v18+s21+$0x0] =	vst.idx.msk $0xffff, v1;
	v22 =	vand.u32 $0x1F, v22;
	v18 =	vand.u32 $0x78, v24  }
0x18c: {  	v22 =	vor.u32 v7, v22;
	v24 =	vand.u32 $0x4, v24;
	v18 =	vadd.s32 v5, v18  }
0x18d: {  	v17 =	vld.idx.msk [tilespmem:v17+s22+$0x0], $0xffff;
	v18 =	vor.u32 v24, v18  }
0x18e: {  	v19 =	vld.idx.msk [tilespmem:v19+s22+$0x0], $0xffff;
	v24 =	vor.u32 $0x1, v18  }
0x18f: {  	v21 =	vld.idx.msk [tilespmem:v21+s22+$0x0], $0xffff;
	v26 =	vor.u32 $0x2, v18  }
0x190: {  	v23 =	vld.idx.msk [tilespmem:v23+s22+$0x0], $0xffff;
	v27 =	vor.u32 $0x3, v18  }
0x191: {  	v11 =	vmul.f32 v11, v4;
	v6 =	vshll.u32 v6, $0x2;
	v28 =	vld.idx.msk [tilespmem:v22+s21+$0x0], $0xffff;
	[tilespmem:v22+s21+$0x0] =	vst.idx.msk $0xffff, v1  }
0x192: {  	v8 =	vadd.f32 v20, v8;
	v62 =	vor.u32 $0x1, v6;
	v18 =	vld.idx.msk [tilespmem:v18+s22+$0x0], $0xffff  }
0x193: {  	v63 =	vor.u32 $0x2, v6;
	v15 =	vmul.f32 v15, v11;
	v14 =	vmul.f32 v14, v11;
	v22 =	vld.idx.msk [tilespmem:v24+s22+$0x0], $0xffff  }
0x194: {  	v29 =	vor.u32 $0x3, v6;
	v9 =	vmul.f32 v9, v11;
	v25 =	vmul.f32 v25, v4;
	v26 =	vld.idx.msk [tilespmem:v26+s22+$0x0], $0xffff  }
0x195: {  	v16 =	vmul.f32 v16, v11;
	v10 =	vadd.f32 v15, v10;
	v11 =	vadd.f32 v14, v13;
	v13 =	vld.idx.msk [tilespmem:v27+s22+$0x0], $0xffff  }
0x196: {  	v8 =	vadd.f32 v9, v8;
	v14 =	vmul.f32 v19, v25;
	v15 =	vmul.f32 v21, v25;
	v6 =	vld.idx.msk [tilespmem:v6+s30+$0x0], $0xffff  }
0x197: {  	v12 =	vadd.f32 v16, v12;
	v9 =	vmul.f32 v17, v25;
	v17 =	vld.idx.msk [tilespmem:v62+s30+$0x0], $0xffff;
	v16 =	vmul.f32 v28, v4  }
0x198: {  	v10 =	vadd.f32 v14, v10;
	v11 =	vadd.f32 v15, v11;
	v14 =	vld.idx.msk [tilespmem:v63+s30+$0x0], $0xffff;
	v19 =	vmul.f32 v23, v25  }
0x199: {  	v8 =	vadd.f32 v9, v8;
	v15 =	vmul.f32 v18, v16;
	v18 =	vld.idx.msk [tilespmem:v29+s30+$0x0], $0xffff;
	v9 =	vmul.f32 v22, v16  }
0x19a: {  	v12 =	vadd.f32 v19, v12;
	v19 =	vmul.f32 v26, v16;
	v13 =	vmul.f32 v13, v16  }
0x19b: {  	v8 =	vadd.f32 v15, v8;
	v9 =	vadd.f32 v9, v10  }
0x19c: {  	v10 =	vadd.f32 v19, v11;
	v11 =	vadd.f32 v13, v12  }
0x19d: {  	v6 =	vsub.f32 v8, v6;
	v8 =	vsub.f32 v9, v17  }
0x19e: {  	v9 =	vsub.f32 v10, v14;
	v10 =	vsub.f32 v11, v18;
	_ =	sdelay $0x1  }
0x19f: {  	v11 =	vmax.f32 v6, v8;
	v12 =	vmax.f32 v9, v10  }
0x1a0: {  	v11 =	vmax.f32 v11, v12  }
0x1a1: {  	v6 =	vsub.f32 v6, v11  }
0x1a2: {  	v8 =	vsub.f32 v8, v11  }
0x1a3: {  	v9 =	vsub.f32 v9, v11;
	v6 =	vmul.f32 $1.442695020e+00, v6  }
0x1a4: {  	v10 =	vsub.f32 v10, v11;
	v8 =	vmul.f32 $1.442695020e+00, v8  }
0x1a5: {  	(erf) = vpow2.f32 v6;
	v6 =	vmul.f32 $1.442695020e+00, v9  }
0x1a6: {  	(erf) = vpow2.f32 v8;
	v8 =	vmul.f32 $1.442695020e+00, v10  }
0x1a7: {  	(erf) = vpow2.f32 v6  }
0x1a8: {  	(erf) = vpow2.f32 v8;
	_ =	sdelay $0x5  }
0x1a9: {  	v6 =	vpop (erf)  }
0x1aa: {  	v8 =	vpop (erf)  }
0x1ab: {  	v12 =	vpop (erf)  }
0x1ac: {  	v13 =	vpop (erf)  }
0x1ad: {  	s18 =	simm.s32 $0x0;
	v9 =	vadd.f32 v8, v6;
	v10 =	vadd.f32 v13, v12  }
0x1ae: {  	v11 =	vadd.s32 s18, v0  }
0x1af: {  	v9 =	vadd.f32 v10, v9;
	v10 =	vshll.u32 v11, $0x2  }
0x1b0: {  	v14 =	vand.u32 $0x78, v10  }
0x1b1: {  	(erf) = vrcp.f32 v9;
	v9 =	vand.u32 $0x4, v10;
	v10 =	vadd.s32 v5, v14  }
0x1b2: {  	v9 =	vor.u32 v9, v10  }
0x1b3: {  	v10 =	vor.u32 $0x1, v9;
	_ =	sdelay $0x1  }
0x1b4: {  	v14 =	vor.u32 $0x2, v9;
	_ =	sdelay $0x1  }
0x1b5: {  	v16 =	vor.u32 $0x3, v9;
	v15 =	vld.idx.msk [tilespmem:v9+s22+$0x0], $0xffff  }
0x1b6: {  	v17 =	vld.idx.msk [tilespmem:v10+s22+$0x0], $0xffff;
	_ =	sdelay $0x1  }
0x1b7: {  	v14 =	vld.idx.msk [tilespmem:v14+s22+$0x0], $0xffff;
	v18 =	vpop (erf)  }
0x1b8: {  	v9 =	vmul.f32 v18, v6;
	v10 =	vmul.f32 v18, v8  }
0x1b9: {  	s28 =	simm.s32 $0x1;
	v8 =	vmul.f32 v18, v12;
	v6 =	vmul.f32 v18, v13;
	v12 =	vld.idx.msk [tilespmem:v16+s22+$0x0], $0xffff  }
0x1ba: {  	s9 =	simm.s32 $0x2;
	v13 =	vadd.s32 s28, v0;
	v15 =	vmul.f32 v15, v9;
	v16 =	vmul.f32 v17, v10  }
.LBB2_10:
0x1bb: {  	p1 =	sne.s32 s9, $0x1F;
	v17 =	vshll.u32 v13, $0x2;
	v18 =	vand.u32 $0x1F, v11;
	v11 =	vmov v13  }
0x1bc: {  	v14 =	vmul.f32 v14, v8;
	v13 =	vand.u32 $0x78, v17;
	v15 =	vadd.f32 v16, v15  }
0x1bd: {  	v16 =	vand.u32 $0x4, v17;
	v17 =	vor.u32 v7, v18;
	v13 =	vadd.s32 v5, v13  }
0x1be: {  	v12 =	vmul.f32 v12, v6;
	v13 =	vor.u32 v16, v13;
	v14 =	vadd.f32 v14, v15  }
0x1bf: {  	v15 =	vor.u32 $0x1, v13  }
0x1c0: {  	v12 =	vadd.f32 v12, v14  }
0x1c1: {  	v14 =	vor.u32 $0x2, v13  }
0x1c2: {  	[tilespmem:v17+s23+$0x0] =	vst.idx.msk $0xffff, v12  }
0x1c3: {  	v12 =	vor.u32 $0x3, v13;
	v16 =	vld.idx.msk [tilespmem:v13+s22+$0x0], $0xffff  }
0x1c4: {  	v17 =	vld.idx.msk [tilespmem:v15+s22+$0x0], $0xffff;
	_ =	sdelay $0x1  }
.Ltmp5:
0x1c5: {  	v14 =	vld.idx.msk [tilespmem:v14+s22+$0x0], $0xffff;
	(pc) =	sbr.rel @p1 .LBB2_10-.Ltmp5, $3  }
0x1c6: {  	_ = 	snop  }
0x1c7: {  	v12 =	vld.idx.msk [tilespmem:v12+s22+$0x0], $0xffff;
	_ =	sdelay $0x1  }
0x1c8: {  	v13 =	vadd.s32 s9, v0;
	s9 =	sadd.s32 $0x1, s9;
	v15 =	vmul.f32 v16, v9;
	v16 =	vmul.f32 v17, v10  }
0x1c9: {  	v17 =	vshll.u32 v13, $0x2;
	v11 =	vand.u32 $0x1F, v11  }
0x1ca: {  	v14 =	vmul.f32 v14, v8;
	v18 =	vand.u32 $0x78, v17;
	v15 =	vadd.f32 v16, v15  }
0x1cb: {  	v59 =	vand.u32 $0x4, v17;
	v11 =	vor.u32 v7, v11;
	v5 =	vadd.s32 v5, v18  }
0x1cc: {  	v12 =	vmul.f32 v12, v6;
	v5 =	vor.u32 v59, v5;
	v14 =	vadd.f32 v14, v15  }
0x1cd: {  	v60 =	vor.u32 $0x1, v5  }
0x1ce: {  	v12 =	vadd.f32 v12, v14  }
0x1cf: {  	v61 =	vor.u32 $0x2, v5  }
0x1d0: {  	[tilespmem:v11+s23+$0x0] =	vst.idx.msk $0xffff, v12  }
0x1d1: {  	v11 =	vld.idx.msk [tilespmem:v5+s22+$0x0], $0xffff;
	v5 =	vor.u32 $0x3, v5  }
0x1d2: {  	v12 =	vld.idx.msk [tilespmem:v60+s22+$0x0], $0xffff;
	_ =	sdelay $0x1  }
0x1d3: {  	v14 =	vld.idx.msk [tilespmem:v61+s22+$0x0], $0xffff;
	_ =	sdelay $0x1  }
0x1d4: {  	v5 =	vld.idx.msk [tilespmem:v5+s22+$0x0], $0xffff  }
0x1d5: {  	v9 =	vmul.f32 v11, v9;
	v10 =	vmul.f32 v12, v10;
	_ =	sdelay $0x1  }
0x1d6: {  	v62 =	vand.u32 $0x1F, v13;
	s12 =	sadd.s32 $0x1, s12;
	v63 =	vmul.f32 v14, v8;
	v9 =	vadd.f32 v10, v9  }
0x1d7: {  	v7 =	vor.u32 v7, v62;
	p1 =	sne.s32 s12, $0x8  }
.Ltmp6:
0x1d8: {  	v8 =	vadd.f32 v63, v9;
	v5 =	vmul.f32 v5, v6;
	(pc) =	sbr.rel @p1 .LBB2_5-.Ltmp6, $3  }
0x1d9: {  	_ = 	snop  }
0x1da: {  	v5 =	vadd.f32 v5, v8;
	_ =	sdelay $0x1  }
0x1db: {  	[tilespmem:v7+s23+$0x0] =	vst.idx.msk $0xffff, v5  }
0x1dc: {  	s9 =	sshll.u32 s10, $0xD  }
0x1dd: {  	s9 =	sadd.s32 s13, s9  }
0x1de: {  	s9 =	sshrl.u32 s9, $0x3  }
0x1df: {  	p1 =	seq.s32 s10, $0x18;
	s9 =	sadd.s32 s3, s9  }
0x1e0: {  	[hbm4b:s9+s5] =	stream.linear.scatter [tilespmem:s23], [sflag:$0x5], $0x1000, $0x38;
	[tilespmem:$0x1E910] =	vst v63  }
0x1e1: {  	s14 =	simm.s32 @!p1 $0x80;
	s9 =	sadd.s32 @!p1 $0x2, s11  }
0x1e2: {  	s18 =	simm.s32 @!p1 $0xE510;
	s12 =	sshll.u32 @!p1 s9, $0x7;
	s9 =	sshll.u32 @!p1 s9, $0xA  }
0x1e3: {  	[tilespmem:s18], [sflag:$0x3] =	stream.indirect.gather @!p1 [hbm4b:s2+s14], $0x80, s12, s14, $0xb8;
	[tilespmem:$0x1E910] =	vst v63  }
0x1e4: {  	s9 =	sand.u32 @!p1 $0x3FFFFC00, s9  }
0x1e5: {  	s28 =	simm.s32 @!p1 $0x16510;
	s18 =	sadd.s32 @!p1 $0x1900, s9  }
0x1e6: {  	[tilespmem:s28], [sflag:$0x3] =	stream.indirect.gather.add.f32 @!p1 [hbm:s8], $0x20, s18, s14, $0xb8;
	[tilespmem:$0x1E910] =	vst v63  }
0x1e7: {  	s18 =	sadd.s32 @!p1 $0x1980, s9  }
0x1e8: {  	[tilespmem:s28], [sflag:$0x3] =	stream.indirect.gather.add.f32 @!p1 [hbm:s8], $0x20, s18, s14, $0xb8;
	[tilespmem:$0x1E910] =	vst v63  }
0x1e9: {  	s18 =	sadd.s32 @!p1 $0x1A00, s9  }
0x1ea: {  	[tilespmem:s28], [sflag:$0x3] =	stream.indirect.gather.add.f32 @!p1 [hbm:s8], $0x20, s18, s14, $0xb8;
	[tilespmem:$0x1E910] =	vst v63  }
0x1eb: {  	s18 =	sadd.s32 @!p1 $0x1A80, s9  }
0x1ec: {  	[tilespmem:s28], [sflag:$0x3] =	stream.indirect.gather.add.f32 @!p1 [hbm:s8], $0x20, s18, s14, $0xb8;
	[tilespmem:$0x1E910] =	vst v63  }
0x1ed: {  	s18 =	sadd.s32 @!p1 $0x1B00, s9  }
0x1ee: {  	[tilespmem:s28], [sflag:$0x3] =	stream.indirect.gather.add.f32 @!p1 [hbm:s8], $0x20, s18, s14, $0xb8;
	[tilespmem:$0x1E910] =	vst v63  }
0x1ef: {  	s18 =	sadd.s32 @!p1 $0x1B80, s9  }
0x1f0: {  	[tilespmem:s28], [sflag:$0x3] =	stream.indirect.gather.add.f32 @!p1 [hbm:s8], $0x20, s18, s14, $0xb8;
	[tilespmem:$0x1E910] =	vst v63  }
0x1f1: {  	s18 =	sadd.s32 @!p1 $0x1C00, s9  }
0x1f2: {  	[tilespmem:s28], [sflag:$0x3] =	stream.indirect.gather.add.f32 @!p1 [hbm:s8], $0x20, s18, s14, $0xb8;
	[tilespmem:$0x1E910] =	vst v63  }
0x1f3: {  	s9 =	sadd.s32 @!p1 $0x1C80, s9  }
0x1f4: {  	[tilespmem:s28], [sflag:$0x3] =	stream.indirect.gather.add.f32 @!p1 [hbm:s8], $0x20, s9, s14, $0xb8;
	[tilespmem:$0x1E910] =	vst v63  }
0x1f5: {  	s9 =	sadd.s32 @!p1 $0xFFFFFFFF, s12  }
0x1f6: {  	s12 =	sxor.u32 @!p1 s9, s4  }
0x1f7: {  	s9 =	sor.u32 @!p1 s9, s4;
	s12 =	sshrl.u32 @!p1 s12, $0x1  }
0x1f8: {  	s9 =	ssub.s32 @!p1 s9, s12  }
0x1f9: {  	s9 =	sand.u32 @!p1 $0x1FFFFF80, s9  }
0x1fa: {  	s14 =	simm.s32 @!p1 $0xE100;
	s12 =	simm.s32 @!p1 $0x0;
	s9 =	sadd.s32 @!p1 s6, s9  }
0x1fb: {  	[tilespmem:s14], [sflag:$0x1] =	stream.linear.gather @!p1 [hbm4b:s9+s12], $0x200, $0x38;
	[tilespmem:$0x1E910] =	vst v63  }
0x1fc: {  	_ =	swait.ge [sflag:s24], $0x4000  }
0x1fd: {  	[sflag:s24] =	ssyncset.done $0x0  }
0x1fe: {  	[sflag:s24] =	ssyncadd.s32 $0xFFFFC000  }
0x1ff: {  	_ =	swait.ge [sflag:s24], $0x1000  }
0x200: {  	[sflag:s24] =	ssyncset.done $0x0  }
0x201: {  	[sflag:s24] =	ssyncadd.s32 $0xFFFFF000  }
0x202: {  	_ =	swait.ge [sflag:s24], $0x1000  }
0x203: {  	[sflag:s24] =	ssyncset.done $0x0  }
0x204: {  	[sflag:s24] =	ssyncadd.s32 $0xFFFFF000  }
0x205: {  	_ =	swait.ge [sflag:s24], $0x1000  }
0x206: {  	[sflag:s24] =	ssyncset.done $0x0  }
0x207: {  	[sflag:s24] =	ssyncadd.s32 $0xFFFFF000  }
0x208: {  	_ =	swait.ge [sflag:s24], $0x1000  }
0x209: {  	[sflag:s24] =	ssyncset.done $0x0  }
0x20a: {  	[sflag:s24] =	ssyncadd.s32 $0xFFFFF000  }
0x20b: {  	_ =	swait.ge [sflag:s24], $0x1000  }
0x20c: {  	[sflag:s24] =	ssyncset.done $0x0  }
0x20d: {  	[sflag:s24] =	ssyncadd.s32 $0xFFFFF000  }
0x20e: {  	_ =	swait.ge [sflag:s24], $0x1000  }
0x20f: {  	[sflag:s24] =	ssyncset.done $0x0  }
0x210: {  	[sflag:s24] =	ssyncadd.s32 $0xFFFFF000  }
0x211: {  	_ =	swait.ge [sflag:s24], $0x1000  }
0x212: {  	[sflag:s24] =	ssyncset.done $0x0  }
0x213: {  	[sflag:s24] =	ssyncadd.s32 $0xFFFFF000  }
0x214: {  	_ =	swait.ge [sflag:s24], $0x1000  }
0x215: {  	[sflag:s24] =	ssyncset.done $0x0  }
0x216: {  	s9 =	simm.s32 @!p0 $0x6;
	[sflag:s24] =	ssyncadd.s32 $0xFFFFF000  }
0x217: {  	_ =	swait.ge @!p0 [sflag:s9], $0x1000  }
0x218: {  	[sflag:s9] =	ssyncset.done @!p0 $0x0  }
0x219: {  	[sflag:s9] =	ssyncadd.s32 @!p0 $0xFFFFF000  }
0x21a: {  	_ =	swait.ge [sflag:s25], $0x200  }
0x21b: {  	[sflag:s25] =	ssyncset.done $0x0  }
0x21c: {  	s12 =	simm.s32 $0x0;
	[sflag:s25] =	ssyncadd.s32 $0xFFFFFE00  }
.LBB2_13:
0x21d: {  	s9 =	sshll.u32 s12, $0x4  }
0x21e: {  	v6 =	vor.u32 s9, v0  }
0x21f: {  	v7 =	vshll.u32 v6, $0x7  }
0x220: {  	s14 =	simm.s32 $0x0;
	v10 =	vor.u32 v0, v7  }
0x221: {  	v11 =	vor.u32 s14, v10  }
0x222: {  	v5 =	vmul.u32 $0x88, v6  }
0x223: {  	s18 =	simm.s32 $0x1  }
0x224: {  	v12 =	vadd.s32 s18, v0;
	v8 =	vor.u32 v2, v5  }
0x225: {  	v14 =	vand.u32 $0x78, v12;
	v13 =	vadd.s32 s14, v8  }
0x226: {  	v12 =	vand.u32 $0x7, v12;
	v15 =	vor.u32 v7, v14;
	v13 =	vadd.s32 v3, v13;
	v11 =	vld.idx.msk [tilespmem:v11+s31+$0x0], $0xffff  }
0x227: {  	v15 =	vor.u32 v12, v15;
	_ =	sdelay $0x1  }
0x228: {  	s18 =	simm.s32 $0x2  }
0x229: {  	v16 =	vadd.s32 s18, v0  }
0x22a: {  	[tilespmem:v13+s22+$0x0] =	vst.idx.msk $0xffff, v11;
	v11 =	vadd.s32 v5, v14;
	v13 =	vand.u32 $0x78, v16  }
0x22b: {  	v14 =	vld.idx.msk [tilespmem:v15+s31+$0x0], $0xffff;
	v11 =	vor.u32 v12, v11;
	v12 =	vand.u32 $0x7, v16;
	v15 =	vor.u32 v7, v13  }
0x22c: {  	v15 =	vor.u32 v12, v15;
	_ =	sdelay $0x1  }
0x22d: {  	s18 =	simm.s32 $0x3  }
0x22e: {  	v53 =	vadd.s32 s18, v0  }
0x22f: {  	[tilespmem:v11+s22+$0x0] =	vst.idx.msk $0xffff, v14;
	v11 =	vadd.s32 v5, v13;
	v13 =	vand.u32 $0x78, v53  }
0x230: {  	v14 =	vld.idx.msk [tilespmem:v15+s31+$0x0], $0xffff;
	v11 =	vor.u32 v12, v11;
	v12 =	vand.u32 $0x7, v53;
	v15 =	vor.u32 v7, v13  }
0x231: {  	v15 =	vor.u32 v12, v15;
	_ =	sdelay $0x1  }
0x232: {  	s18 =	simm.s32 $0x4  }
0x233: {  	v54 =	vadd.s32 s18, v0  }
0x234: {  	[tilespmem:v11+s22+$0x0] =	vst.idx.msk $0xffff, v14;
	v11 =	vadd.s32 v5, v13;
	v13 =	vand.u32 $0x78, v54  }
0x235: {  	v14 =	vld.idx.msk [tilespmem:v15+s31+$0x0], $0xffff;
	v11 =	vor.u32 v12, v11;
	v12 =	vand.u32 $0x7, v54;
	v15 =	vor.u32 v7, v13  }
0x236: {  	v15 =	vor.u32 v12, v15;
	_ =	sdelay $0x1  }
0x237: {  	s18 =	simm.s32 $0x5  }
0x238: {  	v55 =	vadd.s32 s18, v0  }
0x239: {  	[tilespmem:v11+s22+$0x0] =	vst.idx.msk $0xffff, v14;
	v11 =	vadd.s32 v5, v13;
	v13 =	vand.u32 $0x78, v55  }
0x23a: {  	v14 =	vld.idx.msk [tilespmem:v15+s31+$0x0], $0xffff;
	v11 =	vor.u32 v12, v11;
	v12 =	vand.u32 $0x7, v55;
	v15 =	vor.u32 v7, v13  }
0x23b: {  	v15 =	vor.u32 v12, v15;
	_ =	sdelay $0x1  }
0x23c: {  	s18 =	simm.s32 $0x6  }
0x23d: {  	v56 =	vadd.s32 s18, v0  }
0x23e: {  	[tilespmem:v11+s22+$0x0] =	vst.idx.msk $0xffff, v14;
	v11 =	vadd.s32 v5, v13;
	v13 =	vand.u32 $0x78, v56  }
0x23f: {  	v14 =	vld.idx.msk [tilespmem:v15+s31+$0x0], $0xffff;
	v11 =	vor.u32 v12, v11;
	v12 =	vand.u32 $0x7, v56;
	v15 =	vor.u32 v7, v13  }
0x240: {  	v15 =	vor.u32 v12, v15;
	_ =	sdelay $0x1  }
0x241: {  	s18 =	simm.s32 $0x7  }
0x242: {  	v57 =	vadd.s32 s18, v0  }
0x243: {  	[tilespmem:v11+s22+$0x0] =	vst.idx.msk $0xffff, v14;
	v11 =	vadd.s32 v5, v13;
	v13 =	vand.u32 $0x78, v57  }
0x244: {  	v14 =	vld.idx.msk [tilespmem:v15+s31+$0x0], $0xffff;
	v11 =	vor.u32 v12, v11;
	v12 =	vand.u32 $0x7, v57;
	v15 =	vor.u32 v7, v13  }
0x245: {  	v15 =	vor.u32 v12, v15;
	_ =	sdelay $0x2  }
0x246: {  	s18 =	simm.s32 $0x8  }
0x247: {  	[tilespmem:v11+s22+$0x0] =	vst.idx.msk $0xffff, v14;
	v11 =	vadd.s32 v5, v13;
	v13 =	vadd.s32 s18, v0  }
0x248: {  	v9 =	vor.u32 v2, v7;
	v14 =	vld.idx.msk [tilespmem:v15+s31+$0x0], $0xffff;
	v11 =	vor.u32 v12, v11;
	v12 =	vand.u32 $0x78, v13  }
0x249: {  	v13 =	vor.u32 v12, v9;
	_ =	sdelay $0x1  }
0x24a: {  	s18 =	simm.s32 $0x9  }
0x24b: {  	v15 =	vadd.s32 s18, v0  }
0x24c: {  	[tilespmem:v11+s22+$0x0] =	vst.idx.msk $0xffff, v14;
	v11 =	vand.u32 $0x78, v15  }
0x24d: {  	v12 =	vadd.s32 v8, v12;
	v14 =	vand.u32 $0x7, v15;
	v13 =	vld.idx.msk [tilespmem:v13+s31+$0x0], $0xffff;
	v15 =	vor.u32 v7, v11  }
0x24e: {  	v15 =	vor.u32 v14, v15;
	_ =	sdelay $0x1  }
0x24f: {  	s18 =	simm.s32 $0xA  }
0x250: {  	v58 =	vadd.s32 s18, v0  }
0x251: {  	v11 =	vadd.s32 v5, v11;
	[tilespmem:v12+s22+$0x0] =	vst.idx.msk $0xffff, v13;
	v12 =	vand.u32 $0x78, v58  }
0x252: {  	v11 =	vor.u32 v14, v11;
	v14 =	vand.u32 $0x7, v58;
	v13 =	vld.idx.msk [tilespmem:v15+s31+$0x0], $0xffff;
	v15 =	vor.u32 v7, v12  }
0x253: {  	v15 =	vor.u32 v14, v15;
	_ =	sdelay $0x1  }
0x254: {  	s18 =	simm.s32 $0xB  }
0x255: {  	v59 =	vadd.s32 s18, v0  }
0x256: {  	[tilespmem:v11+s22+$0x0] =	vst.idx.msk $0xffff, v13;
	v11 =	vadd.s32 v5, v12;
	v12 =	vand.u32 $0x78, v59  }
0x257: {  	v13 =	vld.idx.msk [tilespmem:v15+s31+$0x0], $0xffff;
	v11 =	vor.u32 v14, v11;
	v14 =	vand.u32 $0x7, v59;
	v15 =	vor.u32 v7, v12  }
0x258: {  	v15 =	vor.u32 v14, v15;
	_ =	sdelay $0x1  }
0x259: {  	s18 =	simm.s32 $0xC  }
0x25a: {  	v60 =	vadd.s32 s18, v0  }
0x25b: {  	[tilespmem:v11+s22+$0x0] =	vst.idx.msk $0xffff, v13;
	v11 =	vadd.s32 v5, v12;
	v12 =	vand.u32 $0x78, v60  }
0x25c: {  	v13 =	vld.idx.msk [tilespmem:v15+s31+$0x0], $0xffff;
	v11 =	vor.u32 v14, v11;
	v14 =	vand.u32 $0x7, v60;
	v15 =	vor.u32 v7, v12  }
0x25d: {  	v15 =	vor.u32 v14, v15;
	_ =	sdelay $0x1  }
0x25e: {  	s18 =	simm.s32 $0xD  }
0x25f: {  	v61 =	vadd.s32 s18, v0  }
0x260: {  	[tilespmem:v11+s22+$0x0] =	vst.idx.msk $0xffff, v13;
	v11 =	vadd.s32 v5, v12;
	v12 =	vand.u32 $0x78, v61  }
0x261: {  	v13 =	vld.idx.msk [tilespmem:v15+s31+$0x0], $0xffff;
	v11 =	vor.u32 v14, v11;
	v14 =	vand.u32 $0x7, v61;
	v15 =	vor.u32 v7, v12  }
0x262: {  	v15 =	vor.u32 v14, v15;
	_ =	sdelay $0x1  }
0x263: {  	s18 =	simm.s32 $0xE  }
0x264: {  	v62 =	vadd.s32 s18, v0  }
0x265: {  	[tilespmem:v11+s22+$0x0] =	vst.idx.msk $0xffff, v13;
	v11 =	vadd.s32 v5, v12;
	v12 =	vand.u32 $0x78, v62  }
0x266: {  	v13 =	vld.idx.msk [tilespmem:v15+s31+$0x0], $0xffff;
	v11 =	vor.u32 v14, v11;
	v14 =	vand.u32 $0x7, v62;
	v15 =	vor.u32 v7, v12  }
0x267: {  	v15 =	vor.u32 v14, v15;
	_ =	sdelay $0x1  }
0x268: {  	s9 =	simm.s32 $0xF  }
0x269: {  	v63 =	vadd.s32 s9, v0  }
0x26a: {  	[tilespmem:v11+s22+$0x0] =	vst.idx.msk $0xffff, v13;
	v11 =	vadd.s32 v5, v12;
	v12 =	vand.u32 $0x78, v63  }
0x26b: {  	v13 =	vld.idx.msk [tilespmem:v15+s31+$0x0], $0xffff;
	v11 =	vor.u32 v14, v11;
	v14 =	vand.u32 $0x7, v63;
	v15 =	vor.u32 v7, v12  }
0x26c: {  	v15 =	vor.u32 v14, v15;
	_ =	sdelay $0x3  }
0x26d: {  	v12 =	vadd.s32 v5, v12;
	[tilespmem:v11+s22+$0x0] =	vst.idx.msk $0xffff, v13  }
0x26e: {  	s28 =	simm.s32 $0x10;
	s9 =	simm.s32 $0x2F;
	s14 =	simm.s32 $0x1F;
	v12 =	vor.u32 v14, v12;
	v11 =	vld.idx.msk [tilespmem:v15+s31+$0x0], $0xffff  }
.LBB2_14:
0x26f: {  	p0 =	seq.s32 s9, $0x7F;
	v13 =	vor.u32 s28, v10;
	_ =	sdelay $0x2  }
0x270: {  	s18 =	sadd.s32 $0xFFFFFFF2, s14  }
0x271: {  	v14 =	vadd.s32 s18, v0;
	[tilespmem:v12+s22+$0x0] =	vst.idx.msk $0xffff, v11  }
0x272: {  	v12 =	vadd.s32 s28, v8;
	v11 =	vld.idx.msk [tilespmem:v13+s31+$0x0], $0xffff;
	v13 =	vand.u32 $0x78, v14  }
0x273: {  	v12 =	vadd.s32 v3, v12;
	v14 =	vand.u32 $0x7, v14;
	v15 =	vor.u32 v7, v13  }
0x274: {  	v15 =	vor.u32 v14, v15;
	_ =	sdelay $0x2  }
0x275: {  	s18 =	sadd.s32 $0xFFFFFFF3, s14  }
0x276: {  	[tilespmem:v12+s22+$0x0] =	vst.idx.msk $0xffff, v11;
	v11 =	vadd.s32 s18, v0  }
0x277: {  	v13 =	vadd.s32 v5, v13;
	v12 =	vld.idx.msk [tilespmem:v15+s31+$0x0], $0xffff;
	v15 =	vand.u32 $0x78, v11  }
0x278: {  	v13 =	vor.u32 v14, v13;
	v11 =	vand.u32 $0x7, v11;
	v14 =	vor.u32 v7, v15  }
0x279: {  	v14 =	vor.u32 v11, v14;
	_ =	sdelay $0x2  }
0x27a: {  	s18 =	sadd.s32 $0xFFFFFFF4, s14  }
0x27b: {  	[tilespmem:v13+s22+$0x0] =	vst.idx.msk $0xffff, v12;
	v12 =	vadd.s32 s18, v0  }
0x27c: {  	v13 =	vld.idx.msk [tilespmem:v14+s31+$0x0], $0xffff;
	v14 =	vadd.s32 v5, v15;
	v15 =	vand.u32 $0x78, v12  }
0x27d: {  	v12 =	vand.u32 $0x7, v12;
	v11 =	vor.u32 v11, v14;
	v14 =	vor.u32 v7, v15  }
0x27e: {  	v14 =	vor.u32 v12, v14;
	_ =	sdelay $0x2  }
0x27f: {  	s18 =	sadd.s32 $0xFFFFFFF5, s14  }
0x280: {  	[tilespmem:v11+s22+$0x0] =	vst.idx.msk $0xffff, v13;
	v11 =	vadd.s32 s18, v0  }
0x281: {  	v13 =	vld.idx.msk [tilespmem:v14+s31+$0x0], $0xffff;
	v14 =	vadd.s32 v5, v15;
	v15 =	vand.u32 $0x78, v11  }
0x282: {  	v11 =	vand.u32 $0x7, v11;
	v12 =	vor.u32 v12, v14;
	v14 =	vor.u32 v7, v15  }
0x283: {  	v14 =	vor.u32 v11, v14;
	_ =	sdelay $0x2  }
0x284: {  	s18 =	sadd.s32 $0xFFFFFFF6, s14  }
0x285: {  	[tilespmem:v12+s22+$0x0] =	vst.idx.msk $0xffff, v13;
	v12 =	vadd.s32 s18, v0  }
0x286: {  	v13 =	vld.idx.msk [tilespmem:v14+s31+$0x0], $0xffff;
	v14 =	vadd.s32 v5, v15;
	v15 =	vand.u32 $0x78, v12  }
0x287: {  	v12 =	vand.u32 $0x7, v12;
	v11 =	vor.u32 v11, v14;
	v14 =	vor.u32 v7, v15  }
0x288: {  	v14 =	vor.u32 v12, v14;
	_ =	sdelay $0x2  }
0x289: {  	s18 =	sadd.s32 $0xFFFFFFF7, s14  }
0x28a: {  	[tilespmem:v11+s22+$0x0] =	vst.idx.msk $0xffff, v13;
	v11 =	vadd.s32 s18, v0  }
0x28b: {  	v13 =	vld.idx.msk [tilespmem:v14+s31+$0x0], $0xffff;
	v14 =	vadd.s32 v5, v15;
	v15 =	vand.u32 $0x78, v11  }
0x28c: {  	v11 =	vand.u32 $0x7, v11;
	v12 =	vor.u32 v12, v14;
	v14 =	vor.u32 v7, v15  }
0x28d: {  	v14 =	vor.u32 v11, v14;
	_ =	sdelay $0x2  }
0x28e: {  	s18 =	sadd.s32 $0xFFFFFFF8, s14  }
0x28f: {  	[tilespmem:v12+s22+$0x0] =	vst.idx.msk $0xffff, v13;
	v12 =	vadd.s32 s18, v0  }
0x290: {  	v13 =	vld.idx.msk [tilespmem:v14+s31+$0x0], $0xffff;
	v14 =	vadd.s32 v5, v15;
	v15 =	vand.u32 $0x78, v12  }
0x291: {  	v12 =	vand.u32 $0x7, v12;
	v11 =	vor.u32 v11, v14;
	v14 =	vor.u32 v7, v15  }
0x292: {  	v14 =	vor.u32 v12, v14;
	_ =	sdelay $0x3  }
0x293: {  	s18 =	sadd.s32 $0xFFFFFFF9, s14;
	[tilespmem:v11+s22+$0x0] =	vst.idx.msk $0xffff, v13  }
0x294: {  	v13 =	vadd.s32 v5, v15;
	v11 =	vld.idx.msk [tilespmem:v14+s31+$0x0], $0xffff;
	v14 =	vadd.s32 s18, v0  }
0x295: {  	v12 =	vor.u32 v12, v13;
	v13 =	vand.u32 $0x78, v14  }
0x296: {  	v14 =	vor.u32 v13, v9;
	_ =	sdelay $0x2  }
0x297: {  	s18 =	sadd.s32 $0xFFFFFFFA, s14  }
0x298: {  	[tilespmem:v12+s22+$0x0] =	vst.idx.msk $0xffff, v11;
	v11 =	vadd.s32 s18, v0  }
0x299: {  	v12 =	vld.idx.msk [tilespmem:v14+s31+$0x0], $0xffff;
	v14 =	vand.u32 $0x78, v11  }
0x29a: {  	v13 =	vadd.s32 v8, v13;
	v11 =	vand.u32 $0x7, v11;
	v15 =	vor.u32 v7, v14  }
0x29b: {  	v15 =	vor.u32 v11, v15;
	_ =	sdelay $0x2  }
0x29c: {  	s18 =	sadd.s32 $0xFFFFFFFB, s14  }
0x29d: {  	[tilespmem:v13+s22+$0x0] =	vst.idx.msk $0xffff, v12;
	v12 =	vadd.s32 s18, v0  }
0x29e: {  	v14 =	vadd.s32 v5, v14;
	v13 =	vld.idx.msk [tilespmem:v15+s31+$0x0], $0xffff;
	v15 =	vand.u32 $0x78, v12  }
0x29f: {  	v11 =	vor.u32 v11, v14;
	v12 =	vand.u32 $0x7, v12;
	v14 =	vor.u32 v7, v15  }
0x2a0: {  	v14 =	vor.u32 v12, v14;
	_ =	sdelay $0x2  }
0x2a1: {  	s18 =	sadd.s32 $0xFFFFFFFC, s14  }
0x2a2: {  	[tilespmem:v11+s22+$0x0] =	vst.idx.msk $0xffff, v13;
	v11 =	vadd.s32 s18, v0  }
0x2a3: {  	v13 =	vld.idx.msk [tilespmem:v14+s31+$0x0], $0xffff;
	v14 =	vadd.s32 v5, v15;
	v15 =	vand.u32 $0x78, v11  }
0x2a4: {  	v11 =	vand.u32 $0x7, v11;
	v12 =	vor.u32 v12, v14;
	v14 =	vor.u32 v7, v15  }
0x2a5: {  	v14 =	vor.u32 v11, v14;
	_ =	sdelay $0x2  }
0x2a6: {  	s18 =	sadd.s32 $0xFFFFFFFD, s14  }
0x2a7: {  	[tilespmem:v12+s22+$0x0] =	vst.idx.msk $0xffff, v13;
	v12 =	vadd.s32 s18, v0  }
0x2a8: {  	v13 =	vld.idx.msk [tilespmem:v14+s31+$0x0], $0xffff;
	v14 =	vadd.s32 v5, v15;
	v15 =	vand.u32 $0x78, v12  }
0x2a9: {  	v12 =	vand.u32 $0x7, v12;
	v11 =	vor.u32 v11, v14;
	v14 =	vor.u32 v7, v15  }
0x2aa: {  	v14 =	vor.u32 v12, v14;
	_ =	sdelay $0x2  }
0x2ab: {  	s18 =	sadd.s32 $0xFFFFFFFE, s14  }
0x2ac: {  	[tilespmem:v11+s22+$0x0] =	vst.idx.msk $0xffff, v13;
	v11 =	vadd.s32 s18, v0  }
0x2ad: {  	v13 =	vld.idx.msk [tilespmem:v14+s31+$0x0], $0xffff;
	v14 =	vadd.s32 v5, v15;
	v15 =	vand.u32 $0x78, v11  }
0x2ae: {  	v11 =	vand.u32 $0x7, v11;
	v12 =	vor.u32 v12, v14;
	v14 =	vor.u32 v7, v15  }
0x2af: {  	v14 =	vor.u32 v11, v14;
	_ =	sdelay $0x2  }
0x2b0: {  	s18 =	sadd.s32 $0xFFFFFFFF, s14  }
0x2b1: {  	[tilespmem:v12+s22+$0x0] =	vst.idx.msk $0xffff, v13;
	v12 =	vadd.s32 s18, v0  }
0x2b2: {  	v13 =	vld.idx.msk [tilespmem:v14+s31+$0x0], $0xffff;
	v14 =	vadd.s32 v5, v15;
	v15 =	vand.u32 $0x78, v12  }
0x2b3: {  	v12 =	vand.u32 $0x7, v12;
	v11 =	vor.u32 v11, v14;
	v14 =	vor.u32 v7, v15  }
0x2b4: {  	v14 =	vor.u32 v12, v14;
	_ =	sdelay $0x3  }
0x2b5: {  	[tilespmem:v11+s22+$0x0] =	vst.idx.msk $0xffff, v13;
	v11 =	vadd.s32 s14, v0;
	s14 =	smov.u32 s9  }
0x2b6: {  	v13 =	vld.idx.msk [tilespmem:v14+s31+$0x0], $0xffff;
	v14 =	vadd.s32 v5, v15;
	v15 =	vand.u32 $0x78, v11  }
0x2b7: {  	v12 =	vor.u32 v12, v14;
	v14 =	vand.u32 $0x7, v11;
	v11 =	vor.u32 v7, v15  }
0x2b8: {  	v11 =	vor.u32 v14, v11;
	_ =	sdelay $0x1  }
.Ltmp7:
0x2b9: {  	(pc) =	sbr.rel @!p0 .LBB2_14-.Ltmp7, $4  }
0x2ba: {  	_ = 	snop  }
0x2bb: {  	[tilespmem:v12+s22+$0x0] =	vst.idx.msk $0xffff, v13  }
0x2bc: {  	v12 =	vadd.s32 v5, v15;
	v11 =	vld.idx.msk [tilespmem:v11+s31+$0x0], $0xffff  }
0x2bd: {  	s9 =	sadd.s32 $0x10, s9;
	s28 =	sadd.s32 $0xFFFFFFF1, s14;
	v12 =	vor.u32 v14, v12  }
0x2be: {  	v10 =	vor.u32 s28, v10;
	_ =	sdelay $0x1  }
0x2bf: {  	s9 =	sadd.s32 $0xFFFFFFF2, s14  }
0x2c0: {  	v13 =	vadd.s32 s9, v0  }
0x2c1: {  	[tilespmem:v12+s22+$0x0] =	vst.idx.msk $0xffff, v11;
	v11 =	vadd.s32 s28, v8;
	v12 =	vand.u32 $0x78, v13  }
0x2c2: {  	v13 =	vand.u32 $0x7, v13;
	v11 =	vadd.s32 v3, v11;
	v14 =	vor.u32 v7, v12;
	v10 =	vld.idx.msk [tilespmem:v10+s31+$0x0], $0xffff  }
0x2c3: {  	v14 =	vor.u32 v13, v14;
	_ =	sdelay $0x1  }
0x2c4: {  	s28 =	sadd.s32 $0xFFFFFFF3, s14  }
0x2c5: {  	v15 =	vadd.s32 s28, v0  }
0x2c6: {  	[tilespmem:v11+s22+$0x0] =	vst.idx.msk $0xffff, v10;
	v10 =	vadd.s32 v5, v12;
	v11 =	vand.u32 $0x78, v15  }
0x2c7: {  	v12 =	vld.idx.msk [tilespmem:v14+s31+$0x0], $0xffff;
	v10 =	vor.u32 v13, v10;
	v13 =	vand.u32 $0x7, v15;
	v14 =	vor.u32 v7, v11  }
0x2c8: {  	v14 =	vor.u32 v13, v14;
	_ =	sdelay $0x1  }
0x2c9: {  	s18 =	sadd.s32 $0xFFFFFFF4, s14  }
0x2ca: {  	v15 =	vadd.s32 s18, v0  }
0x2cb: {  	[tilespmem:v10+s22+$0x0] =	vst.idx.msk $0xffff, v12;
	v10 =	vadd.s32 v5, v11;
	v11 =	vand.u32 $0x78, v15  }
0x2cc: {  	v12 =	vld.idx.msk [tilespmem:v14+s31+$0x0], $0xffff;
	v10 =	vor.u32 v13, v10;
	v13 =	vand.u32 $0x7, v15;
	v14 =	vor.u32 v7, v11  }
0x2cd: {  	v14 =	vor.u32 v13, v14;
	_ =	sdelay $0x1  }
0x2ce: {  	s28 =	sadd.s32 $0xFFFFFFF5, s14  }
0x2cf: {  	v15 =	vadd.s32 s28, v0  }
0x2d0: {  	[tilespmem:v10+s22+$0x0] =	vst.idx.msk $0xffff, v12;
	v10 =	vadd.s32 v5, v11;
	v11 =	vand.u32 $0x78, v15  }
0x2d1: {  	v12 =	vld.idx.msk [tilespmem:v14+s31+$0x0], $0xffff;
	v10 =	vor.u32 v13, v10;
	v13 =	vand.u32 $0x7, v15;
	v14 =	vor.u32 v7, v11  }
0x2d2: {  	v14 =	vor.u32 v13, v14;
	_ =	sdelay $0x1  }
0x2d3: {  	s18 =	sadd.s32 $0xFFFFFFF6, s14  }
0x2d4: {  	v15 =	vadd.s32 s18, v0  }
0x2d5: {  	[tilespmem:v10+s22+$0x0] =	vst.idx.msk $0xffff, v12;
	v10 =	vadd.s32 v5, v11;
	v11 =	vand.u32 $0x78, v15  }
0x2d6: {  	v12 =	vld.idx.msk [tilespmem:v14+s31+$0x0], $0xffff;
	v10 =	vor.u32 v13, v10;
	v13 =	vand.u32 $0x7, v15;
	v14 =	vor.u32 v7, v11  }
0x2d7: {  	v14 =	vor.u32 v13, v14;
	_ =	sdelay $0x1  }
0x2d8: {  	s28 =	sadd.s32 $0xFFFFFFF7, s14  }
0x2d9: {  	v15 =	vadd.s32 s28, v0  }
0x2da: {  	[tilespmem:v10+s22+$0x0] =	vst.idx.msk $0xffff, v12;
	v10 =	vadd.s32 v5, v11;
	v11 =	vand.u32 $0x78, v15  }
0x2db: {  	v12 =	vld.idx.msk [tilespmem:v14+s31+$0x0], $0xffff;
	v10 =	vor.u32 v13, v10;
	v13 =	vand.u32 $0x7, v15;
	v14 =	vor.u32 v7, v11  }
0x2dc: {  	v14 =	vor.u32 v13, v14;
	_ =	sdelay $0x1  }
0x2dd: {  	s18 =	sadd.s32 $0xFFFFFFF8, s14  }
0x2de: {  	v15 =	vadd.s32 s18, v0  }
0x2df: {  	[tilespmem:v10+s22+$0x0] =	vst.idx.msk $0xffff, v12;
	v10 =	vadd.s32 v5, v11;
	v11 =	vand.u32 $0x78, v15  }
0x2e0: {  	v12 =	vld.idx.msk [tilespmem:v14+s31+$0x0], $0xffff;
	v10 =	vor.u32 v13, v10;
	v13 =	vand.u32 $0x7, v15;
	v14 =	vor.u32 v7, v11  }
0x2e1: {  	v14 =	vor.u32 v13, v14;
	_ =	sdelay $0x2  }
0x2e2: {  	s28 =	sadd.s32 $0xFFFFFFF9, s14  }
0x2e3: {  	[tilespmem:v10+s22+$0x0] =	vst.idx.msk $0xffff, v12;
	v10 =	vadd.s32 v5, v11;
	v11 =	vadd.s32 s28, v0  }
0x2e4: {  	v12 =	vld.idx.msk [tilespmem:v14+s31+$0x0], $0xffff;
	v10 =	vor.u32 v13, v10;
	v11 =	vand.u32 $0x78, v11  }
0x2e5: {  	v9 =	vor.u32 v11, v9;
	_ =	sdelay $0x1  }
0x2e6: {  	s18 =	sadd.s32 $0xFFFFFFFA, s14  }
0x2e7: {  	v13 =	vadd.s32 s18, v0  }
0x2e8: {  	[tilespmem:v10+s22+$0x0] =	vst.idx.msk $0xffff, v12;
	v10 =	vand.u32 $0x78, v13  }
0x2e9: {  	v8 =	vadd.s32 v8, v11;
	v11 =	vand.u32 $0x7, v13;
	v9 =	vld.idx.msk [tilespmem:v9+s31+$0x0], $0xffff;
	v12 =	vor.u32 v7, v10  }
0x2ea: {  	v12 =	vor.u32 v11, v12;
	_ =	sdelay $0x1  }
0x2eb: {  	s28 =	sadd.s32 $0xFFFFFFFB, s14  }
0x2ec: {  	v13 =	vadd.s32 s28, v0  }
0x2ed: {  	[tilespmem:v8+s22+$0x0] =	vst.idx.msk $0xffff, v9;
	v8 =	vadd.s32 v5, v10;
	v9 =	vand.u32 $0x78, v13  }
0x2ee: {  	v10 =	vld.idx.msk [tilespmem:v12+s31+$0x0], $0xffff;
	v8 =	vor.u32 v11, v8;
	v11 =	vand.u32 $0x7, v13;
	v12 =	vor.u32 v7, v9  }
0x2ef: {  	v12 =	vor.u32 v11, v12;
	_ =	sdelay $0x1  }
0x2f0: {  	s18 =	sadd.s32 $0xFFFFFFFC, s14  }
0x2f1: {  	v13 =	vadd.s32 s18, v0  }
0x2f2: {  	[tilespmem:v8+s22+$0x0] =	vst.idx.msk $0xffff, v10;
	v8 =	vadd.s32 v5, v9;
	v9 =	vand.u32 $0x78, v13  }
0x2f3: {  	v10 =	vld.idx.msk [tilespmem:v12+s31+$0x0], $0xffff;
	v8 =	vor.u32 v11, v8;
	v11 =	vand.u32 $0x7, v13;
	v12 =	vor.u32 v7, v9  }
0x2f4: {  	v12 =	vor.u32 v11, v12;
	_ =	sdelay $0x1  }
0x2f5: {  	s28 =	sadd.s32 $0xFFFFFFFD, s14  }
0x2f6: {  	v13 =	vadd.s32 s28, v0  }
0x2f7: {  	[tilespmem:v8+s22+$0x0] =	vst.idx.msk $0xffff, v10;
	v8 =	vadd.s32 v5, v9;
	v9 =	vand.u32 $0x78, v13  }
0x2f8: {  	v10 =	vld.idx.msk [tilespmem:v12+s31+$0x0], $0xffff;
	v8 =	vor.u32 v11, v8;
	v11 =	vand.u32 $0x7, v13;
	v12 =	vor.u32 v7, v9  }
0x2f9: {  	v12 =	vor.u32 v11, v12;
	_ =	sdelay $0x1  }
0x2fa: {  	s18 =	sadd.s32 $0xFFFFFFFE, s14  }
0x2fb: {  	v13 =	vadd.s32 s18, v0  }
0x2fc: {  	[tilespmem:v8+s22+$0x0] =	vst.idx.msk $0xffff, v10;
	v8 =	vadd.s32 v5, v9;
	v9 =	vand.u32 $0x78, v13  }
0x2fd: {  	v10 =	vld.idx.msk [tilespmem:v12+s31+$0x0], $0xffff;
	v8 =	vor.u32 v11, v8;
	v11 =	vand.u32 $0x7, v13;
	v12 =	vor.u32 v7, v9  }
0x2fe: {  	v12 =	vor.u32 v11, v12;
	_ =	sdelay $0x1  }
0x2ff: {  	s28 =	sadd.s32 $0xFFFFFFFF, s14  }
0x300: {  	v13 =	vadd.s32 s28, v0  }
0x301: {  	[tilespmem:v8+s22+$0x0] =	vst.idx.msk $0xffff, v10;
	v8 =	vadd.s32 v5, v9;
	v9 =	vand.u32 $0x78, v13  }
0x302: {  	v10 =	vld.idx.msk [tilespmem:v12+s31+$0x0], $0xffff;
	v8 =	vor.u32 v11, v8;
	v11 =	vand.u32 $0x7, v13;
	v12 =	vor.u32 v7, v9  }
0x303: {  	v12 =	vor.u32 v11, v12;
	_ =	sdelay $0x2  }
0x304: {  	v13 =	vadd.s32 s14, v0  }
0x305: {  	[tilespmem:v8+s22+$0x0] =	vst.idx.msk $0xffff, v10;
	v8 =	vadd.s32 v5, v9;
	v9 =	vand.u32 $0x78, v13  }
0x306: {  	v10 =	vld.idx.msk [tilespmem:v12+s31+$0x0], $0xffff;
	v8 =	vor.u32 v11, v8;
	v11 =	vand.u32 $0x7, v13;
	v7 =	vor.u32 v7, v9  }
0x307: {  	v7 =	vor.u32 v11, v7;
	_ =	sdelay $0x3  }
0x308: {  	[tilespmem:v8+s22+$0x0] =	vst.idx.msk $0xffff, v10;
	v8 =	vadd.s32 v5, v9  }
0x309: {  	v7 =	vld.idx.msk [tilespmem:v7+s31+$0x0], $0xffff;
	v8 =	vor.u32 v11, v8  }
0x30a: {  	s14 =	simm.s32 $0x0  }
0x30b: {  	v9 =	vadd.s32 s14, v0  }
0x30c: {  	v10 =	vshll.u32 v9, $0x2  }
0x30d: {  	v9 =	vand.u32 $0x1F, v9;
	v11 =	vand.u32 $0x78, v10  }
0x30e: {  	v10 =	vand.u32 $0x4, v10;
	v11 =	vadd.s32 v5, v11;
	[tilespmem:v8+s22+$0x0] =	vst.idx.msk $0xffff, v7;
	v7 =	vshll.u32 v6, $0x5  }
0x30f: {  	v10 =	vor.u32 v10, v11;
	v9 =	vor.u32 v7, v9  }
0x310: {  	v11 =	vor.u32 $0x1, v10  }
0x311: {  	s18 =	simm.s32 $0x1;
	v12 =	vor.u32 $0x2, v10  }
0x312: {  	v13 =	vadd.s32 s18, v0;
	v14 =	vor.u32 $0x3, v10  }
0x313: {  	v15 =	vshll.u32 v13, $0x2;
	v13 =	vand.u32 $0x1F, v13  }
0x314: {  	v13 =	vor.u32 v7, v13;
	v16 =	vld.idx.msk [tilespmem:v9+s0+$0x0], $0xffff;
	[tilespmem:v9+s0+$0x0] =	vst.idx.msk $0xffff, v1;
	v9 =	vand.u32 $0x78, v15  }
0x315: {  	v15 =	vand.u32 $0x4, v15;
	v9 =	vadd.s32 v5, v9;
	v17 =	vld.idx.msk [tilespmem:v11+s22+$0x0], $0xffff  }
0x316: {  	s28 =	simm.s32 $0x2;
	v12 =	vld.idx.msk [tilespmem:v12+s22+$0x0], $0xffff;
	v9 =	vor.u32 v15, v9  }
0x317: {  	v18 =	vadd.s32 s28, v0;
	v14 =	vld.idx.msk [tilespmem:v14+s22+$0x0], $0xffff;
	v15 =	vor.u32 $0x1, v9  }
0x318: {  	v20 =	vshll.u32 v18, $0x2;
	v10 =	vld.idx.msk [tilespmem:v10+s22+$0x0], $0xffff;
	v19 =	vor.u32 $0x2, v9  }
0x319: {  	v11 =	vld.idx.msk [tilespmem:v13+s0+$0x0], $0xffff;
	[tilespmem:v13+s0+$0x0] =	vst.idx.msk $0xffff, v1;
	v13 =	vand.u32 $0x1F, v18;
	v21 =	vor.u32 $0x3, v9;
	v16 =	vmul.f32 v16, v4  }
0x31a: {  	v22 =	vand.u32 $0x78, v20;
	v8 =	vimm.f32 $0.0e+00;
	v18 =	vor.u32 v7, v13  }
0x31b: {  	v13 =	vand.u32 $0x4, v20;
	v23 =	vmul.f32 v17, v16;
	v9 =	vld.idx.msk [tilespmem:v9+s22+$0x0], $0xffff;
	v17 =	vadd.s32 v5, v22  }
0x31c: {  	v12 =	vmul.f32 v12, v16;
	v22 =	vmul.f32 v14, v16;
	v15 =	vld.idx.msk [tilespmem:v15+s22+$0x0], $0xffff;
	v17 =	vor.u32 v13, v17  }
0x31d: {  	v20 =	vmul.f32 v10, v16;
	v14 =	vld.idx.msk [tilespmem:v19+s22+$0x0], $0xffff;
	v19 =	vor.u32 $0x1, v17;
	v10 =	vadd.f32 v23, v8  }
0x31e: {  	s9 =	simm.s32 $0x3;
	s14 =	simm.s32 $0x4;
	v16 =	vld.idx.msk [tilespmem:v21+s22+$0x0], $0xffff;
	v21 =	vor.u32 $0x2, v17;
	v13 =	vadd.f32 v12, v8;
	v12 =	vadd.f32 v22, v8  }
.LBB2_16:
0x31f: {  	p0 =	sne.s32 s14, $0x1F;
	v22 =	vadd.s32 s9, v0;
	v23 =	vor.u32 $0x3, v17;
	v24 =	vmul.f32 v11, v4;
	s9 =	smov.u32 s14  }
0x320: {  	v8 =	vadd.f32 v20, v8;
	v20 =	vmov v9;
	v25 =	vshll.u32 v22, $0x2;
	v11 =	vld.idx.msk [tilespmem:v18+s0+$0x0], $0xffff;
	[tilespmem:v18+s0+$0x0] =	vst.idx.msk $0xffff, v1  }
.Ltmp8:
0x321: {  	v18 =	vand.u32 $0x1F, v22;
	v22 =	vand.u32 $0x78, v25;
	v9 =	vld.idx.msk [tilespmem:v17+s22+$0x0], $0xffff;
	v26 =	vmul.f32 v15, v24;
	(pc) =	sbr.rel @p0 .LBB2_16-.Ltmp8, $4  }
0x322: {  	v18 =	vor.u32 v7, v18;
	v17 =	vand.u32 $0x4, v25;
	v22 =	vadd.s32 v5, v22;
	v15 =	vld.idx.msk [tilespmem:v19+s22+$0x0], $0xffff  }
0x323: {  	v25 =	vmul.f32 v16, v24;
	v17 =	vor.u32 v17, v22;
	v22 =	vmul.f32 v14, v24;
	v14 =	vld.idx.msk [tilespmem:v21+s22+$0x0], $0xffff  }
0x324: {  	v20 =	vmul.f32 v20, v24;
	v10 =	vadd.f32 v26, v10;
	v19 =	vor.u32 $0x1, v17;
	v16 =	vld.idx.msk [tilespmem:v23+s22+$0x0], $0xffff  }
0x325: {  	s14 =	sadd.s32 $0x1, s14;
	v21 =	vor.u32 $0x2, v17;
	v12 =	vadd.f32 v25, v12;
	v13 =	vadd.f32 v22, v13  }
0x326: {  	_ =	sdelay $0x1  }
0x327: {  	v22 =	vadd.s32 s9, v0  }
0x328: {  	v24 =	vshll.u32 v22, $0x2  }
0x329: {  	v23 =	vor.u32 $0x3, v17;
	v25 =	vld.idx.msk [tilespmem:v18+s0+$0x0], $0xffff;
	[tilespmem:v18+s0+$0x0] =	vst.idx.msk $0xffff, v1;
	v22 =	vand.u32 $0x1F, v22;
	v18 =	vand.u32 $0x78, v24  }
0x32a: {  	v22 =	vor.u32 v7, v22;
	v24 =	vand.u32 $0x4, v24;
	v18 =	vadd.s32 v5, v18  }
0x32b: {  	v17 =	vld.idx.msk [tilespmem:v17+s22+$0x0], $0xffff;
	v18 =	vor.u32 v24, v18  }
0x32c: {  	v19 =	vld.idx.msk [tilespmem:v19+s22+$0x0], $0xffff;
	v24 =	vor.u32 $0x1, v18  }
0x32d: {  	v21 =	vld.idx.msk [tilespmem:v21+s22+$0x0], $0xffff;
	v26 =	vor.u32 $0x2, v18  }
0x32e: {  	v23 =	vld.idx.msk [tilespmem:v23+s22+$0x0], $0xffff;
	v27 =	vor.u32 $0x3, v18  }
0x32f: {  	v11 =	vmul.f32 v11, v4;
	v6 =	vshll.u32 v6, $0x2;
	v28 =	vld.idx.msk [tilespmem:v22+s0+$0x0], $0xffff;
	[tilespmem:v22+s0+$0x0] =	vst.idx.msk $0xffff, v1  }
0x330: {  	v8 =	vadd.f32 v20, v8;
	v62 =	vor.u32 $0x1, v6;
	v18 =	vld.idx.msk [tilespmem:v18+s22+$0x0], $0xffff  }
0x331: {  	v63 =	vor.u32 $0x2, v6;
	v15 =	vmul.f32 v15, v11;
	v14 =	vmul.f32 v14, v11;
	v22 =	vld.idx.msk [tilespmem:v24+s22+$0x0], $0xffff  }
0x332: {  	v29 =	vor.u32 $0x3, v6;
	v9 =	vmul.f32 v9, v11;
	v25 =	vmul.f32 v25, v4;
	v26 =	vld.idx.msk [tilespmem:v26+s22+$0x0], $0xffff  }
0x333: {  	v16 =	vmul.f32 v16, v11;
	v10 =	vadd.f32 v15, v10;
	v11 =	vadd.f32 v14, v13;
	v13 =	vld.idx.msk [tilespmem:v27+s22+$0x0], $0xffff  }
0x334: {  	v8 =	vadd.f32 v9, v8;
	v14 =	vmul.f32 v19, v25;
	v15 =	vmul.f32 v21, v25;
	v6 =	vld.idx.msk [tilespmem:v6+s29+$0x0], $0xffff  }
0x335: {  	v12 =	vadd.f32 v16, v12;
	v9 =	vmul.f32 v17, v25;
	v17 =	vld.idx.msk [tilespmem:v62+s29+$0x0], $0xffff;
	v16 =	vmul.f32 v28, v4  }
0x336: {  	v10 =	vadd.f32 v14, v10;
	v11 =	vadd.f32 v15, v11;
	v14 =	vld.idx.msk [tilespmem:v63+s29+$0x0], $0xffff;
	v19 =	vmul.f32 v23, v25  }
0x337: {  	v8 =	vadd.f32 v9, v8;
	v15 =	vmul.f32 v18, v16;
	v18 =	vld.idx.msk [tilespmem:v29+s29+$0x0], $0xffff;
	v9 =	vmul.f32 v22, v16  }
0x338: {  	v12 =	vadd.f32 v19, v12;
	v19 =	vmul.f32 v26, v16;
	v13 =	vmul.f32 v13, v16  }
0x339: {  	v8 =	vadd.f32 v15, v8;
	v9 =	vadd.f32 v9, v10  }
0x33a: {  	v10 =	vadd.f32 v19, v11;
	v11 =	vadd.f32 v13, v12  }
0x33b: {  	v6 =	vsub.f32 v8, v6;
	v8 =	vsub.f32 v9, v17  }
0x33c: {  	v9 =	vsub.f32 v10, v14;
	v10 =	vsub.f32 v11, v18;
	_ =	sdelay $0x1  }
0x33d: {  	v11 =	vmax.f32 v6, v8;
	v12 =	vmax.f32 v9, v10  }
0x33e: {  	v11 =	vmax.f32 v11, v12  }
0x33f: {  	v6 =	vsub.f32 v6, v11  }
0x340: {  	v8 =	vsub.f32 v8, v11  }
0x341: {  	v9 =	vsub.f32 v9, v11;
	v6 =	vmul.f32 $1.442695020e+00, v6  }
0x342: {  	v10 =	vsub.f32 v10, v11;
	v8 =	vmul.f32 $1.442695020e+00, v8  }
0x343: {  	(erf) = vpow2.f32 v6;
	v6 =	vmul.f32 $1.442695020e+00, v9  }
0x344: {  	(erf) = vpow2.f32 v8;
	v8 =	vmul.f32 $1.442695020e+00, v10  }
0x345: {  	(erf) = vpow2.f32 v6  }
0x346: {  	(erf) = vpow2.f32 v8;
	_ =	sdelay $0x5  }
0x347: {  	v6 =	vpop (erf)  }
0x348: {  	v8 =	vpop (erf)  }
0x349: {  	v12 =	vpop (erf)  }
0x34a: {  	v13 =	vpop (erf)  }
0x34b: {  	s18 =	simm.s32 $0x0;
	v9 =	vadd.f32 v8, v6;
	v10 =	vadd.f32 v13, v12  }
0x34c: {  	v11 =	vadd.s32 s18, v0  }
0x34d: {  	v9 =	vadd.f32 v10, v9;
	v10 =	vshll.u32 v11, $0x2  }
0x34e: {  	v14 =	vand.u32 $0x78, v10  }
0x34f: {  	(erf) = vrcp.f32 v9;
	v9 =	vand.u32 $0x4, v10;
	v10 =	vadd.s32 v5, v14  }
0x350: {  	v9 =	vor.u32 v9, v10  }
0x351: {  	v10 =	vor.u32 $0x1, v9;
	_ =	sdelay $0x1  }
0x352: {  	v14 =	vor.u32 $0x2, v9;
	_ =	sdelay $0x1  }
0x353: {  	v16 =	vor.u32 $0x3, v9;
	v15 =	vld.idx.msk [tilespmem:v9+s22+$0x0], $0xffff  }
0x354: {  	v17 =	vld.idx.msk [tilespmem:v10+s22+$0x0], $0xffff;
	_ =	sdelay $0x1  }
0x355: {  	v14 =	vld.idx.msk [tilespmem:v14+s22+$0x0], $0xffff;
	v18 =	vpop (erf)  }
0x356: {  	v9 =	vmul.f32 v18, v6;
	v10 =	vmul.f32 v18, v8  }
0x357: {  	s28 =	simm.s32 $0x1;
	v8 =	vmul.f32 v18, v12;
	v6 =	vmul.f32 v18, v13;
	v12 =	vld.idx.msk [tilespmem:v16+s22+$0x0], $0xffff  }
0x358: {  	s9 =	simm.s32 $0x2;
	v13 =	vadd.s32 s28, v0;
	v15 =	vmul.f32 v15, v9;
	v16 =	vmul.f32 v17, v10  }
.LBB2_18:
0x359: {  	p0 =	sne.s32 s9, $0x1F;
	v17 =	vshll.u32 v13, $0x2;
	v18 =	vand.u32 $0x1F, v11;
	v11 =	vmov v13  }
0x35a: {  	v14 =	vmul.f32 v14, v8;
	v13 =	vand.u32 $0x78, v17;
	v15 =	vadd.f32 v16, v15  }
0x35b: {  	v16 =	vand.u32 $0x4, v17;
	v17 =	vor.u32 v7, v18;
	v13 =	vadd.s32 v5, v13  }
0x35c: {  	v12 =	vmul.f32 v12, v6;
	v13 =	vor.u32 v16, v13;
	v14 =	vadd.f32 v14, v15  }
0x35d: {  	v15 =	vor.u32 $0x1, v13  }
0x35e: {  	v12 =	vadd.f32 v12, v14  }
0x35f: {  	v14 =	vor.u32 $0x2, v13  }
0x360: {  	[tilespmem:v17+s26+$0x0] =	vst.idx.msk $0xffff, v12  }
0x361: {  	v12 =	vor.u32 $0x3, v13;
	v16 =	vld.idx.msk [tilespmem:v13+s22+$0x0], $0xffff  }
0x362: {  	v17 =	vld.idx.msk [tilespmem:v15+s22+$0x0], $0xffff;
	_ =	sdelay $0x1  }
.Ltmp9:
0x363: {  	v14 =	vld.idx.msk [tilespmem:v14+s22+$0x0], $0xffff;
	(pc) =	sbr.rel @p0 .LBB2_18-.Ltmp9, $3  }
0x364: {  	_ = 	snop  }
0x365: {  	v12 =	vld.idx.msk [tilespmem:v12+s22+$0x0], $0xffff;
	_ =	sdelay $0x1  }
0x366: {  	v13 =	vadd.s32 s9, v0;
	s9 =	sadd.s32 $0x1, s9;
	v15 =	vmul.f32 v16, v9;
	v16 =	vmul.f32 v17, v10  }
0x367: {  	v17 =	vshll.u32 v13, $0x2;
	v11 =	vand.u32 $0x1F, v11  }
0x368: {  	v14 =	vmul.f32 v14, v8;
	v18 =	vand.u32 $0x78, v17;
	v15 =	vadd.f32 v16, v15  }
0x369: {  	v59 =	vand.u32 $0x4, v17;
	v11 =	vor.u32 v7, v11;
	v5 =	vadd.s32 v5, v18  }
0x36a: {  	v12 =	vmul.f32 v12, v6;
	v5 =	vor.u32 v59, v5;
	v14 =	vadd.f32 v14, v15  }
0x36b: {  	v60 =	vor.u32 $0x1, v5  }
0x36c: {  	v12 =	vadd.f32 v12, v14  }
0x36d: {  	v61 =	vor.u32 $0x2, v5  }
0x36e: {  	[tilespmem:v11+s26+$0x0] =	vst.idx.msk $0xffff, v12  }
0x36f: {  	v11 =	vld.idx.msk [tilespmem:v5+s22+$0x0], $0xffff;
	v5 =	vor.u32 $0x3, v5  }
0x370: {  	v12 =	vld.idx.msk [tilespmem:v60+s22+$0x0], $0xffff;
	_ =	sdelay $0x1  }
0x371: {  	v14 =	vld.idx.msk [tilespmem:v61+s22+$0x0], $0xffff;
	_ =	sdelay $0x1  }
0x372: {  	v5 =	vld.idx.msk [tilespmem:v5+s22+$0x0], $0xffff  }
0x373: {  	v9 =	vmul.f32 v11, v9;
	v10 =	vmul.f32 v12, v10;
	_ =	sdelay $0x1  }
0x374: {  	v62 =	vand.u32 $0x1F, v13;
	s12 =	sadd.s32 $0x1, s12;
	v63 =	vmul.f32 v14, v8;
	v9 =	vadd.f32 v10, v9  }
0x375: {  	v7 =	vor.u32 v7, v62;
	p0 =	sne.s32 s12, $0x8  }
.Ltmp10:
0x376: {  	v8 =	vadd.f32 v63, v9;
	v5 =	vmul.f32 v5, v6;
	(pc) =	sbr.rel @p0 .LBB2_13-.Ltmp10, $3  }
0x377: {  	_ = 	snop  }
0x378: {  	v5 =	vadd.f32 v5, v8;
	_ =	sdelay $0x1  }
0x379: {  	[tilespmem:v7+s26+$0x0] =	vst.idx.msk $0xffff, v5  }
.Ltmp11:
0x37a: {  	(pc) =	sbr.rel @p1 .LBB2_22-.Ltmp11, $4  }
0x37b: {  	_ = 	snop  }
0x37c: {  	s9 =	sshll.u32 s10, $0xA  }
0x37d: {  	s9 =	sadd.s32 s15, s9  }
0x37e: {  	[hbm4b:s9+s5] =	stream.linear.scatter [tilespmem:s26], [sflag:$0x6], $0x1000, $0x38;
	[tilespmem:$0x1E910] =	vst v63  }
0x37f: {  	s9 =	sadd.s32 $0x3, s11  }
0x380: {  	s11 =	sshll.u32 s9, $0x7;
	s9 =	sshll.u32 s9, $0xA  }
0x381: {  	[tilespmem:s31], [sflag:$0x4] =	stream.indirect.gather [hbm4b:s2+s19], $0x80, s11, s19, $0xb8;
	[tilespmem:$0x1E910] =	vst v63  }
0x382: {  	s9 =	sand.u32 $0x3FFFFC00, s9  }
0x383: {  	s12 =	sadd.s32 $0x1900, s9  }
0x384: {  	[tilespmem:s0], [sflag:$0x4] =	stream.indirect.gather.add.f32 [hbm:s8], $0x20, s12, s19, $0xb8;
	[tilespmem:$0x1E910] =	vst v63  }
0x385: {  	s28 =	sadd.s32 $0x1980, s9  }
0x386: {  	[tilespmem:s0], [sflag:$0x4] =	stream.indirect.gather.add.f32 [hbm:s8], $0x20, s28, s19, $0xb8;
	[tilespmem:$0x1E910] =	vst v63  }
0x387: {  	s14 =	sadd.s32 $0x1A00, s9  }
0x388: {  	[tilespmem:s0], [sflag:$0x4] =	stream.indirect.gather.add.f32 [hbm:s8], $0x20, s14, s19, $0xb8;
	[tilespmem:$0x1E910] =	vst v63  }
0x389: {  	s18 =	sadd.s32 $0x1A80, s9  }
0x38a: {  	[tilespmem:s0], [sflag:$0x4] =	stream.indirect.gather.add.f32 [hbm:s8], $0x20, s18, s19, $0xb8;
	[tilespmem:$0x1E910] =	vst v63  }
0x38b: {  	s28 =	sadd.s32 $0x1B00, s9  }
0x38c: {  	[tilespmem:s0], [sflag:$0x4] =	stream.indirect.gather.add.f32 [hbm:s8], $0x20, s28, s19, $0xb8;
	[tilespmem:$0x1E910] =	vst v63  }
0x38d: {  	s14 =	sadd.s32 $0x1B80, s9  }
0x38e: {  	[tilespmem:s0], [sflag:$0x4] =	stream.indirect.gather.add.f32 [hbm:s8], $0x20, s14, s19, $0xb8;
	[tilespmem:$0x1E910] =	vst v63  }
0x38f: {  	s18 =	sadd.s32 $0x1C00, s9  }
0x390: {  	[tilespmem:s0], [sflag:$0x4] =	stream.indirect.gather.add.f32 [hbm:s8], $0x20, s18, s19, $0xb8;
	[tilespmem:$0x1E910] =	vst v63  }
0x391: {  	s9 =	sadd.s32 $0x1C80, s9;
	s28 =	sadd.s32 $0xFFFFFFFF, s11  }
0x392: {  	[tilespmem:s0], [sflag:$0x4] =	stream.indirect.gather.add.f32 [hbm:s8], $0x20, s9, s19, $0xb8;
	[tilespmem:$0x1E910] =	vst v63  }
.Ltmp12:
0x393: {  	s11 =	sxor.u32 s28, s4;
	(pc) =	sbr.rel .LBB2_4-.Ltmp12, $4  }
0x394: {  	s11 =	sshrl.u32 s11, $0x1;
	s9 =	sor.u32 s28, s4  }
0x395: {  	s9 =	ssub.s32 s9, s11  }
0x396: {  	s10 =	sadd.s32 $0x1, s10;
	s9 =	sadd.s32 s6, s9  }
0x397: {  	[tilespmem:s29], [sflag:$0x2] =	stream.linear.gather [hbm4b:s9+s5], $0x200, $0x38;
	[tilespmem:$0x1E910] =	vst v63  }
.LBB2_23:
0x398: {  	_ =	sfence.sel $0x180000  }
0x399: {  	[bflag:$0x0] =	sbarrier.arrive $0xFFFF  }
0x39a: {  	_ =	strace $0x90000047  }
0x39b: {  	s0 =	stileid.u32;
	[bflag:$0x2] =	sbarrier.arrive $0xFFFF  }
0x39c: {  	p0 =	sne.s32 s0, $0x0;
	s0 =	rddreg [dreg:$0x3]  }
0x39d: {  	s0 =	sadd.s32 @!p0 $0x100000, s0  }
0x39e: {  	[sflag:s0] =	ssyncadd.tile.s32 @!p0 $0x1;
	_ =	shalt  }
.Lfunc_end2:
_tile_overlayer_lowered:
.L_overlay_start_2:
0x39f: {  	(tag) =	ssettag $0x2  }
0x3a0: {  	s0 =	rddreg [dreg:$0x0];
	s2 =	stileid.u32  }
0x3a1: {  	s1 =	rddreg [dreg:$0x1];
	p0 =	sne.s32 s2, $0x0  }
0x3a2: {  	s3 =	rddreg [dreg:$0x2];
	[bflag:$0x3] =	sbarrier.arrive $0xFFFF;
	s2 =	simm.s32 @!p0 $0x1C07  }
0x3a3: {  	[timem:s3], [sflag:s2] =	dma.local @!p0 [hbm:s0], s1  }
0x3a4: {  	s0 =	simm.s32 @!p0 $0x7  }
0x3a5: {  	_ =	swait.ge @!p0 [sflag:s0], s1  }
0x3a6: {  	s1 =	ssub.s32 @!p0 $0x0, s1;
	[sflag:s0] =	ssyncset.done @!p0 $0x0  }
0x3a7: {  	[sflag:s0] =	ssyncadd.s32 @!p0 s1  }
0x3a8: {  	[bflag:$0x3] =	sbarrier.arrive $0xFFFF  }
0x3a9: {  	_ =	shalt  }

</sc_bundles>
